<compile_context>
chip_gen: v7x
topology: tpu7x:2x2x1
jax: 0.10.2.dev20260603
libtpu: 0.0.44.dev20260713+nightly
codegen_flags: <defaults>
</compile_context>

<pallas_src>
import functools

import jax
import jax.numpy as jnp
from jax import lax
from jax.experimental import pallas as pl
from jax.experimental.pallas import tpu as pltpu
from jax.experimental.pallas import tpu_sc as plsc

N = 10000
E = 320000
NC = 2
NS = 16
EPW = E // (NC * NS)
EK = 200
NPAD = 10240
ROWS_PER_TILE = NPAD // NS
RCHUNK = 128
DEG_PAD = 10240
DEG_CHUNK = DEG_PAD // NS

_MESH = plsc.VectorSubcoreMesh(core_axis_name="c", subcore_axis_name="s")



@functools.partial(
    pl.kernel,
    out_type=jax.ShapeDtypeStruct((NC * DEG_PAD,), jnp.float32),
    mesh=_MESH,
    scratch_types=[
        pltpu.VMEM((EK,), jnp.int32),
        pltpu.VMEM((EK,), jnp.float32),
        pltpu.VMEM((DEG_CHUNK,), jnp.float32),
        pltpu.VMEM_SHARED((DEG_PAD,), jnp.float32),
    ],
)
def _deg_kernel(dst_hbm, ones_hbm, zeros_hbm, out_hbm, didx, ones_v, zb, shared):
    c = lax.axis_index("c")
    s = lax.axis_index("s")
    pltpu.sync_copy(zeros_hbm, zb)
    pltpu.sync_copy(zb, shared.at[pl.ds(s * DEG_CHUNK, DEG_CHUNK)])
    pltpu.sync_copy(ones_hbm, ones_v)
    plsc.subcore_barrier()
    base = (c * NS + s) * EPW

    def body(i, carry):
        pltpu.sync_copy(dst_hbm.at[pl.ds(base + i * EK, EK)], didx)
        pltpu.sync_copy(ones_v, shared.at[didx], add=True)
        return carry

    lax.fori_loop(0, EPW // EK, body, 0)
    plsc.subcore_barrier()
    pltpu.sync_copy(shared.at[pl.ds(s * DEG_CHUNK, DEG_CHUNK)], zb)
    pltpu.sync_copy(zb, out_hbm.at[pl.ds(c * DEG_PAD + s * DEG_CHUNK, DEG_CHUNK)])


def _make_agg_kernel(d):

    @functools.partial(
        pl.kernel,
        out_type=jax.ShapeDtypeStruct((NC, NPAD, d), jnp.float32),
        mesh=_MESH,
        scratch_types=[
            pltpu.VMEM((EK,), jnp.int32),
            pltpu.VMEM((EK,), jnp.int32),
            pltpu.VMEM((EK, d), jnp.float32),
            pltpu.VMEM((RCHUNK, d), jnp.float32),
            pltpu.VMEM_SHARED((NPAD, d), jnp.float32),
            pltpu.SemaphoreType.DMA,
        ],
    )
    def agg(g_hbm, src_hbm, dst_hbm, zeros_hbm, out_hbm,
            sidx, didx, rows, zb, shared, sem):
        c = lax.axis_index("c")
        s = lax.axis_index("s")
        pltpu.sync_copy(zeros_hbm, zb)
        for j in range(ROWS_PER_TILE // RCHUNK):
            pltpu.sync_copy(
                zb, shared.at[pl.ds(s * ROWS_PER_TILE + j * RCHUNK, RCHUNK)])
        plsc.subcore_barrier()
        base = (c * NS + s) * EPW

        def body(i, carry):
            e = base + i * EK
            pltpu.sync_copy(src_hbm.at[pl.ds(e, EK)], sidx)
            pltpu.sync_copy(dst_hbm.at[pl.ds(e, EK)], didx)
            pltpu.async_copy(g_hbm.at[sidx], rows, sem).wait()
            pltpu.sync_copy(rows, shared.at[didx], add=True)
            return carry

        lax.fori_loop(0, EPW // EK, body, 0)
        plsc.subcore_barrier()
        for j in range(ROWS_PER_TILE // RCHUNK):
            r = s * ROWS_PER_TILE + j * RCHUNK
            pltpu.sync_copy(shared.at[pl.ds(r, RCHUNK)], zb)
            pltpu.sync_copy(zb, out_hbm.at[c, pl.ds(r, RCHUNK)])

    return agg


_agg128 = _make_agg_kernel(128)



BM = 2000


def _dinv_body(deg_ref, out_ref):
    d = deg_ref[:, 0:1] + deg_ref[:, 1:2] + 1.0
    out_ref[...] = lax.rsqrt(d)


def _dinv(deg_t):
    return pl.pallas_call(
        _dinv_body,
        grid=(N // BM,),
        in_specs=[pl.BlockSpec((BM, 2), lambda i: (i, 0))],
        out_specs=pl.BlockSpec((BM, 1), lambda i: (i, 0)),
        out_shape=jax.ShapeDtypeStruct((N, 1), jnp.float32),
    )(deg_t)


def _mm1_body(x_ref, w_ref, dinv_ref, out_ref):
    h = jnp.dot(x_ref[...], w_ref[...], preferred_element_type=jnp.float32)
    out_ref[...] = dinv_ref[...] * h


def _mm1(x, w, dinv):
    k, n_out = w.shape
    return pl.pallas_call(
        _mm1_body,
        grid=(N // BM,),
        in_specs=[
            pl.BlockSpec((BM, k), lambda i: (i, 0)),
            pl.BlockSpec((k, n_out), lambda i: (0, 0)),
            pl.BlockSpec((BM, 1), lambda i: (i, 0)),
        ],
        out_specs=pl.BlockSpec((BM, n_out), lambda i: (i, 0)),
        out_shape=jax.ShapeDtypeStruct((N, n_out), jnp.float32),
    )(x, w, dinv)


def _mm2_body(p_ref, g_ref, dinv_ref, b_ref, w_ref, out_ref):
    dinv = dinv_ref[...]
    agg = p_ref[0] + p_ref[1] + g_ref[...]
    h = jnp.maximum(dinv * agg + b_ref[...], 0.0)
    out_ref[...] = dinv * jnp.dot(h, w_ref[...],
                                  preferred_element_type=jnp.float32)


def _mm2(p, g, dinv, b, w):
    k, n_out = w.shape
    return pl.pallas_call(
        _mm2_body,
        grid=(N // BM,),
        in_specs=[
            pl.BlockSpec((2, BM, k), lambda i: (0, i, 0)),
            pl.BlockSpec((BM, k), lambda i: (i, 0)),
            pl.BlockSpec((BM, 1), lambda i: (i, 0)),
            pl.BlockSpec((1, k), lambda i: (0, 0)),
            pl.BlockSpec((k, n_out), lambda i: (0, 0)),
        ],
        out_specs=pl.BlockSpec((BM, n_out), lambda i: (i, 0)),
        out_shape=jax.ShapeDtypeStruct((N, n_out), jnp.float32),
    )(p, g, dinv, b, w)


def _fin_body(p_ref, g_ref, dinv_ref, b_ref, out_ref):
    d = out_ref.shape[1]
    agg = p_ref[0, :, :d] + p_ref[1, :, :d] + g_ref[:, :d]
    out_ref[...] = dinv_ref[...] * agg + b_ref[...]


def _fin(p, g, dinv, b):
    d = b.shape[1]
    return pl.pallas_call(
        _fin_body,
        grid=(N // BM,),
        in_specs=[
            pl.BlockSpec((2, BM, 128), lambda i: (0, i, 0)),
            pl.BlockSpec((BM, 128), lambda i: (i, 0)),
            pl.BlockSpec((BM, 1), lambda i: (i, 0)),
            pl.BlockSpec((1, d), lambda i: (0, 0)),
        ],
        out_specs=pl.BlockSpec((BM, d), lambda i: (i, 0)),
        out_shape=jax.ShapeDtypeStruct((N, d), jnp.float32),
    )(p, g, dinv, b)



def kernel(x, adj, W1, b1, Wx, bx, W2, b2):
    src = adj[0]
    dst = adj[1]

    ones_ek = jnp.ones((EK,), jnp.float32)
    zeros_deg = jnp.zeros((DEG_CHUNK,), jnp.float32)
    zeros128 = jnp.zeros((RCHUNK, 128), jnp.float32)
    W2p = jnp.pad(W2, ((0, 0), (0, 128 - W2.shape[1])))

    deg_flat = _deg_kernel(dst, ones_ek, zeros_deg)
    deg_pair = deg_flat.reshape(NC, DEG_PAD)
    deg_t = jnp.transpose(deg_pair[:, :N])
    dinv = _dinv(deg_t)

    g1 = _mm1(x, W1, dinv)
    p1 = _agg128(g1, src, dst, zeros128)
    g2 = _mm2(p1, g1, dinv, b1.reshape(1, -1), Wx)
    p2 = _agg128(g2, src, dst, zeros128)
    g3 = _mm2(p2, g2, dinv, bx.reshape(1, -1), W2p)
    p3 = _agg128(g3, src, dst, zeros128)
    return _fin(p3, g3, dinv, b2.reshape(1, -1))

# --- scband reference (transcript-rebuilt; emitter-appended) ---
"""Pipeline reference for scband-stand-gcnx-15839839387791 (READ-ONLY COPY).

The authoritative reference and input builder live on the scoring server;
editing this copy changes nothing except your own understanding.
"""

import jax, jax.numpy as jnp
import numpy as np

N = 10000
E = 320000
NFEAT = 128
NHID = 128
NCLASS = 64


def _glorot(key, shape):
    lim = np.sqrt(6.0 / (shape[0] + shape[1]))
    return jax.random.uniform(key, shape, dtype=jnp.float32, minval=-lim, maxval=lim)


def setup_inputs(seed: int = 0):
    key = jax.random.key(seed)
    ks = jax.random.split(key, 8)
    x = jax.random.normal(ks[0], (N, NFEAT), dtype=jnp.float32)
    adj = jax.random.randint(ks[1], (2, E), 0, N, dtype=jnp.int32)
    W1 = _glorot(ks[2], (NFEAT, NHID))
    b1 = jnp.zeros((NHID,), dtype=jnp.float32)
    Wx = _glorot(ks[3], (NHID, NHID))
    bx = jnp.zeros((NHID,), dtype=jnp.float32)
    W2 = _glorot(ks[4], (NHID, NCLASS))
    b2 = jnp.zeros((NCLASS,), dtype=jnp.float32)
    return {"x": x, "adj": adj, "W1": W1, "b1": b1, "Wx": Wx, "bx": bx, "W2": W2, "b2": b2}


def _gcn_conv(x, src, dst, W, b, n):
    # linear transform
    h = x @ W
    # add self loops
    loop = jnp.arange(n, dtype=src.dtype)
    s = jnp.concatenate([src, loop])
    d = jnp.concatenate([dst, loop])
    # symmetric normalization: deg computed on target nodes
    deg = jnp.zeros((n,), dtype=h.dtype).at[d].add(1.0)
    dinv = jnp.where(deg > 0, jax.lax.rsqrt(deg), 0.0)
    norm = dinv[s] * dinv[d]
    # gather messages from source nodes, scale, scatter-add to targets
    msg = h[s] * norm[:, None]
    out = jnp.zeros((n, h.shape[1]), dtype=h.dtype).at[d].add(msg)
    return out + b


def reference(x, adj, W1, b1, Wx, bx, W2, b2):
    src = adj[0]
    dst = adj[1]
    n = x.shape[0]
    h = jax.nn.relu(_gcn_conv(x, src, dst, W1, b1, n))
    # nlayer=3 -> one hidden GCN layer; dropout is identity in eval mode
    h = jax.nn.relu(_gcn_conv(h, src, dst, Wx, bx, n))
    out = _gcn_conv(h, src, dst, W2, b2, n)
    return out

if __name__ == "__main__":
    import jax
    _d = setup_inputs()
    print(jax.jit(kernel)(*tuple(_d.values())))

</pallas_src>

<mosaic_0001>
#map = affine_map<(d0, d1) -> (0)>
module attributes {stable_mosaic.version = 14 : i64} {
  func.func @_deg_kernel(%arg0: i32, %arg1: i32, %arg2: memref<320000xi32, #tpu.memory_space<hbm>>, %arg3: memref<200xf32, #tpu.memory_space<hbm>>, %arg4: memref<640xf32, #tpu.memory_space<hbm>>, %arg5: memref<20480xf32, #tpu.memory_space<hbm>>, %arg6: memref<200xi32, #tpu.memory_space<vmem>>, %arg7: memref<200xf32, #tpu.memory_space<vmem>>, %arg8: memref<640xf32, #tpu.memory_space<vmem>>, %arg9: memref<10240xf32, #tpu.memory_space<vmem_shared>>) attributes {dimension_semantics = [#tpu.dimension_semantics<core_parallel>, #tpu.dimension_semantics<subcore_parallel>], iteration_bounds = array<i64: 2, 16>, scalar_prefetch = 0 : i64, scratch_operands = 4 : i64, tpu.core_type = #tpu.core_type<sc_vector_subcore>, window_params = [{transform_indices = #map}, {transform_indices = #map}, {transform_indices = #map}, {transform_indices = #map}]} {
    "tpu.region"() ({
      %run_scoped3A = tpu.sem_alloc : memref<!tpu.dma_semaphore, #tpu.memory_space<semaphore_mem>>
      tpu.enqueue_dma source(%arg4 : memref<640xf32, #tpu.memory_space<hbm>>) target(%arg8 : memref<640xf32, #tpu.memory_space<vmem>>) target_semaphore(%run_scoped3A : memref<!tpu.dma_semaphore, #tpu.memory_space<semaphore_mem>>)
      tpu.wait_dma2 semaphore(%run_scoped3A : memref<!tpu.dma_semaphore, #tpu.memory_space<semaphore_mem>>) src(%arg4 : memref<640xf32, #tpu.memory_space<hbm>>) dst(%arg8 : memref<640xf32, #tpu.memory_space<vmem>>)
      tpu.yield
    }) : () -> ()
    %mul3A = arith.constant 640 : i32
    %mul3A_0 = arith.muli %arg1, %mul3A : i32
    "tpu.region"() ({
      %run_scoped3A = tpu.sem_alloc : memref<!tpu.dma_semaphore, #tpu.memory_space<semaphore_mem>>
      %dma_start3A = tpu.memref_slice %arg9[%mul3A_0] : memref<10240xf32, #tpu.memory_space<vmem_shared>> -> memref<640xf32, #tpu.memory_space<vmem_shared>>
      %dma_start3A_18 = tpu.memref_slice %arg9[%mul3A_0] : memref<10240xf32, #tpu.memory_space<vmem_shared>> -> memref<640xf32, #tpu.memory_space<vmem_shared>>
      tpu.enqueue_dma source(%arg8 : memref<640xf32, #tpu.memory_space<vmem>>) target(%dma_start3A_18 : memref<640xf32, #tpu.memory_space<vmem_shared>>) target_semaphore(%run_scoped3A : memref<!tpu.dma_semaphore, #tpu.memory_space<semaphore_mem>>)
      %dma_wait3A = tpu.memref_slice %arg9[%mul3A_0] : memref<10240xf32, #tpu.memory_space<vmem_shared>> -> memref<640xf32, #tpu.memory_space<vmem_shared>>
      %dma_wait3A_19 = tpu.memref_slice %arg9[%mul3A_0] : memref<10240xf32, #tpu.memory_space<vmem_shared>> -> memref<640xf32, #tpu.memory_space<vmem_shared>>
      tpu.wait_dma2 semaphore(%run_scoped3A : memref<!tpu.dma_semaphore, #tpu.memory_space<semaphore_mem>>) src(%arg8 : memref<640xf32, #tpu.memory_space<vmem>>) dst(%dma_wait3A_19 : memref<640xf32, #tpu.memory_space<vmem_shared>>)
      tpu.yield
    }) : () -> ()
    "tpu.region"() ({
      %run_scoped3A = tpu.sem_alloc : memref<!tpu.dma_semaphore, #tpu.memory_space<semaphore_mem>>
      tpu.enqueue_dma source(%arg3 : memref<200xf32, #tpu.memory_space<hbm>>) target(%arg7 : memref<200xf32, #tpu.memory_space<vmem>>) target_semaphore(%run_scoped3A : memref<!tpu.dma_semaphore, #tpu.memory_space<semaphore_mem>>)
      tpu.wait_dma2 semaphore(%run_scoped3A : memref<!tpu.dma_semaphore, #tpu.memory_space<semaphore_mem>>) src(%arg3 : memref<200xf32, #tpu.memory_space<hbm>>) dst(%arg7 : memref<200xf32, #tpu.memory_space<vmem>>)
      tpu.yield
    }) : () -> ()
    %barrier3A = arith.constant 0 : index
    tpu.barrier barrier_id(%barrier3A)
    %mul3A_1 = arith.constant 16 : i32
    %mul3A_2 = arith.muli %arg0, %mul3A_1 : i32
    %add3A = arith.addi %mul3A_2, %arg1 : i32
    %mul3A_3 = arith.constant 10000 : i32
    %mul3A_4 = arith.muli %add3A, %mul3A_3 : i32
    %scan3A = arith.constant 0 : i32
    %scan3A_5 = arith.constant 0 : i32
    %scan3A_6 = arith.constant 50 : i32
    %scan3A_7 = arith.addi %scan3A_5, %scan3A_6 : i32
    %scan3A_8 = arith.constant 1 : i32
    scf.for %scan3A_18 = %scan3A_5 to %scan3A_7 step %scan3A_8  : i32 {
      %mul3A_19 = arith.constant 200 : i32
      %mul3A_20 = arith.muli %scan3A_18, %mul3A_19 : i32
      %add3A_21 = arith.addi %mul3A_4, %mul3A_20 : i32
      "tpu.region"() ({
        %run_scoped3A = tpu.sem_alloc : memref<!tpu.dma_semaphore, #tpu.memory_space<semaphore_mem>>
        %dma_start3A = tpu.memref_slice %arg2[%add3A_21] : memref<320000xi32, #tpu.memory_space<hbm>> -> memref<200xi32, #tpu.memory_space<hbm>>
        %dma_start3A_22 = tpu.memref_slice %arg2[%add3A_21] : memref<320000xi32, #tpu.memory_space<hbm>> -> memref<200xi32, #tpu.memory_space<hbm>>
        tpu.enqueue_dma source(%dma_start3A_22 : memref<200xi32, #tpu.memory_space<hbm>>) target(%arg6 : memref<200xi32, #tpu.memory_space<vmem>>) target_semaphore(%run_scoped3A : memref<!tpu.dma_semaphore, #tpu.memory_space<semaphore_mem>>)
        %dma_wait3A = tpu.memref_slice %arg2[%add3A_21] : memref<320000xi32, #tpu.memory_space<hbm>> -> memref<200xi32, #tpu.memory_space<hbm>>
        %dma_wait3A_23 = tpu.memref_slice %arg2[%add3A_21] : memref<320000xi32, #tpu.memory_space<hbm>> -> memref<200xi32, #tpu.memory_space<hbm>>
        tpu.wait_dma2 semaphore(%run_scoped3A : memref<!tpu.dma_semaphore, #tpu.memory_space<semaphore_mem>>) src(%dma_wait3A_23 : memref<200xi32, #tpu.memory_space<hbm>>) dst(%arg6 : memref<200xi32, #tpu.memory_space<vmem>>)
        tpu.yield
      }) : () -> ()
      "tpu.region"() ({
        %run_scoped3A = tpu.sem_alloc : memref<!tpu.dma_semaphore, #tpu.memory_space<semaphore_mem>>
        %dma_start3A = arith.constant 0 : i32
        %dma_start3A_22 = tpu.memref_slice %arg9[%dma_start3A] : memref<10240xf32, #tpu.memory_space<vmem_shared>> -> memref<10240xf32, #tpu.memory_space<vmem_shared>>
        tpu.enqueue_indirect_dma source(%arg7 : memref<200xf32, #tpu.memory_space<vmem>>) target(%dma_start3A_22 : memref<10240xf32, #tpu.memory_space<vmem_shared>>) offsets(%arg6 : memref<200xi32, #tpu.memory_space<vmem>>) semaphore(%run_scoped3A : memref<!tpu.dma_semaphore, #tpu.memory_space<semaphore_mem>>) {add = true}
        %dma_wait3A = arith.constant 0 : i32
        %dma_wait3A_23 = tpu.memref_slice %arg9[%dma_wait3A] : memref<10240xf32, #tpu.memory_space<vmem_shared>> -> memref<10240xf32, #tpu.memory_space<vmem_shared>>
        tpu.wait_indirect_dma semaphore(%run_scoped3A : memref<!tpu.dma_semaphore, #tpu.memory_space<semaphore_mem>>) src(%arg7 : memref<200xf32, #tpu.memory_space<vmem>>) dst(%dma_wait3A_23 : memref<10240xf32, #tpu.memory_space<vmem_shared>>)
        tpu.yield
      }) : () -> ()
    }
    %scan3A_9 = arith.constant 50 : i32
    %barrier3A_10 = arith.constant 0 : index
    tpu.barrier barrier_id(%barrier3A_10)
    %mul3A_11 = arith.constant 640 : i32
    %mul3A_12 = arith.muli %arg1, %mul3A_11 : i32
    "tpu.region"() ({
      %run_scoped3A = tpu.sem_alloc : memref<!tpu.dma_semaphore, #tpu.memory_space<semaphore_mem>>
      %dma_start3A = tpu.memref_slice %arg9[%mul3A_12] : memref<10240xf32, #tpu.memory_space<vmem_shared>> -> memref<640xf32, #tpu.memory_space<vmem_shared>>
      %dma_start3A_18 = tpu.memref_slice %arg9[%mul3A_12] : memref<10240xf32, #tpu.memory_space<vmem_shared>> -> memref<640xf32, #tpu.memory_space<vmem_shared>>
      tpu.enqueue_dma source(%dma_start3A_18 : memref<640xf32, #tpu.memory_space<vmem_shared>>) target(%arg8 : memref<640xf32, #tpu.memory_space<vmem>>) target_semaphore(%run_scoped3A : memref<!tpu.dma_semaphore, #tpu.memory_space<semaphore_mem>>)
      %dma_wait3A = tpu.memref_slice %arg9[%mul3A_12] : memref<10240xf32, #tpu.memory_space<vmem_shared>> -> memref<640xf32, #tpu.memory_space<vmem_shared>>
      %dma_wait3A_19 = tpu.memref_slice %arg9[%mul3A_12] : memref<10240xf32, #tpu.memory_space<vmem_shared>> -> memref<640xf32, #tpu.memory_space<vmem_shared>>
      tpu.wait_dma2 semaphore(%run_scoped3A : memref<!tpu.dma_semaphore, #tpu.memory_space<semaphore_mem>>) src(%dma_wait3A_19 : memref<640xf32, #tpu.memory_space<vmem_shared>>) dst(%arg8 : memref<640xf32, #tpu.memory_space<vmem>>)
      tpu.yield
    }) : () -> ()
    %mul3A_13 = arith.constant 10240 : i32
    %mul3A_14 = arith.muli %arg0, %mul3A_13 : i32
    %mul3A_15 = arith.constant 640 : i32
    %mul3A_16 = arith.muli %arg1, %mul3A_15 : i32
    %add3A_17 = arith.addi %mul3A_14, %mul3A_16 : i32
    "tpu.region"() ({
      %run_scoped3A = tpu.sem_alloc : memref<!tpu.dma_semaphore, #tpu.memory_space<semaphore_mem>>
      %dma_start3A = tpu.memref_slice %arg5[%add3A_17] : memref<20480xf32, #tpu.memory_space<hbm>> -> memref<640xf32, #tpu.memory_space<hbm>>
      %dma_start3A_18 = tpu.memref_slice %arg5[%add3A_17] : memref<20480xf32, #tpu.memory_space<hbm>> -> memref<640xf32, #tpu.memory_space<hbm>>
      tpu.enqueue_dma source(%arg8 : memref<640xf32, #tpu.memory_space<vmem>>) target(%dma_start3A_18 : memref<640xf32, #tpu.memory_space<hbm>>) target_semaphore(%run_scoped3A : memref<!tpu.dma_semaphore, #tpu.memory_space<semaphore_mem>>)
      %dma_wait3A = tpu.memref_slice %arg5[%add3A_17] : memref<20480xf32, #tpu.memory_space<hbm>> -> memref<640xf32, #tpu.memory_space<hbm>>
      %dma_wait3A_19 = tpu.memref_slice %arg5[%add3A_17] : memref<20480xf32, #tpu.memory_space<hbm>> -> memref<640xf32, #tpu.memory_space<hbm>>
      tpu.wait_dma2 semaphore(%run_scoped3A : memref<!tpu.dma_semaphore, #tpu.memory_space<semaphore_mem>>) src(%arg8 : memref<640xf32, #tpu.memory_space<vmem>>) dst(%dma_wait3A_19 : memref<640xf32, #tpu.memory_space<hbm>>)
      tpu.yield
    }) : () -> ()
    return
  }
}

#map = affine_map<(d0, d1) -> (0, 0)>
#map1 = affine_map<(d0, d1) -> (0)>
#map2 = affine_map<(d0, d1) -> (0, 0, 0)>
module attributes {stable_mosaic.version = 14 : i64} {
  func.func @agg(%arg0: i32, %arg1: i32, %arg2: memref<10000x128xf32, #tpu.memory_space<hbm>>, %arg3: memref<320000xi32, #tpu.memory_space<hbm>>, %arg4: memref<320000xi32, #tpu.memory_space<hbm>>, %arg5: memref<128x128xf32, #tpu.memory_space<hbm>>, %arg6: memref<2x10240x128xf32, #tpu.memory_space<hbm>>, %arg7: memref<200xi32, #tpu.memory_space<vmem>>, %arg8: memref<200xi32, #tpu.memory_space<vmem>>, %arg9: memref<200x128xf32, #tpu.memory_space<vmem>>, %arg10: memref<128x128xf32, #tpu.memory_space<vmem>>, %arg11: memref<10240x128xf32, #tpu.memory_space<vmem_shared>>, %arg12: memref<!tpu.dma_semaphore, #tpu.memory_space<semaphore_mem>>) attributes {dimension_semantics = [#tpu.dimension_semantics<core_parallel>, #tpu.dimension_semantics<subcore_parallel>], iteration_bounds = array<i64: 2, 16>, scalar_prefetch = 0 : i64, scratch_operands = 6 : i64, tpu.core_type = #tpu.core_type<sc_vector_subcore>, window_params = [{transform_indices = #map}, {transform_indices = #map1}, {transform_indices = #map1}, {transform_indices = #map}, {transform_indices = #map2}]} {
    "tpu.region"() ({
      %run_scoped3A = tpu.sem_alloc : memref<!tpu.dma_semaphore, #tpu.memory_space<semaphore_mem>>
      tpu.enqueue_dma source(%arg5 : memref<128x128xf32, #tpu.memory_space<hbm>>) target(%arg10 : memref<128x128xf32, #tpu.memory_space<vmem>>) target_semaphore(%run_scoped3A : memref<!tpu.dma_semaphore, #tpu.memory_space<semaphore_mem>>)
      tpu.wait_dma2 semaphore(%run_scoped3A : memref<!tpu.dma_semaphore, #tpu.memory_space<semaphore_mem>>) src(%arg5 : memref<128x128xf32, #tpu.memory_space<hbm>>) dst(%arg10 : memref<128x128xf32, #tpu.memory_space<vmem>>)
      tpu.yield
    }) : () -> ()
    %mul3A = arith.constant 640 : i32
    %mul3A_0 = arith.muli %arg1, %mul3A : i32
    %add3A = arith.constant 0 : i32
    %add3A_1 = arith.addi %mul3A_0, %add3A : i32
    "tpu.region"() ({
      %run_scoped3A = tpu.sem_alloc : memref<!tpu.dma_semaphore, #tpu.memory_space<semaphore_mem>>
      %dma_start3A = arith.constant 0 : i32
      %dma_start3A_49 = tpu.memref_slice %arg11[%add3A_1, %dma_start3A] : memref<10240x128xf32, #tpu.memory_space<vmem_shared>> -> memref<128x128xf32, #tpu.memory_space<vmem_shared>>
      %dma_start3A_50 = arith.constant 0 : i32
      %dma_start3A_51 = tpu.memref_slice %arg11[%add3A_1, %dma_start3A_50] : memref<10240x128xf32, #tpu.memory_space<vmem_shared>> -> memref<128x128xf32, #tpu.memory_space<vmem_shared>>
      tpu.enqueue_dma source(%arg10 : memref<128x128xf32, #tpu.memory_space<vmem>>) target(%dma_start3A_51 : memref<128x128xf32, #tpu.memory_space<vmem_shared>>) target_semaphore(%run_scoped3A : memref<!tpu.dma_semaphore, #tpu.memory_space<semaphore_mem>>)
      %dma_wait3A = arith.constant 0 : i32
      %dma_wait3A_52 = tpu.memref_slice %arg11[%add3A_1, %dma_wait3A] : memref<10240x128xf32, #tpu.memory_space<vmem_shared>> -> memref<128x128xf32, #tpu.memory_space<vmem_shared>>
      %dma_wait3A_53 = arith.constant 0 : i32
      %dma_wait3A_54 = tpu.memref_slice %arg11[%add3A_1, %dma_wait3A_53] : memref<10240x128xf32, #tpu.memory_space<vmem_shared>> -> memref<128x128xf32, #tpu.memory_space<vmem_shared>>
      tpu.wait_dma2 semaphore(%run_scoped3A : memref<!tpu.dma_semaphore, #tpu.memory_space<semaphore_mem>>) src(%arg10 : memref<128x128xf32, #tpu.memory_space<vmem>>) dst(%dma_wait3A_54 : memref<128x128xf32, #tpu.memory_space<vmem_shared>>)
      tpu.yield
    }) : () -> ()
    %mul3A_2 = arith.constant 640 : i32
    %mul3A_3 = arith.muli %arg1, %mul3A_2 : i32
    %add3A_4 = arith.constant 128 : i32
    %add3A_5 = arith.addi %mul3A_3, %add3A_4 : i32
    "tpu.region"() ({
      %run_scoped3A = tpu.sem_alloc : memref<!tpu.dma_semaphore, #tpu.memory_space<semaphore_mem>>
      %dma_start3A = arith.constant 0 : i32
      %dma_start3A_49 = tpu.memref_slice %arg11[%add3A_5, %dma_start3A] : memref<10240x128xf32, #tpu.memory_space<vmem_shared>> -> memref<128x128xf32, #tpu.memory_space<vmem_shared>>
      %dma_start3A_50 = arith.constant 0 : i32
      %dma_start3A_51 = tpu.memref_slice %arg11[%add3A_5, %dma_start3A_50] : memref<10240x128xf32, #tpu.memory_space<vmem_shared>> -> memref<128x128xf32, #tpu.memory_space<vmem_shared>>
      tpu.enqueue_dma source(%arg10 : memref<128x128xf32, #tpu.memory_space<vmem>>) target(%dma_start3A_51 : memref<128x128xf32, #tpu.memory_space<vmem_shared>>) target_semaphore(%run_scoped3A : memref<!tpu.dma_semaphore, #tpu.memory_space<semaphore_mem>>)
      %dma_wait3A = arith.constant 0 : i32
      %dma_wait3A_52 = tpu.memref_slice %arg11[%add3A_5, %dma_wait3A] : memref<10240x128xf32, #tpu.memory_space<vmem_shared>> -> memref<128x128xf32, #tpu.memory_space<vmem_shared>>
      %dma_wait3A_53 = arith.constant 0 : i32
      %dma_wait3A_54 = tpu.memref_slice %arg11[%add3A_5, %dma_wait3A_53] : memref<10240x128xf32, #tpu.memory_space<vmem_shared>> -> memref<128x128xf32, #tpu.memory_space<vmem_shared>>
      tpu.wait_dma2 semaphore(%run_scoped3A : memref<!tpu.dma_semaphore, #tpu.memory_space<semaphore_mem>>) src(%arg10 : memref<128x128xf32, #tpu.memory_space<vmem>>) dst(%dma_wait3A_54 : memref<128x128xf32, #tpu.memory_space<vmem_shared>>)
      tpu.yield
    }) : () -> ()
    %mul3A_6 = arith.constant 640 : i32
    %mul3A_7 = arith.muli %arg1, %mul3A_6 : i32
    %add3A_8 = arith.constant 256 : i32
    %add3A_9 = arith.addi %mul3A_7, %add3A_8 : i32
    "tpu.region"() ({
      %run_scoped3A = tpu.sem_alloc : memref<!tpu.dma_semaphore, #tpu.memory_space<semaphore_mem>>
      %dma_start3A = arith.constant 0 : i32
      %dma_start3A_49 = tpu.memref_slice %arg11[%add3A_9, %dma_start3A] : memref<10240x128xf32, #tpu.memory_space<vmem_shared>> -> memref<128x128xf32, #tpu.memory_space<vmem_shared>>
      %dma_start3A_50 = arith.constant 0 : i32
      %dma_start3A_51 = tpu.memref_slice %arg11[%add3A_9, %dma_start3A_50] : memref<10240x128xf32, #tpu.memory_space<vmem_shared>> -> memref<128x128xf32, #tpu.memory_space<vmem_shared>>
      tpu.enqueue_dma source(%arg10 : memref<128x128xf32, #tpu.memory_space<vmem>>) target(%dma_start3A_51 : memref<128x128xf32, #tpu.memory_space<vmem_shared>>) target_semaphore(%run_scoped3A : memref<!tpu.dma_semaphore, #tpu.memory_space<semaphore_mem>>)
      %dma_wait3A = arith.constant 0 : i32
      %dma_wait3A_52 = tpu.memref_slice %arg11[%add3A_9, %dma_wait3A] : memref<10240x128xf32, #tpu.memory_space<vmem_shared>> -> memref<128x128xf32, #tpu.memory_space<vmem_shared>>
      %dma_wait3A_53 = arith.constant 0 : i32
      %dma_wait3A_54 = tpu.memref_slice %arg11[%add3A_9, %dma_wait3A_53] : memref<10240x128xf32, #tpu.memory_space<vmem_shared>> -> memref<128x128xf32, #tpu.memory_space<vmem_shared>>
      tpu.wait_dma2 semaphore(%run_scoped3A : memref<!tpu.dma_semaphore, #tpu.memory_space<semaphore_mem>>) src(%arg10 : memref<128x128xf32, #tpu.memory_space<vmem>>) dst(%dma_wait3A_54 : memref<128x128xf32, #tpu.memory_space<vmem_shared>>)
      tpu.yield
    }) : () -> ()
    %mul3A_10 = arith.constant 640 : i32
    %mul3A_11 = arith.muli %arg1, %mul3A_10 : i32
    %add3A_12 = arith.constant 384 : i32
    %add3A_13 = arith.addi %mul3A_11, %add3A_12 : i32
    "tpu.region"() ({
      %run_scoped3A = tpu.sem_alloc : memref<!tpu.dma_semaphore, #tpu.memory_space<semaphore_mem>>
      %dma_start3A = arith.constant 0 : i32
      %dma_start3A_49 = tpu.memref_slice %arg11[%add3A_13, %dma_start3A] : memref<10240x128xf32, #tpu.memory_space<vmem_shared>> -> memref<128x128xf32, #tpu.memory_space<vmem_shared>>
      %dma_start3A_50 = arith.constant 0 : i32
      %dma_start3A_51 = tpu.memref_slice %arg11[%add3A_13, %dma_start3A_50] : memref<10240x128xf32, #tpu.memory_space<vmem_shared>> -> memref<128x128xf32, #tpu.memory_space<vmem_shared>>
      tpu.enqueue_dma source(%arg10 : memref<128x128xf32, #tpu.memory_space<vmem>>) target(%dma_start3A_51 : memref<128x128xf32, #tpu.memory_space<vmem_shared>>) target_semaphore(%run_scoped3A : memref<!tpu.dma_semaphore, #tpu.memory_space<semaphore_mem>>)
      %dma_wait3A = arith.constant 0 : i32
      %dma_wait3A_52 = tpu.memref_slice %arg11[%add3A_13, %dma_wait3A] : memref<10240x128xf32, #tpu.memory_space<vmem_shared>> -> memref<128x128xf32, #tpu.memory_space<vmem_shared>>
      %dma_wait3A_53 = arith.constant 0 : i32
      %dma_wait3A_54 = tpu.memref_slice %arg11[%add3A_13, %dma_wait3A_53] : memref<10240x128xf32, #tpu.memory_space<vmem_shared>> -> memref<128x128xf32, #tpu.memory_space<vmem_shared>>
      tpu.wait_dma2 semaphore(%run_scoped3A : memref<!tpu.dma_semaphore, #tpu.memory_space<semaphore_mem>>) src(%arg10 : memref<128x128xf32, #tpu.memory_space<vmem>>) dst(%dma_wait3A_54 : memref<128x128xf32, #tpu.memory_space<vmem_shared>>)
      tpu.yield
    }) : () -> ()
    %mul3A_14 = arith.constant 640 : i32
    %mul3A_15 = arith.muli %arg1, %mul3A_14 : i32
    %add3A_16 = arith.constant 512 : i32
    %add3A_17 = arith.addi %mul3A_15, %add3A_16 : i32
    "tpu.region"() ({
      %run_scoped3A = tpu.sem_alloc : memref<!tpu.dma_semaphore, #tpu.memory_space<semaphore_mem>>
      %dma_start3A = arith.constant 0 : i32
      %dma_start3A_49 = tpu.memref_slice %arg11[%add3A_17, %dma_start3A] : memref<10240x128xf32, #tpu.memory_space<vmem_shared>> -> memref<128x128xf32, #tpu.memory_space<vmem_shared>>
      %dma_start3A_50 = arith.constant 0 : i32
      %dma_start3A_51 = tpu.memref_slice %arg11[%add3A_17, %dma_start3A_50] : memref<10240x128xf32, #tpu.memory_space<vmem_shared>> -> memref<128x128xf32, #tpu.memory_space<vmem_shared>>
      tpu.enqueue_dma source(%arg10 : memref<128x128xf32, #tpu.memory_space<vmem>>) target(%dma_start3A_51 : memref<128x128xf32, #tpu.memory_space<vmem_shared>>) target_semaphore(%run_scoped3A : memref<!tpu.dma_semaphore, #tpu.memory_space<semaphore_mem>>)
      %dma_wait3A = arith.constant 0 : i32
      %dma_wait3A_52 = tpu.memref_slice %arg11[%add3A_17, %dma_wait3A] : memref<10240x128xf32, #tpu.memory_space<vmem_shared>> -> memref<128x128xf32, #tpu.memory_space<vmem_shared>>
      %dma_wait3A_53 = arith.constant 0 : i32
      %dma_wait3A_54 = tpu.memref_slice %arg11[%add3A_17, %dma_wait3A_53] : memref<10240x128xf32, #tpu.memory_space<vmem_shared>> -> memref<128x128xf32, #tpu.memory_space<vmem_shared>>
      tpu.wait_dma2 semaphore(%run_scoped3A : memref<!tpu.dma_semaphore, #tpu.memory_space<semaphore_mem>>) src(%arg10 : memref<128x128xf32, #tpu.memory_space<vmem>>) dst(%dma_wait3A_54 : memref<128x128xf32, #tpu.memory_space<vmem_shared>>)
      tpu.yield
    }) : () -> ()
    %barrier3A = arith.constant 0 : index
    tpu.barrier barrier_id(%barrier3A)
    %mul3A_18 = arith.constant 16 : i32
    %mul3A_19 = arith.muli %arg0, %mul3A_18 : i32
    %add3A_20 = arith.addi %mul3A_19, %arg1 : i32
    %mul3A_21 = arith.constant 10000 : i32
    %mul3A_22 = arith.muli %add3A_20, %mul3A_21 : i32
    %scan3A = arith.constant 0 : i32
    %scan3A_23 = arith.constant 0 : i32
    %scan3A_24 = arith.constant 50 : i32
    %scan3A_25 = arith.addi %scan3A_23, %scan3A_24 : i32
    %scan3A_26 = arith.constant 1 : i32
    scf.for %scan3A_49 = %scan3A_23 to %scan3A_25 step %scan3A_26  : i32 {
      %mul3A_50 = arith.constant 200 : i32
      %mul3A_51 = arith.muli %scan3A_49, %mul3A_50 : i32
      %add3A_52 = arith.addi %mul3A_22, %mul3A_51 : i32
      "tpu.region"() ({
        %run_scoped3A = tpu.sem_alloc : memref<!tpu.dma_semaphore, #tpu.memory_space<semaphore_mem>>
        %dma_start3A_57 = tpu.memref_slice %arg3[%add3A_52] : memref<320000xi32, #tpu.memory_space<hbm>> -> memref<200xi32, #tpu.memory_space<hbm>>
        %dma_start3A_58 = tpu.memref_slice %arg3[%add3A_52] : memref<320000xi32, #tpu.memory_space<hbm>> -> memref<200xi32, #tpu.memory_space<hbm>>
        tpu.enqueue_dma source(%dma_start3A_58 : memref<200xi32, #tpu.memory_space<hbm>>) target(%arg7 : memref<200xi32, #tpu.memory_space<vmem>>) target_semaphore(%run_scoped3A : memref<!tpu.dma_semaphore, #tpu.memory_space<semaphore_mem>>)
        %dma_wait3A_59 = tpu.memref_slice %arg3[%add3A_52] : memref<320000xi32, #tpu.memory_space<hbm>> -> memref<200xi32, #tpu.memory_space<hbm>>
        %dma_wait3A_60 = tpu.memref_slice %arg3[%add3A_52] : memref<320000xi32, #tpu.memory_space<hbm>> -> memref<200xi32, #tpu.memory_space<hbm>>
        tpu.wait_dma2 semaphore(%run_scoped3A : memref<!tpu.dma_semaphore, #tpu.memory_space<semaphore_mem>>) src(%dma_wait3A_60 : memref<200xi32, #tpu.memory_space<hbm>>) dst(%arg7 : memref<200xi32, #tpu.memory_space<vmem>>)
        tpu.yield
      }) : () -> ()
      "tpu.region"() ({
        %run_scoped3A = tpu.sem_alloc : memref<!tpu.dma_semaphore, #tpu.memory_space<semaphore_mem>>
        %dma_start3A_57 = tpu.memref_slice %arg4[%add3A_52] : memref<320000xi32, #tpu.memory_space<hbm>> -> memref<200xi32, #tpu.memory_space<hbm>>
        %dma_start3A_58 = tpu.memref_slice %arg4[%add3A_52] : memref<320000xi32, #tpu.memory_space<hbm>> -> memref<200xi32, #tpu.memory_space<hbm>>
        tpu.enqueue_dma source(%dma_start3A_58 : memref<200xi32, #tpu.memory_space<hbm>>) target(%arg8 : memref<200xi32, #tpu.memory_space<vmem>>) target_semaphore(%run_scoped3A : memref<!tpu.dma_semaphore, #tpu.memory_space<semaphore_mem>>)
        %dma_wait3A_59 = tpu.memref_slice %arg4[%add3A_52] : memref<320000xi32, #tpu.memory_space<hbm>> -> memref<200xi32, #tpu.memory_space<hbm>>
        %dma_wait3A_60 = tpu.memref_slice %arg4[%add3A_52] : memref<320000xi32, #tpu.memory_space<hbm>> -> memref<200xi32, #tpu.memory_space<hbm>>
        tpu.wait_dma2 semaphore(%run_scoped3A : memref<!tpu.dma_semaphore, #tpu.memory_space<semaphore_mem>>) src(%dma_wait3A_60 : memref<200xi32, #tpu.memory_space<hbm>>) dst(%arg8 : memref<200xi32, #tpu.memory_space<vmem>>)
        tpu.yield
      }) : () -> ()
      %dma_start3A = arith.constant 0 : i32
      %dma_start3A_53 = arith.constant 0 : i32
      %dma_start3A_54 = tpu.memref_slice %arg2[%dma_start3A, %dma_start3A_53] : memref<10000x128xf32, #tpu.memory_space<hbm>> -> memref<10000x128xf32, #tpu.memory_space<hbm>>
      tpu.enqueue_indirect_dma source(%dma_start3A_54 : memref<10000x128xf32, #tpu.memory_space<hbm>>) target(%arg9 : memref<200x128xf32, #tpu.memory_space<vmem>>) offsets(%arg7 : memref<200xi32, #tpu.memory_space<vmem>>) semaphore(%arg12 : memref<!tpu.dma_semaphore, #tpu.memory_space<semaphore_mem>>)
      %dma_wait3A = arith.constant 0 : i32
      %dma_wait3A_55 = arith.constant 0 : i32
      %dma_wait3A_56 = tpu.memref_slice %arg2[%dma_wait3A, %dma_wait3A_55] : memref<10000x128xf32, #tpu.memory_space<hbm>> -> memref<10000x128xf32, #tpu.memory_space<hbm>>
      tpu.wait_indirect_dma semaphore(%arg12 : memref<!tpu.dma_semaphore, #tpu.memory_space<semaphore_mem>>) src(%dma_wait3A_56 : memref<10000x128xf32, #tpu.memory_space<hbm>>) dst(%arg9 : memref<200x128xf32, #tpu.memory_space<vmem>>)
      "tpu.region"() ({
        %run_scoped3A = tpu.sem_alloc : memref<!tpu.dma_semaphore, #tpu.memory_space<semaphore_mem>>
        %dma_start3A_57 = arith.constant 0 : i32
        %dma_start3A_58 = arith.constant 0 : i32
        %dma_start3A_59 = tpu.memref_slice %arg11[%dma_start3A_57, %dma_start3A_58] : memref<10240x128xf32, #tpu.memory_space<vmem_shared>> -> memref<10240x128xf32, #tpu.memory_space<vmem_shared>>
        tpu.enqueue_indirect_dma source(%arg9 : memref<200x128xf32, #tpu.memory_space<vmem>>) target(%dma_start3A_59 : memref<10240x128xf32, #tpu.memory_space<vmem_shared>>) offsets(%arg8 : memref<200xi32, #tpu.memory_space<vmem>>) semaphore(%run_scoped3A : memref<!tpu.dma_semaphore, #tpu.memory_space<semaphore_mem>>) {add = true}
        %dma_wait3A_60 = arith.constant 0 : i32
        %dma_wait3A_61 = arith.constant 0 : i32
        %dma_wait3A_62 = tpu.memref_slice %arg11[%dma_wait3A_60, %dma_wait3A_61] : memref<10240x128xf32, #tpu.memory_space<vmem_shared>> -> memref<10240x128xf32, #tpu.memory_space<vmem_shared>>
        tpu.wait_indirect_dma semaphore(%run_scoped3A : memref<!tpu.dma_semaphore, #tpu.memory_space<semaphore_mem>>) src(%arg9 : memref<200x128xf32, #tpu.memory_space<vmem>>) dst(%dma_wait3A_62 : memref<10240x128xf32, #tpu.memory_space<vmem_shared>>)
        tpu.yield
      }) : () -> ()
    }
    %scan3A_27 = arith.constant 50 : i32
    %barrier3A_28 = arith.constant 0 : index
    tpu.barrier barrier_id(%barrier3A_28)
    %mul3A_29 = arith.constant 640 : i32
    %mul3A_30 = arith.muli %arg1, %mul3A_29 : i32
    %add3A_31 = arith.constant 0 : i32
    %add3A_32 = arith.addi %mul3A_30, %add3A_31 : i32
    "tpu.region"() ({
      %run_scoped3A = tpu.sem_alloc : memref<!tpu.dma_semaphore, #tpu.memory_space<semaphore_mem>>
      %dma_start3A = arith.constant 0 : i32
      %dma_start3A_49 = tpu.memref_slice %arg11[%add3A_32, %dma_start3A] : memref<10240x128xf32, #tpu.memory_space<vmem_shared>> -> memref<128x128xf32, #tpu.memory_space<vmem_shared>>
      %dma_start3A_50 = arith.constant 0 : i32
      %dma_start3A_51 = tpu.memref_slice %arg11[%add3A_32, %dma_start3A_50] : memref<10240x128xf32, #tpu.memory_space<vmem_shared>> -> memref<128x128xf32, #tpu.memory_space<vmem_shared>>
      tpu.enqueue_dma source(%dma_start3A_51 : memref<128x128xf32, #tpu.memory_space<vmem_shared>>) target(%arg10 : memref<128x128xf32, #tpu.memory_space<vmem>>) target_semaphore(%run_scoped3A : memref<!tpu.dma_semaphore, #tpu.memory_space<semaphore_mem>>)
      %dma_wait3A = arith.constant 0 : i32
      %dma_wait3A_52 = tpu.memref_slice %arg11[%add3A_32, %dma_wait3A] : memref<10240x128xf32, #tpu.memory_space<vmem_shared>> -> memref<128x128xf32, #tpu.memory_space<vmem_shared>>
      %dma_wait3A_53 = arith.constant 0 : i32
      %dma_wait3A_54 = tpu.memref_slice %arg11[%add3A_32, %dma_wait3A_53] : memref<10240x128xf32, #tpu.memory_space<vmem_shared>> -> memref<128x128xf32, #tpu.memory_space<vmem_shared>>
      tpu.wait_dma2 semaphore(%run_scoped3A : memref<!tpu.dma_semaphore, #tpu.memory_space<semaphore_mem>>) src(%dma_wait3A_54 : memref<128x128xf32, #tpu.memory_space<vmem_shared>>) dst(%arg10 : memref<128x128xf32, #tpu.memory_space<vmem>>)
      tpu.yield
    }) : () -> ()
    "tpu.region"() ({
      %run_scoped3A = tpu.sem_alloc : memref<!tpu.dma_semaphore, #tpu.memory_space<semaphore_mem>>
      %dma_start3A = arith.constant 0 : i32
      %dma_start3A_49 = tpu.memref_slice %arg6[%arg0, %add3A_32, %dma_start3A] : memref<2x10240x128xf32, #tpu.memory_space<hbm>> -> memref<1x128x128xf32, #tpu.memory_space<hbm>>
      %dma_start3A_50 = tpu.memref_squeeze %dma_start3A_49 : memref<1x128x128xf32, #tpu.memory_space<hbm>> -> memref<128x128xf32, #tpu.memory_space<hbm>>
      %dma_start3A_51 = arith.constant 0 : i32
      %dma_start3A_52 = tpu.memref_slice %arg6[%arg0, %add3A_32, %dma_start3A_51] : memref<2x10240x128xf32, #tpu.memory_space<hbm>> -> memref<1x128x128xf32, #tpu.memory_space<hbm>>
      %dma_start3A_53 = tpu.memref_squeeze %dma_start3A_52 : memref<1x128x128xf32, #tpu.memory_space<hbm>> -> memref<128x128xf32, #tpu.memory_space<hbm>>
      tpu.enqueue_dma source(%arg10 : memref<128x128xf32, #tpu.memory_space<vmem>>) target(%dma_start3A_53 : memref<128x128xf32, #tpu.memory_space<hbm>>) target_semaphore(%run_scoped3A : memref<!tpu.dma_semaphore, #tpu.memory_space<semaphore_mem>>)
      %dma_wait3A = arith.constant 0 : i32
      %dma_wait3A_54 = tpu.memref_slice %arg6[%arg0, %add3A_32, %dma_wait3A] : memref<2x10240x128xf32, #tpu.memory_space<hbm>> -> memref<1x128x128xf32, #tpu.memory_space<hbm>>
      %dma_wait3A_55 = tpu.memref_squeeze %dma_wait3A_54 : memref<1x128x128xf32, #tpu.memory_space<hbm>> -> memref<128x128xf32, #tpu.memory_space<hbm>>
      %dma_wait3A_56 = arith.constant 0 : i32
      %dma_wait3A_57 = tpu.memref_slice %arg6[%arg0, %add3A_32, %dma_wait3A_56] : memref<2x10240x128xf32, #tpu.memory_space<hbm>> -> memref<1x128x128xf32, #tpu.memory_space<hbm>>
      %dma_wait3A_58 = tpu.memref_squeeze %dma_wait3A_57 : memref<1x128x128xf32, #tpu.memory_space<hbm>> -> memref<128x128xf32, #tpu.memory_space<hbm>>
      tpu.wait_dma2 semaphore(%run_scoped3A : memref<!tpu.dma_semaphore, #tpu.memory_space<semaphore_mem>>) src(%arg10 : memref<128x128xf32, #tpu.memory_space<vmem>>) dst(%dma_wait3A_58 : memref<128x128xf32, #tpu.memory_space<hbm>>)
      tpu.yield
    }) : () -> ()
    %mul3A_33 = arith.constant 640 : i32
    %mul3A_34 = arith.muli %arg1, %mul3A_33 : i32
    %add3A_35 = arith.constant 128 : i32
    %add3A_36 = arith.addi %mul3A_34, %add3A_35 : i32
    "tpu.region"() ({
      %run_scoped3A = tpu.sem_alloc : memref<!tpu.dma_semaphore, #tpu.memory_space<semaphore_mem>>
      %dma_start3A = arith.constant 0 : i32
      %dma_start3A_49 = tpu.memref_slice %arg11[%add3A_36, %dma_start3A] : memref<10240x128xf32, #tpu.memory_space<vmem_shared>> -> memref<128x128xf32, #tpu.memory_space<vmem_shared>>
      %dma_start3A_50 = arith.constant 0 : i32
      %dma_start3A_51 = tpu.memref_slice %arg11[%add3A_36, %dma_start3A_50] : memref<10240x128xf32, #tpu.memory_space<vmem_shared>> -> memref<128x128xf32, #tpu.memory_space<vmem_shared>>
      tpu.enqueue_dma source(%dma_start3A_51 : memref<128x128xf32, #tpu.memory_space<vmem_shared>>) target(%arg10 : memref<128x128xf32, #tpu.memory_space<vmem>>) target_semaphore(%run_scoped3A : memref<!tpu.dma_semaphore, #tpu.memory_space<semaphore_mem>>)
      %dma_wait3A = arith.constant 0 : i32
      %dma_wait3A_52 = tpu.memref_slice %arg11[%add3A_36, %dma_wait3A] : memref<10240x128xf32, #tpu.memory_space<vmem_shared>> -> memref<128x128xf32, #tpu.memory_space<vmem_shared>>
      %dma_wait3A_53 = arith.constant 0 : i32
      %dma_wait3A_54 = tpu.memref_slice %arg11[%add3A_36, %dma_wait3A_53] : memref<10240x128xf32, #tpu.memory_space<vmem_shared>> -> memref<128x128xf32, #tpu.memory_space<vmem_shared>>
      tpu.wait_dma2 semaphore(%run_scoped3A : memref<!tpu.dma_semaphore, #tpu.memory_space<semaphore_mem>>) src(%dma_wait3A_54 : memref<128x128xf32, #tpu.memory_space<vmem_shared>>) dst(%arg10 : memref<128x128xf32, #tpu.memory_space<vmem>>)
      tpu.yield
    }) : () -> ()
    "tpu.region"() ({
      %run_scoped3A = tpu.sem_alloc : memref<!tpu.dma_semaphore, #tpu.memory_space<semaphore_mem>>
      %dma_start3A = arith.constant 0 : i32
      %dma_start3A_49 = tpu.memref_slice %arg6[%arg0, %add3A_36, %dma_start3A] : memref<2x10240x128xf32, #tpu.memory_space<hbm>> -> memref<1x128x128xf32, #tpu.memory_space<hbm>>
      %dma_start3A_50 = tpu.memref_squeeze %dma_start3A_49 : memref<1x128x128xf32, #tpu.memory_space<hbm>> -> memref<128x128xf32, #tpu.memory_space<hbm>>
      %dma_start3A_51 = arith.constant 0 : i32
      %dma_start3A_52 = tpu.memref_slice %arg6[%arg0, %add3A_36, %dma_start3A_51] : memref<2x10240x128xf32, #tpu.memory_space<hbm>> -> memref<1x128x128xf32, #tpu.memory_space<hbm>>
      %dma_start3A_53 = tpu.memref_squeeze %dma_start3A_52 : memref<1x128x128xf32, #tpu.memory_space<hbm>> -> memref<128x128xf32, #tpu.memory_space<hbm>>
      tpu.enqueue_dma source(%arg10 : memref<128x128xf32, #tpu.memory_space<vmem>>) target(%dma_start3A_53 : memref<128x128xf32, #tpu.memory_space<hbm>>) target_semaphore(%run_scoped3A : memref<!tpu.dma_semaphore, #tpu.memory_space<semaphore_mem>>)
      %dma_wait3A = arith.constant 0 : i32
      %dma_wait3A_54 = tpu.memref_slice %arg6[%arg0, %add3A_36, %dma_wait3A] : memref<2x10240x128xf32, #tpu.memory_space<hbm>> -> memref<1x128x128xf32, #tpu.memory_space<hbm>>
      %dma_wait3A_55 = tpu.memref_squeeze %dma_wait3A_54 : memref<1x128x128xf32, #tpu.memory_space<hbm>> -> memref<128x128xf32, #tpu.memory_space<hbm>>
      %dma_wait3A_56 = arith.constant 0 : i32
      %dma_wait3A_57 = tpu.memref_slice %arg6[%arg0, %add3A_36, %dma_wait3A_56] : memref<2x10240x128xf32, #tpu.memory_space<hbm>> -> memref<1x128x128xf32, #tpu.memory_space<hbm>>
      %dma_wait3A_58 = tpu.memref_squeeze %dma_wait3A_57 : memref<1x128x128xf32, #tpu.memory_space<hbm>> -> memref<128x128xf32, #tpu.memory_space<hbm>>
      tpu.wait_dma2 semaphore(%run_scoped3A : memref<!tpu.dma_semaphore, #tpu.memory_space<semaphore_mem>>) src(%arg10 : memref<128x128xf32, #tpu.memory_space<vmem>>) dst(%dma_wait3A_58 : memref<128x128xf32, #tpu.memory_space<hbm>>)
      tpu.yield
    }) : () -> ()
    %mul3A_37 = arith.constant 640 : i32
    %mul3A_38 = arith.muli %arg1, %mul3A_37 : i32
    %add3A_39 = arith.constant 256 : i32
    %add3A_40 = arith.addi %mul3A_38, %add3A_39 : i32
    "tpu.region"() ({
      %run_scoped3A = tpu.sem_alloc : memref<!tpu.dma_semaphore, #tpu.memory_space<semaphore_mem>>
      %dma_start3A = arith.constant 0 : i32
      %dma_start3A_49 = tpu.memref_slice %arg11[%add3A_40, %dma_start3A] : memref<10240x128xf32, #tpu.memory_space<vmem_shared>> -> memref<128x128xf32, #tpu.memory_space<vmem_shared>>
      %dma_start3A_50 = arith.constant 0 : i32
      %dma_start3A_51 = tpu.memref_slice %arg11[%add3A_40, %dma_start3A_50] : memref<10240x128xf32, #tpu.memory_space<vmem_shared>> -> memref<128x128xf32, #tpu.memory_space<vmem_shared>>
      tpu.enqueue_dma source(%dma_start3A_51 : memref<128x128xf32, #tpu.memory_space<vmem_shared>>) target(%arg10 : memref<128x128xf32, #tpu.memory_space<vmem>>) target_semaphore(%run_scoped3A : memref<!tpu.dma_semaphore, #tpu.memory_space<semaphore_mem>>)
      %dma_wait3A = arith.constant 0 : i32
      %dma_wait3A_52 = tpu.memref_slice %arg11[%add3A_40, %dma_wait3A] : memref<10240x128xf32, #tpu.memory_space<vmem_shared>> -> memref<128x128xf32, #tpu.memory_space<vmem_shared>>
      %dma_wait3A_53 = arith.constant 0 : i32
      %dma_wait3A_54 = tpu.memref_slice %arg11[%add3A_40, %dma_wait3A_53] : memref<10240x128xf32, #tpu.memory_space<vmem_shared>> -> memref<128x128xf32, #tpu.memory_space<vmem_shared>>
      tpu.wait_dma2 semaphore(%run_scoped3A : memref<!tpu.dma_semaphore, #tpu.memory_space<semaphore_mem>>) src(%dma_wait3A_54 : memref<128x128xf32, #tpu.memory_space<vmem_shared>>) dst(%arg10 : memref<128x128xf32, #tpu.memory_space<vmem>>)
      tpu.yield
    }) : () -> ()
    "tpu.region"() ({
      %run_scoped3A = tpu.sem_alloc : memref<!tpu.dma_semaphore, #tpu.memory_space<semaphore_mem>>
      %dma_start3A = arith.constant 0 : i32
      %dma_start3A_49 = tpu.memref_slice %arg6[%arg0, %add3A_40, %dma_start3A] : memref<2x10240x128xf32, #tpu.memory_space<hbm>> -> memref<1x128x128xf32, #tpu.memory_space<hbm>>
      %dma_start3A_50 = tpu.memref_squeeze %dma_start3A_49 : memref<1x128x128xf32, #tpu.memory_space<hbm>> -> memref<128x128xf32, #tpu.memory_space<hbm>>
      %dma_start3A_51 = arith.constant 0 : i32
      %dma_start3A_52 = tpu.memref_slice %arg6[%arg0, %add3A_40, %dma_start3A_51] : memref<2x10240x128xf32, #tpu.memory_space<hbm>> -> memref<1x128x128xf32, #tpu.memory_space<hbm>>
      %dma_start3A_53 = tpu.memref_squeeze %dma_start3A_52 : memref<1x128x128xf32, #tpu.memory_space<hbm>> -> memref<128x128xf32, #tpu.memory_space<hbm>>
      tpu.enqueue_dma source(%arg10 : memref<128x128xf32, #tpu.memory_space<vmem>>) target(%dma_start3A_53 : memref<128x128xf32, #tpu.memory_space<hbm>>) target_semaphore(%run_scoped3A : memref<!tpu.dma_semaphore, #tpu.memory_space<semaphore_mem>>)
      %dma_wait3A = arith.constant 0 : i32
      %dma_wait3A_54 = tpu.memref_slice %arg6[%arg0, %add3A_40, %dma_wait3A] : memref<2x10240x128xf32, #tpu.memory_space<hbm>> -> memref<1x128x128xf32, #tpu.memory_space<hbm>>
      %dma_wait3A_55 = tpu.memref_squeeze %dma_wait3A_54 : memref<1x128x128xf32, #tpu.memory_space<hbm>> -> memref<128x128xf32, #tpu.memory_space<hbm>>
      %dma_wait3A_56 = arith.constant 0 : i32
      %dma_wait3A_57 = tpu.memref_slice %arg6[%arg0, %add3A_40, %dma_wait3A_56] : memref<2x10240x128xf32, #tpu.memory_space<hbm>> -> memref<1x128x128xf32, #tpu.memory_space<hbm>>
      %dma_wait3A_58 = tpu.memref_squeeze %dma_wait3A_57 : memref<1x128x128xf32, #tpu.memory_space<hbm>> -> memref<128x128xf32, #tpu.memory_space<hbm>>
      tpu.wait_dma2 semaphore(%run_scoped3A : memref<!tpu.dma_semaphore, #tpu.memory_space<semaphore_mem>>) src(%arg10 : memref<128x128xf32, #tpu.memory_space<vmem>>) dst(%dma_wait3A_58 : memref<128x128xf32, #tpu.memory_space<hbm>>)
      tpu.yield
    }) : () -> ()
    %mul3A_41 = arith.constant 640 : i32
    %mul3A_42 = arith.muli %arg1, %mul3A_41 : i32
    %add3A_43 = arith.constant 384 : i32
    %add3A_44 = arith.addi %mul3A_42, %add3A_43 : i32
    "tpu.region"() ({
      %run_scoped3A = tpu.sem_alloc : memref<!tpu.dma_semaphore, #tpu.memory_space<semaphore_mem>>
      %dma_start3A = arith.constant 0 : i32
      %dma_start3A_49 = tpu.memref_slice %arg11[%add3A_44, %dma_start3A] : memref<10240x128xf32, #tpu.memory_space<vmem_shared>> -> memref<128x128xf32, #tpu.memory_space<vmem_shared>>
      %dma_start3A_50 = arith.constant 0 : i32
      %dma_start3A_51 = tpu.memref_slice %arg11[%add3A_44, %dma_start3A_50] : memref<10240x128xf32, #tpu.memory_space<vmem_shared>> -> memref<128x128xf32, #tpu.memory_space<vmem_shared>>
      tpu.enqueue_dma source(%dma_start3A_51 : memref<128x128xf32, #tpu.memory_space<vmem_shared>>) target(%arg10 : memref<128x128xf32, #tpu.memory_space<vmem>>) target_semaphore(%run_scoped3A : memref<!tpu.dma_semaphore, #tpu.memory_space<semaphore_mem>>)
      %dma_wait3A = arith.constant 0 : i32
      %dma_wait3A_52 = tpu.memref_slice %arg11[%add3A_44, %dma_wait3A] : memref<10240x128xf32, #tpu.memory_space<vmem_shared>> -> memref<128x128xf32, #tpu.memory_space<vmem_shared>>
      %dma_wait3A_53 = arith.constant 0 : i32
      %dma_wait3A_54 = tpu.memref_slice %arg11[%add3A_44, %dma_wait3A_53] : memref<10240x128xf32, #tpu.memory_space<vmem_shared>> -> memref<128x128xf32, #tpu.memory_space<vmem_shared>>
      tpu.wait_dma2 semaphore(%run_scoped3A : memref<!tpu.dma_semaphore, #tpu.memory_space<semaphore_mem>>) src(%dma_wait3A_54 : memref<128x128xf32, #tpu.memory_space<vmem_shared>>) dst(%arg10 : memref<128x128xf32, #tpu.memory_space<vmem>>)
      tpu.yield
    }) : () -> ()
    "tpu.region"() ({
      %run_scoped3A = tpu.sem_alloc : memref<!tpu.dma_semaphore, #tpu.memory_space<semaphore_mem>>
      %dma_start3A = arith.constant 0 : i32
      %dma_start3A_49 = tpu.memref_slice %arg6[%arg0, %add3A_44, %dma_start3A] : memref<2x10240x128xf32, #tpu.memory_space<hbm>> -> memref<1x128x128xf32, #tpu.memory_space<hbm>>
      %dma_start3A_50 = tpu.memref_squeeze %dma_start3A_49 : memref<1x128x128xf32, #tpu.memory_space<hbm>> -> memref<128x128xf32, #tpu.memory_space<hbm>>
      %dma_start3A_51 = arith.constant 0 : i32
      %dma_start3A_52 = tpu.memref_slice %arg6[%arg0, %add3A_44, %dma_start3A_51] : memref<2x10240x128xf32, #tpu.memory_space<hbm>> -> memref<1x128x128xf32, #tpu.memory_space<hbm>>
      %dma_start3A_53 = tpu.memref_squeeze %dma_start3A_52 : memref<1x128x128xf32, #tpu.memory_space<hbm>> -> memref<128x128xf32, #tpu.memory_space<hbm>>
      tpu.enqueue_dma source(%arg10 : memref<128x128xf32, #tpu.memory_space<vmem>>) target(%dma_start3A_53 : memref<128x128xf32, #tpu.memory_space<hbm>>) target_semaphore(%run_scoped3A : memref<!tpu.dma_semaphore, #tpu.memory_space<semaphore_mem>>)
      %dma_wait3A = arith.constant 0 : i32
      %dma_wait3A_54 = tpu.memref_slice %arg6[%arg0, %add3A_44, %dma_wait3A] : memref<2x10240x128xf32, #tpu.memory_space<hbm>> -> memref<1x128x128xf32, #tpu.memory_space<hbm>>
      %dma_wait3A_55 = tpu.memref_squeeze %dma_wait3A_54 : memref<1x128x128xf32, #tpu.memory_space<hbm>> -> memref<128x128xf32, #tpu.memory_space<hbm>>
      %dma_wait3A_56 = arith.constant 0 : i32
      %dma_wait3A_57 = tpu.memref_slice %arg6[%arg0, %add3A_44, %dma_wait3A_56] : memref<2x10240x128xf32, #tpu.memory_space<hbm>> -> memref<1x128x128xf32, #tpu.memory_space<hbm>>
      %dma_wait3A_58 = tpu.memref_squeeze %dma_wait3A_57 : memref<1x128x128xf32, #tpu.memory_space<hbm>> -> memref<128x128xf32, #tpu.memory_space<hbm>>
      tpu.wait_dma2 semaphore(%run_scoped3A : memref<!tpu.dma_semaphore, #tpu.memory_space<semaphore_mem>>) src(%arg10 : memref<128x128xf32, #tpu.memory_space<vmem>>) dst(%dma_wait3A_58 : memref<128x128xf32, #tpu.memory_space<hbm>>)
      tpu.yield
    }) : () -> ()
    %mul3A_45 = arith.constant 640 : i32
    %mul3A_46 = arith.muli %arg1, %mul3A_45 : i32
    %add3A_47 = arith.constant 512 : i32
    %add3A_48 = arith.addi %mul3A_46, %add3A_47 : i32
    "tpu.region"() ({
      %run_scoped3A = tpu.sem_alloc : memref<!tpu.dma_semaphore, #tpu.memory_space<semaphore_mem>>
      %dma_start3A = arith.constant 0 : i32
      %dma_start3A_49 = tpu.memref_slice %arg11[%add3A_48, %dma_start3A] : memref<10240x128xf32, #tpu.memory_space<vmem_shared>> -> memref<128x128xf32, #tpu.memory_space<vmem_shared>>
      %dma_start3A_50 = arith.constant 0 : i32
      %dma_start3A_51 = tpu.memref_slice %arg11[%add3A_48, %dma_start3A_50] : memref<10240x128xf32, #tpu.memory_space<vmem_shared>> -> memref<128x128xf32, #tpu.memory_space<vmem_shared>>
      tpu.enqueue_dma source(%dma_start3A_51 : memref<128x128xf32, #tpu.memory_space<vmem_shared>>) target(%arg10 : memref<128x128xf32, #tpu.memory_space<vmem>>) target_semaphore(%run_scoped3A : memref<!tpu.dma_semaphore, #tpu.memory_space<semaphore_mem>>)
      %dma_wait3A = arith.constant 0 : i32
      %dma_wait3A_52 = tpu.memref_slice %arg11[%add3A_48, %dma_wait3A] : memref<10240x128xf32, #tpu.memory_space<vmem_shared>> -> memref<128x128xf32, #tpu.memory_space<vmem_shared>>
      %dma_wait3A_53 = arith.constant 0 : i32
      %dma_wait3A_54 = tpu.memref_slice %arg11[%add3A_48, %dma_wait3A_53] : memref<10240x128xf32, #tpu.memory_space<vmem_shared>> -> memref<128x128xf32, #tpu.memory_space<vmem_shared>>
      tpu.wait_dma2 semaphore(%run_scoped3A : memref<!tpu.dma_semaphore, #tpu.memory_space<semaphore_mem>>) src(%dma_wait3A_54 : memref<128x128xf32, #tpu.memory_space<vmem_shared>>) dst(%arg10 : memref<128x128xf32, #tpu.memory_space<vmem>>)
      tpu.yield
    }) : () -> ()
    "tpu.region"() ({
      %run_scoped3A = tpu.sem_alloc : memref<!tpu.dma_semaphore, #tpu.memory_space<semaphore_mem>>
      %dma_start3A = arith.constant 0 : i32
      %dma_start3A_49 = tpu.memref_slice %arg6[%arg0, %add3A_48, %dma_start3A] : memref<2x10240x128xf32, #tpu.memory_space<hbm>> -> memref<1x128x128xf32, #tpu.memory_space<hbm>>
      %dma_start3A_50 = tpu.memref_squeeze %dma_start3A_49 : memref<1x128x128xf32, #tpu.memory_space<hbm>> -> memref<128x128xf32, #tpu.memory_space<hbm>>
      %dma_start3A_51 = arith.constant 0 : i32
      %dma_start3A_52 = tpu.memref_slice %arg6[%arg0, %add3A_48, %dma_start3A_51] : memref<2x10240x128xf32, #tpu.memory_space<hbm>> -> memref<1x128x128xf32, #tpu.memory_space<hbm>>
      %dma_start3A_53 = tpu.memref_squeeze %dma_start3A_52 : memref<1x128x128xf32, #tpu.memory_space<hbm>> -> memref<128x128xf32, #tpu.memory_space<hbm>>
      tpu.enqueue_dma source(%arg10 : memref<128x128xf32, #tpu.memory_space<vmem>>) target(%dma_start3A_53 : memref<128x128xf32, #tpu.memory_space<hbm>>) target_semaphore(%run_scoped3A : memref<!tpu.dma_semaphore, #tpu.memory_space<semaphore_mem>>)
      %dma_wait3A = arith.constant 0 : i32
      %dma_wait3A_54 = tpu.memref_slice %arg6[%arg0, %add3A_48, %dma_wait3A] : memref<2x10240x128xf32, #tpu.memory_space<hbm>> -> memref<1x128x128xf32, #tpu.memory_space<hbm>>
      %dma_wait3A_55 = tpu.memref_squeeze %dma_wait3A_54 : memref<1x128x128xf32, #tpu.memory_space<hbm>> -> memref<128x128xf32, #tpu.memory_space<hbm>>
      %dma_wait3A_56 = arith.constant 0 : i32
      %dma_wait3A_57 = tpu.memref_slice %arg6[%arg0, %add3A_48, %dma_wait3A_56] : memref<2x10240x128xf32, #tpu.memory_space<hbm>> -> memref<1x128x128xf32, #tpu.memory_space<hbm>>
      %dma_wait3A_58 = tpu.memref_squeeze %dma_wait3A_57 : memref<1x128x128xf32, #tpu.memory_space<hbm>> -> memref<128x128xf32, #tpu.memory_space<hbm>>
      tpu.wait_dma2 semaphore(%run_scoped3A : memref<!tpu.dma_semaphore, #tpu.memory_space<semaphore_mem>>) src(%arg10 : memref<128x128xf32, #tpu.memory_space<vmem>>) dst(%dma_wait3A_58 : memref<128x128xf32, #tpu.memory_space<hbm>>)
      tpu.yield
    }) : () -> ()
    return
  }
}

#map = affine_map<(d0, d1) -> (0, 0)>
#map1 = affine_map<(d0, d1) -> (0)>
#map2 = affine_map<(d0, d1) -> (0, 0, 0)>
module attributes {stable_mosaic.version = 14 : i64} {
  func.func @agg(%arg0: i32, %arg1: i32, %arg2: memref<10000x128xf32, #tpu.memory_space<hbm>>, %arg3: memref<320000xi32, #tpu.memory_space<hbm>>, %arg4: memref<320000xi32, #tpu.memory_space<hbm>>, %arg5: memref<128x128xf32, #tpu.memory_space<hbm>>, %arg6: memref<2x10240x128xf32, #tpu.memory_space<hbm>>, %arg7: memref<200xi32, #tpu.memory_space<vmem>>, %arg8: memref<200xi32, #tpu.memory_space<vmem>>, %arg9: memref<200x128xf32, #tpu.memory_space<vmem>>, %arg10: memref<128x128xf32, #tpu.memory_space<vmem>>, %arg11: memref<10240x128xf32, #tpu.memory_space<vmem_shared>>, %arg12: memref<!tpu.dma_semaphore, #tpu.memory_space<semaphore_mem>>) attributes {dimension_semantics = [#tpu.dimension_semantics<core_parallel>, #tpu.dimension_semantics<subcore_parallel>], iteration_bounds = array<i64: 2, 16>, scalar_prefetch = 0 : i64, scratch_operands = 6 : i64, tpu.core_type = #tpu.core_type<sc_vector_subcore>, window_params = [{transform_indices = #map}, {transform_indices = #map1}, {transform_indices = #map1}, {transform_indices = #map}, {transform_indices = #map2}]} {
    "tpu.region"() ({
      %run_scoped3A = tpu.sem_alloc : memref<!tpu.dma_semaphore, #tpu.memory_space<semaphore_mem>>
      tpu.enqueue_dma source(%arg5 : memref<128x128xf32, #tpu.memory_space<hbm>>) target(%arg10 : memref<128x128xf32, #tpu.memory_space<vmem>>) target_semaphore(%run_scoped3A : memref<!tpu.dma_semaphore, #tpu.memory_space<semaphore_mem>>)
      tpu.wait_dma2 semaphore(%run_scoped3A : memref<!tpu.dma_semaphore, #tpu.memory_space<semaphore_mem>>) src(%arg5 : memref<128x128xf32, #tpu.memory_space<hbm>>) dst(%arg10 : memref<128x128xf32, #tpu.memory_space<vmem>>)
      tpu.yield
    }) : () -> ()
    %mul3A = arith.constant 640 : i32
    %mul3A_0 = arith.muli %arg1, %mul3A : i32
    %add3A = arith.constant 0 : i32
    %add3A_1 = arith.addi %mul3A_0, %add3A : i32
    "tpu.region"() ({
      %run_scoped3A = tpu.sem_alloc : memref<!tpu.dma_semaphore, #tpu.memory_space<semaphore_mem>>
      %dma_start3A = arith.constant 0 : i32
      %dma_start3A_49 = tpu.memref_slice %arg11[%add3A_1, %dma_start3A] : memref<10240x128xf32, #tpu.memory_space<vmem_shared>> -> memref<128x128xf32, #tpu.memory_space<vmem_shared>>
      %dma_start3A_50 = arith.constant 0 : i32
      %dma_start3A_51 = tpu.memref_slice %arg11[%add3A_1, %dma_start3A_50] : memref<10240x128xf32, #tpu.memory_space<vmem_shared>> -> memref<128x128xf32, #tpu.memory_space<vmem_shared>>
      tpu.enqueue_dma source(%arg10 : memref<128x128xf32, #tpu.memory_space<vmem>>) target(%dma_start3A_51 : memref<128x128xf32, #tpu.memory_space<vmem_shared>>) target_semaphore(%run_scoped3A : memref<!tpu.dma_semaphore, #tpu.memory_space<semaphore_mem>>)
      %dma_wait3A = arith.constant 0 : i32
      %dma_wait3A_52 = tpu.memref_slice %arg11[%add3A_1, %dma_wait3A] : memref<10240x128xf32, #tpu.memory_space<vmem_shared>> -> memref<128x128xf32, #tpu.memory_space<vmem_shared>>
      %dma_wait3A_53 = arith.constant 0 : i32
      %dma_wait3A_54 = tpu.memref_slice %arg11[%add3A_1, %dma_wait3A_53] : memref<10240x128xf32, #tpu.memory_space<vmem_shared>> -> memref<128x128xf32, #tpu.memory_space<vmem_shared>>
      tpu.wait_dma2 semaphore(%run_scoped3A : memref<!tpu.dma_semaphore, #tpu.memory_space<semaphore_mem>>) src(%arg10 : memref<128x128xf32, #tpu.memory_space<vmem>>) dst(%dma_wait3A_54 : memref<128x128xf32, #tpu.memory_space<vmem_shared>>)
      tpu.yield
    }) : () -> ()
    %mul3A_2 = arith.constant 640 : i32
    %mul3A_3 = arith.muli %arg1, %mul3A_2 : i32
    %add3A_4 = arith.constant 128 : i32
    %add3A_5 = arith.addi %mul3A_3, %add3A_4 : i32
    "tpu.region"() ({
      %run_scoped3A = tpu.sem_alloc : memref<!tpu.dma_semaphore, #tpu.memory_space<semaphore_mem>>
      %dma_start3A = arith.constant 0 : i32
      %dma_start3A_49 = tpu.memref_slice %arg11[%add3A_5, %dma_start3A] : memref<10240x128xf32, #tpu.memory_space<vmem_shared>> -> memref<128x128xf32, #tpu.memory_space<vmem_shared>>
      %dma_start3A_50 = arith.constant 0 : i32
      %dma_start3A_51 = tpu.memref_slice %arg11[%add3A_5, %dma_start3A_50] : memref<10240x128xf32, #tpu.memory_space<vmem_shared>> -> memref<128x128xf32, #tpu.memory_space<vmem_shared>>
      tpu.enqueue_dma source(%arg10 : memref<128x128xf32, #tpu.memory_space<vmem>>) target(%dma_start3A_51 : memref<128x128xf32, #tpu.memory_space<vmem_shared>>) target_semaphore(%run_scoped3A : memref<!tpu.dma_semaphore, #tpu.memory_space<semaphore_mem>>)
      %dma_wait3A = arith.constant 0 : i32
      %dma_wait3A_52 = tpu.memref_slice %arg11[%add3A_5, %dma_wait3A] : memref<10240x128xf32, #tpu.memory_space<vmem_shared>> -> memref<128x128xf32, #tpu.memory_space<vmem_shared>>
      %dma_wait3A_53 = arith.constant 0 : i32
      %dma_wait3A_54 = tpu.memref_slice %arg11[%add3A_5, %dma_wait3A_53] : memref<10240x128xf32, #tpu.memory_space<vmem_shared>> -> memref<128x128xf32, #tpu.memory_space<vmem_shared>>
      tpu.wait_dma2 semaphore(%run_scoped3A : memref<!tpu.dma_semaphore, #tpu.memory_space<semaphore_mem>>) src(%arg10 : memref<128x128xf32, #tpu.memory_space<vmem>>) dst(%dma_wait3A_54 : memref<128x128xf32, #tpu.memory_space<vmem_shared>>)
      tpu.yield
    }) : () -> ()
    %mul3A_6 = arith.constant 640 : i32
    %mul3A_7 = arith.muli %arg1, %mul3A_6 : i32
    %add3A_8 = arith.constant 256 : i32
    %add3A_9 = arith.addi %mul3A_7, %add3A_8 : i32
    "tpu.region"() ({
      %run_scoped3A = tpu.sem_alloc : memref<!tpu.dma_semaphore, #tpu.memory_space<semaphore_mem>>
      %dma_start3A = arith.constant 0 : i32
      %dma_start3A_49 = tpu.memref_slice %arg11[%add3A_9, %dma_start3A] : memref<10240x128xf32, #tpu.memory_space<vmem_shared>> -> memref<128x128xf32, #tpu.memory_space<vmem_shared>>
      %dma_start3A_50 = arith.constant 0 : i32
      %dma_start3A_51 = tpu.memref_slice %arg11[%add3A_9, %dma_start3A_50] : memref<10240x128xf32, #tpu.memory_space<vmem_shared>> -> memref<128x128xf32, #tpu.memory_space<vmem_shared>>
      tpu.enqueue_dma source(%arg10 : memref<128x128xf32, #tpu.memory_space<vmem>>) target(%dma_start3A_51 : memref<128x128xf32, #tpu.memory_space<vmem_shared>>) target_semaphore(%run_scoped3A : memref<!tpu.dma_semaphore, #tpu.memory_space<semaphore_mem>>)
      %dma_wait3A = arith.constant 0 : i32
      %dma_wait3A_52 = tpu.memref_slice %arg11[%add3A_9, %dma_wait3A] : memref<10240x128xf32, #tpu.memory_space<vmem_shared>> -> memref<128x128xf32, #tpu.memory_space<vmem_shared>>
      %dma_wait3A_53 = arith.constant 0 : i32
      %dma_wait3A_54 = tpu.memref_slice %arg11[%add3A_9, %dma_wait3A_53] : memref<10240x128xf32, #tpu.memory_space<vmem_shared>> -> memref<128x128xf32, #tpu.memory_space<vmem_shared>>
      tpu.wait_dma2 semaphore(%run_scoped3A : memref<!tpu.dma_semaphore, #tpu.memory_space<semaphore_mem>>) src(%arg10 : memref<128x128xf32, #tpu.memory_space<vmem>>) dst(%dma_wait3A_54 : memref<128x128xf32, #tpu.memory_space<vmem_shared>>)
      tpu.yield
    }) : () -> ()
    %mul3A_10 = arith.constant 640 : i32
    %mul3A_11 = arith.muli %arg1, %mul3A_10 : i32
    %add3A_12 = arith.constant 384 : i32
    %add3A_13 = arith.addi %mul3A_11, %add3A_12 : i32
    "tpu.region"() ({
      %run_scoped3A = tpu.sem_alloc : memref<!tpu.dma_semaphore, #tpu.memory_space<semaphore_mem>>
      %dma_start3A = arith.constant 0 : i32
      %dma_start3A_49 = tpu.memref_slice %arg11[%add3A_13, %dma_start3A] : memref<10240x128xf32, #tpu.memory_space<vmem_shared>> -> memref<128x128xf32, #tpu.memory_space<vmem_shared>>
      %dma_start3A_50 = arith.constant 0 : i32
      %dma_start3A_51 = tpu.memref_slice %arg11[%add3A_13, %dma_start3A_50] : memref<10240x128xf32, #tpu.memory_space<vmem_shared>> -> memref<128x128xf32, #tpu.memory_space<vmem_shared>>
      tpu.enqueue_dma source(%arg10 : memref<128x128xf32, #tpu.memory_space<vmem>>) target(%dma_start3A_51 : memref<128x128xf32, #tpu.memory_space<vmem_shared>>) target_semaphore(%run_scoped3A : memref<!tpu.dma_semaphore, #tpu.memory_space<semaphore_mem>>)
      %dma_wait3A = arith.constant 0 : i32
      %dma_wait3A_52 = tpu.memref_slice %arg11[%add3A_13, %dma_wait3A] : memref<10240x128xf32, #tpu.memory_space<vmem_shared>> -> memref<128x128xf32, #tpu.memory_space<vmem_shared>>
      %dma_wait3A_53 = arith.constant 0 : i32
      %dma_wait3A_54 = tpu.memref_slice %arg11[%add3A_13, %dma_wait3A_53] : memref<10240x128xf32, #tpu.memory_space<vmem_shared>> -> memref<128x128xf32, #tpu.memory_space<vmem_shared>>
      tpu.wait_dma2 semaphore(%run_scoped3A : memref<!tpu.dma_semaphore, #tpu.memory_space<semaphore_mem>>) src(%arg10 : memref<128x128xf32, #tpu.memory_space<vmem>>) dst(%dma_wait3A_54 : memref<128x128xf32, #tpu.memory_space<vmem_shared>>)
      tpu.yield
    }) : () -> ()
    %mul3A_14 = arith.constant 640 : i32
    %mul3A_15 = arith.muli %arg1, %mul3A_14 : i32
    %add3A_16 = arith.constant 512 : i32
    %add3A_17 = arith.addi %mul3A_15, %add3A_16 : i32
    "tpu.region"() ({
      %run_scoped3A = tpu.sem_alloc : memref<!tpu.dma_semaphore, #tpu.memory_space<semaphore_mem>>
      %dma_start3A = arith.constant 0 : i32
      %dma_start3A_49 = tpu.memref_slice %arg11[%add3A_17, %dma_start3A] : memref<10240x128xf32, #tpu.memory_space<vmem_shared>> -> memref<128x128xf32, #tpu.memory_space<vmem_shared>>
      %dma_start3A_50 = arith.constant 0 : i32
      %dma_start3A_51 = tpu.memref_slice %arg11[%add3A_17, %dma_start3A_50] : memref<10240x128xf32, #tpu.memory_space<vmem_shared>> -> memref<128x128xf32, #tpu.memory_space<vmem_shared>>
      tpu.enqueue_dma source(%arg10 : memref<128x128xf32, #tpu.memory_space<vmem>>) target(%dma_start3A_51 : memref<128x128xf32, #tpu.memory_space<vmem_shared>>) target_semaphore(%run_scoped3A : memref<!tpu.dma_semaphore, #tpu.memory_space<semaphore_mem>>)
      %dma_wait3A = arith.constant 0 : i32
      %dma_wait3A_52 = tpu.memref_slice %arg11[%add3A_17, %dma_wait3A] : memref<10240x128xf32, #tpu.memory_space<vmem_shared>> -> memref<128x128xf32, #tpu.memory_space<vmem_shared>>
      %dma_wait3A_53 = arith.constant 0 : i32
      %dma_wait3A_54 = tpu.memref_slice %arg11[%add3A_17, %dma_wait3A_53] : memref<10240x128xf32, #tpu.memory_space<vmem_shared>> -> memref<128x128xf32, #tpu.memory_space<vmem_shared>>
      tpu.wait_dma2 semaphore(%run_scoped3A : memref<!tpu.dma_semaphore, #tpu.memory_space<semaphore_mem>>) src(%arg10 : memref<128x128xf32, #tpu.memory_space<vmem>>) dst(%dma_wait3A_54 : memref<128x128xf32, #tpu.memory_space<vmem_shared>>)
      tpu.yield
    }) : () -> ()
    %barrier3A = arith.constant 0 : index
    tpu.barrier barrier_id(%barrier3A)
    %mul3A_18 = arith.constant 16 : i32
    %mul3A_19 = arith.muli %arg0, %mul3A_18 : i32
    %add3A_20 = arith.addi %mul3A_19, %arg1 : i32
    %mul3A_21 = arith.constant 10000 : i32
    %mul3A_22 = arith.muli %add3A_20, %mul3A_21 : i32
    %scan3A = arith.constant 0 : i32
    %scan3A_23 = arith.constant 0 : i32
    %scan3A_24 = arith.constant 50 : i32
    %scan3A_25 = arith.addi %scan3A_23, %scan3A_24 : i32
    %scan3A_26 = arith.constant 1 : i32
    scf.for %scan3A_49 = %scan3A_23 to %scan3A_25 step %scan3A_26  : i32 {
      %mul3A_50 = arith.constant 200 : i32
      %mul3A_51 = arith.muli %scan3A_49, %mul3A_50 : i32
      %add3A_52 = arith.addi %mul3A_22, %mul3A_51 : i32
      "tpu.region"() ({
        %run_scoped3A = tpu.sem_alloc : memref<!tpu.dma_semaphore, #tpu.memory_space<semaphore_mem>>
        %dma_start3A_57 = tpu.memref_slice %arg3[%add3A_52] : memref<320000xi32, #tpu.memory_space<hbm>> -> memref<200xi32, #tpu.memory_space<hbm>>
        %dma_start3A_58 = tpu.memref_slice %arg3[%add3A_52] : memref<320000xi32, #tpu.memory_space<hbm>> -> memref<200xi32, #tpu.memory_space<hbm>>
        tpu.enqueue_dma source(%dma_start3A_58 : memref<200xi32, #tpu.memory_space<hbm>>) target(%arg7 : memref<200xi32, #tpu.memory_space<vmem>>) target_semaphore(%run_scoped3A : memref<!tpu.dma_semaphore, #tpu.memory_space<semaphore_mem>>)
        %dma_wait3A_59 = tpu.memref_slice %arg3[%add3A_52] : memref<320000xi32, #tpu.memory_space<hbm>> -> memref<200xi32, #tpu.memory_space<hbm>>
        %dma_wait3A_60 = tpu.memref_slice %arg3[%add3A_52] : memref<320000xi32, #tpu.memory_space<hbm>> -> memref<200xi32, #tpu.memory_space<hbm>>
        tpu.wait_dma2 semaphore(%run_scoped3A : memref<!tpu.dma_semaphore, #tpu.memory_space<semaphore_mem>>) src(%dma_wait3A_60 : memref<200xi32, #tpu.memory_space<hbm>>) dst(%arg7 : memref<200xi32, #tpu.memory_space<vmem>>)
        tpu.yield
      }) : () -> ()
      "tpu.region"() ({
        %run_scoped3A = tpu.sem_alloc : memref<!tpu.dma_semaphore, #tpu.memory_space<semaphore_mem>>
        %dma_start3A_57 = tpu.memref_slice %arg4[%add3A_52] : memref<320000xi32, #tpu.memory_space<hbm>> -> memref<200xi32, #tpu.memory_space<hbm>>
        %dma_start3A_58 = tpu.memref_slice %arg4[%add3A_52] : memref<320000xi32, #tpu.memory_space<hbm>> -> memref<200xi32, #tpu.memory_space<hbm>>
        tpu.enqueue_dma source(%dma_start3A_58 : memref<200xi32, #tpu.memory_space<hbm>>) target(%arg8 : memref<200xi32, #tpu.memory_space<vmem>>) target_semaphore(%run_scoped3A : memref<!tpu.dma_semaphore, #tpu.memory_space<semaphore_mem>>)
        %dma_wait3A_59 = tpu.memref_slice %arg4[%add3A_52] : memref<320000xi32, #tpu.memory_space<hbm>> -> memref<200xi32, #tpu.memory_space<hbm>>
        %dma_wait3A_60 = tpu.memref_slice %arg4[%add3A_52] : memref<320000xi32, #tpu.memory_space<hbm>> -> memref<200xi32, #tpu.memory_space<hbm>>
        tpu.wait_dma2 semaphore(%run_scoped3A : memref<!tpu.dma_semaphore, #tpu.memory_space<semaphore_mem>>) src(%dma_wait3A_60 : memref<200xi32, #tpu.memory_space<hbm>>) dst(%arg8 : memref<200xi32, #tpu.memory_space<vmem>>)
        tpu.yield
      }) : () -> ()
      %dma_start3A = arith.constant 0 : i32
      %dma_start3A_53 = arith.constant 0 : i32
      %dma_start3A_54 = tpu.memref_slice %arg2[%dma_start3A, %dma_start3A_53] : memref<10000x128xf32, #tpu.memory_space<hbm>> -> memref<10000x128xf32, #tpu.memory_space<hbm>>
      tpu.enqueue_indirect_dma source(%dma_start3A_54 : memref<10000x128xf32, #tpu.memory_space<hbm>>) target(%arg9 : memref<200x128xf32, #tpu.memory_space<vmem>>) offsets(%arg7 : memref<200xi32, #tpu.memory_space<vmem>>) semaphore(%arg12 : memref<!tpu.dma_semaphore, #tpu.memory_space<semaphore_mem>>)
      %dma_wait3A = arith.constant 0 : i32
      %dma_wait3A_55 = arith.constant 0 : i32
      %dma_wait3A_56 = tpu.memref_slice %arg2[%dma_wait3A, %dma_wait3A_55] : memref<10000x128xf32, #tpu.memory_space<hbm>> -> memref<10000x128xf32, #tpu.memory_space<hbm>>
      tpu.wait_indirect_dma semaphore(%arg12 : memref<!tpu.dma_semaphore, #tpu.memory_space<semaphore_mem>>) src(%dma_wait3A_56 : memref<10000x128xf32, #tpu.memory_space<hbm>>) dst(%arg9 : memref<200x128xf32, #tpu.memory_space<vmem>>)
      "tpu.region"() ({
        %run_scoped3A = tpu.sem_alloc : memref<!tpu.dma_semaphore, #tpu.memory_space<semaphore_mem>>
        %dma_start3A_57 = arith.constant 0 : i32
        %dma_start3A_58 = arith.constant 0 : i32
        %dma_start3A_59 = tpu.memref_slice %arg11[%dma_start3A_57, %dma_start3A_58] : memref<10240x128xf32, #tpu.memory_space<vmem_shared>> -> memref<10240x128xf32, #tpu.memory_space<vmem_shared>>
        tpu.enqueue_indirect_dma source(%arg9 : memref<200x128xf32, #tpu.memory_space<vmem>>) target(%dma_start3A_59 : memref<10240x128xf32, #tpu.memory_space<vmem_shared>>) offsets(%arg8 : memref<200xi32, #tpu.memory_space<vmem>>) semaphore(%run_scoped3A : memref<!tpu.dma_semaphore, #tpu.memory_space<semaphore_mem>>) {add = true}
        %dma_wait3A_60 = arith.constant 0 : i32
        %dma_wait3A_61 = arith.constant 0 : i32
        %dma_wait3A_62 = tpu.memref_slice %arg11[%dma_wait3A_60, %dma_wait3A_61] : memref<10240x128xf32, #tpu.memory_space<vmem_shared>> -> memref<10240x128xf32, #tpu.memory_space<vmem_shared>>
        tpu.wait_indirect_dma semaphore(%run_scoped3A : memref<!tpu.dma_semaphore, #tpu.memory_space<semaphore_mem>>) src(%arg9 : memref<200x128xf32, #tpu.memory_space<vmem>>) dst(%dma_wait3A_62 : memref<10240x128xf32, #tpu.memory_space<vmem_shared>>)
        tpu.yield
      }) : () -> ()
    }
    %scan3A_27 = arith.constant 50 : i32
    %barrier3A_28 = arith.constant 0 : index
    tpu.barrier barrier_id(%barrier3A_28)
    %mul3A_29 = arith.constant 640 : i32
    %mul3A_30 = arith.muli %arg1, %mul3A_29 : i32
    %add3A_31 = arith.constant 0 : i32
    %add3A_32 = arith.addi %mul3A_30, %add3A_31 : i32
    "tpu.region"() ({
      %run_scoped3A = tpu.sem_alloc : memref<!tpu.dma_semaphore, #tpu.memory_space<semaphore_mem>>
      %dma_start3A = arith.constant 0 : i32
      %dma_start3A_49 = tpu.memref_slice %arg11[%add3A_32, %dma_start3A] : memref<10240x128xf32, #tpu.memory_space<vmem_shared>> -> memref<128x128xf32, #tpu.memory_space<vmem_shared>>
      %dma_start3A_50 = arith.constant 0 : i32
      %dma_start3A_51 = tpu.memref_slice %arg11[%add3A_32, %dma_start3A_50] : memref<10240x128xf32, #tpu.memory_space<vmem_shared>> -> memref<128x128xf32, #tpu.memory_space<vmem_shared>>
      tpu.enqueue_dma source(%dma_start3A_51 : memref<128x128xf32, #tpu.memory_space<vmem_shared>>) target(%arg10 : memref<128x128xf32, #tpu.memory_space<vmem>>) target_semaphore(%run_scoped3A : memref<!tpu.dma_semaphore, #tpu.memory_space<semaphore_mem>>)
      %dma_wait3A = arith.constant 0 : i32
      %dma_wait3A_52 = tpu.memref_slice %arg11[%add3A_32, %dma_wait3A] : memref<10240x128xf32, #tpu.memory_space<vmem_shared>> -> memref<128x128xf32, #tpu.memory_space<vmem_shared>>
      %dma_wait3A_53 = arith.constant 0 : i32
      %dma_wait3A_54 = tpu.memref_slice %arg11[%add3A_32, %dma_wait3A_53] : memref<10240x128xf32, #tpu.memory_space<vmem_shared>> -> memref<128x128xf32, #tpu.memory_space<vmem_shared>>
      tpu.wait_dma2 semaphore(%run_scoped3A : memref<!tpu.dma_semaphore, #tpu.memory_space<semaphore_mem>>) src(%dma_wait3A_54 : memref<128x128xf32, #tpu.memory_space<vmem_shared>>) dst(%arg10 : memref<128x128xf32, #tpu.memory_space<vmem>>)
      tpu.yield
    }) : () -> ()
    "tpu.region"() ({
      %run_scoped3A = tpu.sem_alloc : memref<!tpu.dma_semaphore, #tpu.memory_space<semaphore_mem>>
      %dma_start3A = arith.constant 0 : i32
      %dma_start3A_49 = tpu.memref_slice %arg6[%arg0, %add3A_32, %dma_start3A] : memref<2x10240x128xf32, #tpu.memory_space<hbm>> -> memref<1x128x128xf32, #tpu.memory_space<hbm>>
      %dma_start3A_50 = tpu.memref_squeeze %dma_start3A_49 : memref<1x128x128xf32, #tpu.memory_space<hbm>> -> memref<128x128xf32, #tpu.memory_space<hbm>>
      %dma_start3A_51 = arith.constant 0 : i32
      %dma_start3A_52 = tpu.memref_slice %arg6[%arg0, %add3A_32, %dma_start3A_51] : memref<2x10240x128xf32, #tpu.memory_space<hbm>> -> memref<1x128x128xf32, #tpu.memory_space<hbm>>
      %dma_start3A_53 = tpu.memref_squeeze %dma_start3A_52 : memref<1x128x128xf32, #tpu.memory_space<hbm>> -> memref<128x128xf32, #tpu.memory_space<hbm>>
      tpu.enqueue_dma source(%arg10 : memref<128x128xf32, #tpu.memory_space<vmem>>) target(%dma_start3A_53 : memref<128x128xf32, #tpu.memory_space<hbm>>) target_semaphore(%run_scoped3A : memref<!tpu.dma_semaphore, #tpu.memory_space<semaphore_mem>>)
      %dma_wait3A = arith.constant 0 : i32
      %dma_wait3A_54 = tpu.memref_slice %arg6[%arg0, %add3A_32, %dma_wait3A] : memref<2x10240x128xf32, #tpu.memory_space<hbm>> -> memref<1x128x128xf32, #tpu.memory_space<hbm>>
      %dma_wait3A_55 = tpu.memref_squeeze %dma_wait3A_54 : memref<1x128x128xf32, #tpu.memory_space<hbm>> -> memref<128x128xf32, #tpu.memory_space<hbm>>
      %dma_wait3A_56 = arith.constant 0 : i32
      %dma_wait3A_57 = tpu.memref_slice %arg6[%arg0, %add3A_32, %dma_wait3A_56] : memref<2x10240x128xf32, #tpu.memory_space<hbm>> -> memref<1x128x128xf32, #tpu.memory_space<hbm>>
      %dma_wait3A_58 = tpu.memref_squeeze %dma_wait3A_57 : memref<1x128x128xf32, #tpu.memory_space<hbm>> -> memref<128x128xf32, #tpu.memory_space<hbm>>
      tpu.wait_dma2 semaphore(%run_scoped3A : memref<!tpu.dma_semaphore, #tpu.memory_space<semaphore_mem>>) src(%arg10 : memref<128x128xf32, #tpu.memory_space<vmem>>) dst(%dma_wait3A_58 : memref<128x128xf32, #tpu.memory_space<hbm>>)
      tpu.yield
    }) : () -> ()
    %mul3A_33 = arith.constant 640 : i32
    %mul3A_34 = arith.muli %arg1, %mul3A_33 : i32
    %add3A_35 = arith.constant 128 : i32
    %add3A_36 = arith.addi %mul3A_34, %add3A_35 : i32
    "tpu.region"() ({
      %run_scoped3A = tpu.sem_alloc : memref<!tpu.dma_semaphore, #tpu.memory_space<semaphore_mem>>
      %dma_start3A = arith.constant 0 : i32
      %dma_start3A_49 = tpu.memref_slice %arg11[%add3A_36, %dma_start3A] : memref<10240x128xf32, #tpu.memory_space<vmem_shared>> -> memref<128x128xf32, #tpu.memory_space<vmem_shared>>
      %dma_start3A_50 = arith.constant 0 : i32
      %dma_start3A_51 = tpu.memref_slice %arg11[%add3A_36, %dma_start3A_50] : memref<10240x128xf32, #tpu.memory_space<vmem_shared>> -> memref<128x128xf32, #tpu.memory_space<vmem_shared>>
      tpu.enqueue_dma source(%dma_start3A_51 : memref<128x128xf32, #tpu.memory_space<vmem_shared>>) target(%arg10 : memref<128x128xf32, #tpu.memory_space<vmem>>) target_semaphore(%run_scoped3A : memref<!tpu.dma_semaphore, #tpu.memory_space<semaphore_mem>>)
      %dma_wait3A = arith.constant 0 : i32
      %dma_wait3A_52 = tpu.memref_slice %arg11[%add3A_36, %dma_wait3A] : memref<10240x128xf32, #tpu.memory_space<vmem_shared>> -> memref<128x128xf32, #tpu.memory_space<vmem_shared>>
      %dma_wait3A_53 = arith.constant 0 : i32
      %dma_wait3A_54 = tpu.memref_slice %arg11[%add3A_36, %dma_wait3A_53] : memref<10240x128xf32, #tpu.memory_space<vmem_shared>> -> memref<128x128xf32, #tpu.memory_space<vmem_shared>>
      tpu.wait_dma2 semaphore(%run_scoped3A : memref<!tpu.dma_semaphore, #tpu.memory_space<semaphore_mem>>) src(%dma_wait3A_54 : memref<128x128xf32, #tpu.memory_space<vmem_shared>>) dst(%arg10 : memref<128x128xf32, #tpu.memory_space<vmem>>)
      tpu.yield
    }) : () -> ()
    "tpu.region"() ({
      %run_scoped3A = tpu.sem_alloc : memref<!tpu.dma_semaphore, #tpu.memory_space<semaphore_mem>>
      %dma_start3A = arith.constant 0 : i32
      %dma_start3A_49 = tpu.memref_slice %arg6[%arg0, %add3A_36, %dma_start3A] : memref<2x10240x128xf32, #tpu.memory_space<hbm>> -> memref<1x128x128xf32, #tpu.memory_space<hbm>>
      %dma_start3A_50 = tpu.memref_squeeze %dma_start3A_49 : memref<1x128x128xf32, #tpu.memory_space<hbm>> -> memref<128x128xf32, #tpu.memory_space<hbm>>
      %dma_start3A_51 = arith.constant 0 : i32
      %dma_start3A_52 = tpu.memref_slice %arg6[%arg0, %add3A_36, %dma_start3A_51] : memref<2x10240x128xf32, #tpu.memory_space<hbm>> -> memref<1x128x128xf32, #tpu.memory_space<hbm>>
      %dma_start3A_53 = tpu.memref_squeeze %dma_start3A_52 : memref<1x128x128xf32, #tpu.memory_space<hbm>> -> memref<128x128xf32, #tpu.memory_space<hbm>>
      tpu.enqueue_dma source(%arg10 : memref<128x128xf32, #tpu.memory_space<vmem>>) target(%dma_start3A_53 : memref<128x128xf32, #tpu.memory_space<hbm>>) target_semaphore(%run_scoped3A : memref<!tpu.dma_semaphore, #tpu.memory_space<semaphore_mem>>)
      %dma_wait3A = arith.constant 0 : i32
      %dma_wait3A_54 = tpu.memref_slice %arg6[%arg0, %add3A_36, %dma_wait3A] : memref<2x10240x128xf32, #tpu.memory_space<hbm>> -> memref<1x128x128xf32, #tpu.memory_space<hbm>>
      %dma_wait3A_55 = tpu.memref_squeeze %dma_wait3A_54 : memref<1x128x128xf32, #tpu.memory_space<hbm>> -> memref<128x128xf32, #tpu.memory_space<hbm>>
      %dma_wait3A_56 = arith.constant 0 : i32
      %dma_wait3A_57 = tpu.memref_slice %arg6[%arg0, %add3A_36, %dma_wait3A_56] : memref<2x10240x128xf32, #tpu.memory_space<hbm>> -> memref<1x128x128xf32, #tpu.memory_space<hbm>>
      %dma_wait3A_58 = tpu.memref_squeeze %dma_wait3A_57 : memref<1x128x128xf32, #tpu.memory_space<hbm>> -> memref<128x128xf32, #tpu.memory_space<hbm>>
      tpu.wait_dma2 semaphore(%run_scoped3A : memref<!tpu.dma_semaphore, #tpu.memory_space<semaphore_mem>>) src(%arg10 : memref<128x128xf32, #tpu.memory_space<vmem>>) dst(%dma_wait3A_58 : memref<128x128xf32, #tpu.memory_space<hbm>>)
      tpu.yield
    }) : () -> ()
    %mul3A_37 = arith.constant 640 : i32
    %mul3A_38 = arith.muli %arg1, %mul3A_37 : i32
    %add3A_39 = arith.constant 256 : i32
    %add3A_40 = arith.addi %mul3A_38, %add3A_39 : i32
    "tpu.region"() ({
      %run_scoped3A = tpu.sem_alloc : memref<!tpu.dma_semaphore, #tpu.memory_space<semaphore_mem>>
      %dma_start3A = arith.constant 0 : i32
      %dma_start3A_49 = tpu.memref_slice %arg11[%add3A_40, %dma_start3A] : memref<10240x128xf32, #tpu.memory_space<vmem_shared>> -> memref<128x128xf32, #tpu.memory_space<vmem_shared>>
      %dma_start3A_50 = arith.constant 0 : i32
      %dma_start3A_51 = tpu.memref_slice %arg11[%add3A_40, %dma_start3A_50] : memref<10240x128xf32, #tpu.memory_space<vmem_shared>> -> memref<128x128xf32, #tpu.memory_space<vmem_shared>>
      tpu.enqueue_dma source(%dma_start3A_51 : memref<128x128xf32, #tpu.memory_space<vmem_shared>>) target(%arg10 : memref<128x128xf32, #tpu.memory_space<vmem>>) target_semaphore(%run_scoped3A : memref<!tpu.dma_semaphore, #tpu.memory_space<semaphore_mem>>)
      %dma_wait3A = arith.constant 0 : i32
      %dma_wait3A_52 = tpu.memref_slice %arg11[%add3A_40, %dma_wait3A] : memref<10240x128xf32, #tpu.memory_space<vmem_shared>> -> memref<128x128xf32, #tpu.memory_space<vmem_shared>>
      %dma_wait3A_53 = arith.constant 0 : i32
      %dma_wait3A_54 = tpu.memref_slice %arg11[%add3A_40, %dma_wait3A_53] : memref<10240x128xf32, #tpu.memory_space<vmem_shared>> -> memref<128x128xf32, #tpu.memory_space<vmem_shared>>
      tpu.wait_dma2 semaphore(%run_scoped3A : memref<!tpu.dma_semaphore, #tpu.memory_space<semaphore_mem>>) src(%dma_wait3A_54 : memref<128x128xf32, #tpu.memory_space<vmem_shared>>) dst(%arg10 : memref<128x128xf32, #tpu.memory_space<vmem>>)
      tpu.yield
    }) : () -> ()
    "tpu.region"() ({
      %run_scoped3A = tpu.sem_alloc : memref<!tpu.dma_semaphore, #tpu.memory_space<semaphore_mem>>
      %dma_start3A = arith.constant 0 : i32
      %dma_start3A_49 = tpu.memref_slice %arg6[%arg0, %add3A_40, %dma_start3A] : memref<2x10240x128xf32, #tpu.memory_space<hbm>> -> memref<1x128x128xf32, #tpu.memory_space<hbm>>
      %dma_start3A_50 = tpu.memref_squeeze %dma_start3A_49 : memref<1x128x128xf32, #tpu.memory_space<hbm>> -> memref<128x128xf32, #tpu.memory_space<hbm>>
      %dma_start3A_51 = arith.constant 0 : i32
      %dma_start3A_52 = tpu.memref_slice %arg6[%arg0, %add3A_40, %dma_start3A_51] : memref<2x10240x128xf32, #tpu.memory_space<hbm>> -> memref<1x128x128xf32, #tpu.memory_space<hbm>>
      %dma_start3A_53 = tpu.memref_squeeze %dma_start3A_52 : memref<1x128x128xf32, #tpu.memory_space<hbm>> -> memref<128x128xf32, #tpu.memory_space<hbm>>
      tpu.enqueue_dma source(%arg10 : memref<128x128xf32, #tpu.memory_space<vmem>>) target(%dma_start3A_53 : memref<128x128xf32, #tpu.memory_space<hbm>>) target_semaphore(%run_scoped3A : memref<!tpu.dma_semaphore, #tpu.memory_space<semaphore_mem>>)
      %dma_wait3A = arith.constant 0 : i32
      %dma_wait3A_54 = tpu.memref_slice %arg6[%arg0, %add3A_40, %dma_wait3A] : memref<2x10240x128xf32, #tpu.memory_space<hbm>> -> memref<1x128x128xf32, #tpu.memory_space<hbm>>
      %dma_wait3A_55 = tpu.memref_squeeze %dma_wait3A_54 : memref<1x128x128xf32, #tpu.memory_space<hbm>> -> memref<128x128xf32, #tpu.memory_space<hbm>>
      %dma_wait3A_56 = arith.constant 0 : i32
      %dma_wait3A_57 = tpu.memref_slice %arg6[%arg0, %add3A_40, %dma_wait3A_56] : memref<2x10240x128xf32, #tpu.memory_space<hbm>> -> memref<1x128x128xf32, #tpu.memory_space<hbm>>
      %dma_wait3A_58 = tpu.memref_squeeze %dma_wait3A_57 : memref<1x128x128xf32, #tpu.memory_space<hbm>> -> memref<128x128xf32, #tpu.memory_space<hbm>>
      tpu.wait_dma2 semaphore(%run_scoped3A : memref<!tpu.dma_semaphore, #tpu.memory_space<semaphore_mem>>) src(%arg10 : memref<128x128xf32, #tpu.memory_space<vmem>>) dst(%dma_wait3A_58 : memref<128x128xf32, #tpu.memory_space<hbm>>)
      tpu.yield
    }) : () -> ()
    %mul3A_41 = arith.constant 640 : i32
    %mul3A_42 = arith.muli %arg1, %mul3A_41 : i32
    %add3A_43 = arith.constant 384 : i32
    %add3A_44 = arith.addi %mul3A_42, %add3A_43 : i32
    "tpu.region"() ({
      %run_scoped3A = tpu.sem_alloc : memref<!tpu.dma_semaphore, #tpu.memory_space<semaphore_mem>>
      %dma_start3A = arith.constant 0 : i32
      %dma_start3A_49 = tpu.memref_slice %arg11[%add3A_44, %dma_start3A] : memref<10240x128xf32, #tpu.memory_space<vmem_shared>> -> memref<128x128xf32, #tpu.memory_space<vmem_shared>>
      %dma_start3A_50 = arith.constant 0 : i32
      %dma_start3A_51 = tpu.memref_slice %arg11[%add3A_44, %dma_start3A_50] : memref<10240x128xf32, #tpu.memory_space<vmem_shared>> -> memref<128x128xf32, #tpu.memory_space<vmem_shared>>
      tpu.enqueue_dma source(%dma_start3A_51 : memref<128x128xf32, #tpu.memory_space<vmem_shared>>) target(%arg10 : memref<128x128xf32, #tpu.memory_space<vmem>>) target_semaphore(%run_scoped3A : memref<!tpu.dma_semaphore, #tpu.memory_space<semaphore_mem>>)
      %dma_wait3A = arith.constant 0 : i32
      %dma_wait3A_52 = tpu.memref_slice %arg11[%add3A_44, %dma_wait3A] : memref<10240x128xf32, #tpu.memory_space<vmem_shared>> -> memref<128x128xf32, #tpu.memory_space<vmem_shared>>
      %dma_wait3A_53 = arith.constant 0 : i32
      %dma_wait3A_54 = tpu.memref_slice %arg11[%add3A_44, %dma_wait3A_53] : memref<10240x128xf32, #tpu.memory_space<vmem_shared>> -> memref<128x128xf32, #tpu.memory_space<vmem_shared>>
      tpu.wait_dma2 semaphore(%run_scoped3A : memref<!tpu.dma_semaphore, #tpu.memory_space<semaphore_mem>>) src(%dma_wait3A_54 : memref<128x128xf32, #tpu.memory_space<vmem_shared>>) dst(%arg10 : memref<128x128xf32, #tpu.memory_space<vmem>>)
      tpu.yield
    }) : () -> ()
    "tpu.region"() ({
      %run_scoped3A = tpu.sem_alloc : memref<!tpu.dma_semaphore, #tpu.memory_space<semaphore_mem>>
      %dma_start3A = arith.constant 0 : i32
      %dma_start3A_49 = tpu.memref_slice %arg6[%arg0, %add3A_44, %dma_start3A] : memref<2x10240x128xf32, #tpu.memory_space<hbm>> -> memref<1x128x128xf32, #tpu.memory_space<hbm>>
      %dma_start3A_50 = tpu.memref_squeeze %dma_start3A_49 : memref<1x128x128xf32, #tpu.memory_space<hbm>> -> memref<128x128xf32, #tpu.memory_space<hbm>>
      %dma_start3A_51 = arith.constant 0 : i32
      %dma_start3A_52 = tpu.memref_slice %arg6[%arg0, %add3A_44, %dma_start3A_51] : memref<2x10240x128xf32, #tpu.memory_space<hbm>> -> memref<1x128x128xf32, #tpu.memory_space<hbm>>
      %dma_start3A_53 = tpu.memref_squeeze %dma_start3A_52 : memref<1x128x128xf32, #tpu.memory_space<hbm>> -> memref<128x128xf32, #tpu.memory_space<hbm>>
      tpu.enqueue_dma source(%arg10 : memref<128x128xf32, #tpu.memory_space<vmem>>) target(%dma_start3A_53 : memref<128x128xf32, #tpu.memory_space<hbm>>) target_semaphore(%run_scoped3A : memref<!tpu.dma_semaphore, #tpu.memory_space<semaphore_mem>>)
      %dma_wait3A = arith.constant 0 : i32
      %dma_wait3A_54 = tpu.memref_slice %arg6[%arg0, %add3A_44, %dma_wait3A] : memref<2x10240x128xf32, #tpu.memory_space<hbm>> -> memref<1x128x128xf32, #tpu.memory_space<hbm>>
      %dma_wait3A_55 = tpu.memref_squeeze %dma_wait3A_54 : memref<1x128x128xf32, #tpu.memory_space<hbm>> -> memref<128x128xf32, #tpu.memory_space<hbm>>
      %dma_wait3A_56 = arith.constant 0 : i32
      %dma_wait3A_57 = tpu.memref_slice %arg6[%arg0, %add3A_44, %dma_wait3A_56] : memref<2x10240x128xf32, #tpu.memory_space<hbm>> -> memref<1x128x128xf32, #tpu.memory_space<hbm>>
      %dma_wait3A_58 = tpu.memref_squeeze %dma_wait3A_57 : memref<1x128x128xf32, #tpu.memory_space<hbm>> -> memref<128x128xf32, #tpu.memory_space<hbm>>
      tpu.wait_dma2 semaphore(%run_scoped3A : memref<!tpu.dma_semaphore, #tpu.memory_space<semaphore_mem>>) src(%arg10 : memref<128x128xf32, #tpu.memory_space<vmem>>) dst(%dma_wait3A_58 : memref<128x128xf32, #tpu.memory_space<hbm>>)
      tpu.yield
    }) : () -> ()
    %mul3A_45 = arith.constant 640 : i32
    %mul3A_46 = arith.muli %arg1, %mul3A_45 : i32
    %add3A_47 = arith.constant 512 : i32
    %add3A_48 = arith.addi %mul3A_46, %add3A_47 : i32
    "tpu.region"() ({
      %run_scoped3A = tpu.sem_alloc : memref<!tpu.dma_semaphore, #tpu.memory_space<semaphore_mem>>
      %dma_start3A = arith.constant 0 : i32
      %dma_start3A_49 = tpu.memref_slice %arg11[%add3A_48, %dma_start3A] : memref<10240x128xf32, #tpu.memory_space<vmem_shared>> -> memref<128x128xf32, #tpu.memory_space<vmem_shared>>
      %dma_start3A_50 = arith.constant 0 : i32
      %dma_start3A_51 = tpu.memref_slice %arg11[%add3A_48, %dma_start3A_50] : memref<10240x128xf32, #tpu.memory_space<vmem_shared>> -> memref<128x128xf32, #tpu.memory_space<vmem_shared>>
      tpu.enqueue_dma source(%dma_start3A_51 : memref<128x128xf32, #tpu.memory_space<vmem_shared>>) target(%arg10 : memref<128x128xf32, #tpu.memory_space<vmem>>) target_semaphore(%run_scoped3A : memref<!tpu.dma_semaphore, #tpu.memory_space<semaphore_mem>>)
      %dma_wait3A = arith.constant 0 : i32
      %dma_wait3A_52 = tpu.memref_slice %arg11[%add3A_48, %dma_wait3A] : memref<10240x128xf32, #tpu.memory_space<vmem_shared>> -> memref<128x128xf32, #tpu.memory_space<vmem_shared>>
      %dma_wait3A_53 = arith.constant 0 : i32
      %dma_wait3A_54 = tpu.memref_slice %arg11[%add3A_48, %dma_wait3A_53] : memref<10240x128xf32, #tpu.memory_space<vmem_shared>> -> memref<128x128xf32, #tpu.memory_space<vmem_shared>>
      tpu.wait_dma2 semaphore(%run_scoped3A : memref<!tpu.dma_semaphore, #tpu.memory_space<semaphore_mem>>) src(%dma_wait3A_54 : memref<128x128xf32, #tpu.memory_space<vmem_shared>>) dst(%arg10 : memref<128x128xf32, #tpu.memory_space<vmem>>)
      tpu.yield
    }) : () -> ()
    "tpu.region"() ({
      %run_scoped3A = tpu.sem_alloc : memref<!tpu.dma_semaphore, #tpu.memory_space<semaphore_mem>>
      %dma_start3A = arith.constant 0 : i32
      %dma_start3A_49 = tpu.memref_slice %arg6[%arg0, %add3A_48, %dma_start3A] : memref<2x10240x128xf32, #tpu.memory_space<hbm>> -> memref<1x128x128xf32, #tpu.memory_space<hbm>>
      %dma_start3A_50 = tpu.memref_squeeze %dma_start3A_49 : memref<1x128x128xf32, #tpu.memory_space<hbm>> -> memref<128x128xf32, #tpu.memory_space<hbm>>
      %dma_start3A_51 = arith.constant 0 : i32
      %dma_start3A_52 = tpu.memref_slice %arg6[%arg0, %add3A_48, %dma_start3A_51] : memref<2x10240x128xf32, #tpu.memory_space<hbm>> -> memref<1x128x128xf32, #tpu.memory_space<hbm>>
      %dma_start3A_53 = tpu.memref_squeeze %dma_start3A_52 : memref<1x128x128xf32, #tpu.memory_space<hbm>> -> memref<128x128xf32, #tpu.memory_space<hbm>>
      tpu.enqueue_dma source(%arg10 : memref<128x128xf32, #tpu.memory_space<vmem>>) target(%dma_start3A_53 : memref<128x128xf32, #tpu.memory_space<hbm>>) target_semaphore(%run_scoped3A : memref<!tpu.dma_semaphore, #tpu.memory_space<semaphore_mem>>)
      %dma_wait3A = arith.constant 0 : i32
      %dma_wait3A_54 = tpu.memref_slice %arg6[%arg0, %add3A_48, %dma_wait3A] : memref<2x10240x128xf32, #tpu.memory_space<hbm>> -> memref<1x128x128xf32, #tpu.memory_space<hbm>>
      %dma_wait3A_55 = tpu.memref_squeeze %dma_wait3A_54 : memref<1x128x128xf32, #tpu.memory_space<hbm>> -> memref<128x128xf32, #tpu.memory_space<hbm>>
      %dma_wait3A_56 = arith.constant 0 : i32
      %dma_wait3A_57 = tpu.memref_slice %arg6[%arg0, %add3A_48, %dma_wait3A_56] : memref<2x10240x128xf32, #tpu.memory_space<hbm>> -> memref<1x128x128xf32, #tpu.memory_space<hbm>>
      %dma_wait3A_58 = tpu.memref_squeeze %dma_wait3A_57 : memref<1x128x128xf32, #tpu.memory_space<hbm>> -> memref<128x128xf32, #tpu.memory_space<hbm>>
      tpu.wait_dma2 semaphore(%run_scoped3A : memref<!tpu.dma_semaphore, #tpu.memory_space<semaphore_mem>>) src(%arg10 : memref<128x128xf32, #tpu.memory_space<vmem>>) dst(%dma_wait3A_58 : memref<128x128xf32, #tpu.memory_space<hbm>>)
      tpu.yield
    }) : () -> ()
    return
  }
}

#map = affine_map<(d0, d1) -> (0, 0)>
#map1 = affine_map<(d0, d1) -> (0)>
#map2 = affine_map<(d0, d1) -> (0, 0, 0)>
module attributes {stable_mosaic.version = 14 : i64} {
  func.func @agg(%arg0: i32, %arg1: i32, %arg2: memref<10000x128xf32, #tpu.memory_space<hbm>>, %arg3: memref<320000xi32, #tpu.memory_space<hbm>>, %arg4: memref<320000xi32, #tpu.memory_space<hbm>>, %arg5: memref<128x128xf32, #tpu.memory_space<hbm>>, %arg6: memref<2x10240x128xf32, #tpu.memory_space<hbm>>, %arg7: memref<200xi32, #tpu.memory_space<vmem>>, %arg8: memref<200xi32, #tpu.memory_space<vmem>>, %arg9: memref<200x128xf32, #tpu.memory_space<vmem>>, %arg10: memref<128x128xf32, #tpu.memory_space<vmem>>, %arg11: memref<10240x128xf32, #tpu.memory_space<vmem_shared>>, %arg12: memref<!tpu.dma_semaphore, #tpu.memory_space<semaphore_mem>>) attributes {dimension_semantics = [#tpu.dimension_semantics<core_parallel>, #tpu.dimension_semantics<subcore_parallel>], iteration_bounds = array<i64: 2, 16>, scalar_prefetch = 0 : i64, scratch_operands = 6 : i64, tpu.core_type = #tpu.core_type<sc_vector_subcore>, window_params = [{transform_indices = #map}, {transform_indices = #map1}, {transform_indices = #map1}, {transform_indices = #map}, {transform_indices = #map2}]} {
    "tpu.region"() ({
      %run_scoped3A = tpu.sem_alloc : memref<!tpu.dma_semaphore, #tpu.memory_space<semaphore_mem>>
      tpu.enqueue_dma source(%arg5 : memref<128x128xf32, #tpu.memory_space<hbm>>) target(%arg10 : memref<128x128xf32, #tpu.memory_space<vmem>>) target_semaphore(%run_scoped3A : memref<!tpu.dma_semaphore, #tpu.memory_space<semaphore_mem>>)
      tpu.wait_dma2 semaphore(%run_scoped3A : memref<!tpu.dma_semaphore, #tpu.memory_space<semaphore_mem>>) src(%arg5 : memref<128x128xf32, #tpu.memory_space<hbm>>) dst(%arg10 : memref<128x128xf32, #tpu.memory_space<vmem>>)
      tpu.yield
    }) : () -> ()
    %mul3A = arith.constant 640 : i32
    %mul3A_0 = arith.muli %arg1, %mul3A : i32
    %add3A = arith.constant 0 : i32
    %add3A_1 = arith.addi %mul3A_0, %add3A : i32
    "tpu.region"() ({
      %run_scoped3A = tpu.sem_alloc : memref<!tpu.dma_semaphore, #tpu.memory_space<semaphore_mem>>
      %dma_start3A = arith.constant 0 : i32
      %dma_start3A_49 = tpu.memref_slice %arg11[%add3A_1, %dma_start3A] : memref<10240x128xf32, #tpu.memory_space<vmem_shared>> -> memref<128x128xf32, #tpu.memory_space<vmem_shared>>
      %dma_start3A_50 = arith.constant 0 : i32
      %dma_start3A_51 = tpu.memref_slice %arg11[%add3A_1, %dma_start3A_50] : memref<10240x128xf32, #tpu.memory_space<vmem_shared>> -> memref<128x128xf32, #tpu.memory_space<vmem_shared>>
      tpu.enqueue_dma source(%arg10 : memref<128x128xf32, #tpu.memory_space<vmem>>) target(%dma_start3A_51 : memref<128x128xf32, #tpu.memory_space<vmem_shared>>) target_semaphore(%run_scoped3A : memref<!tpu.dma_semaphore, #tpu.memory_space<semaphore_mem>>)
      %dma_wait3A = arith.constant 0 : i32
      %dma_wait3A_52 = tpu.memref_slice %arg11[%add3A_1, %dma_wait3A] : memref<10240x128xf32, #tpu.memory_space<vmem_shared>> -> memref<128x128xf32, #tpu.memory_space<vmem_shared>>
      %dma_wait3A_53 = arith.constant 0 : i32
      %dma_wait3A_54 = tpu.memref_slice %arg11[%add3A_1, %dma_wait3A_53] : memref<10240x128xf32, #tpu.memory_space<vmem_shared>> -> memref<128x128xf32, #tpu.memory_space<vmem_shared>>
      tpu.wait_dma2 semaphore(%run_scoped3A : memref<!tpu.dma_semaphore, #tpu.memory_space<semaphore_mem>>) src(%arg10 : memref<128x128xf32, #tpu.memory_space<vmem>>) dst(%dma_wait3A_54 : memref<128x128xf32, #tpu.memory_space<vmem_shared>>)
      tpu.yield
    }) : () -> ()
    %mul3A_2 = arith.constant 640 : i32
    %mul3A_3 = arith.muli %arg1, %mul3A_2 : i32
    %add3A_4 = arith.constant 128 : i32
    %add3A_5 = arith.addi %mul3A_3, %add3A_4 : i32
    "tpu.region"() ({
      %run_scoped3A = tpu.sem_alloc : memref<!tpu.dma_semaphore, #tpu.memory_space<semaphore_mem>>
      %dma_start3A = arith.constant 0 : i32
      %dma_start3A_49 = tpu.memref_slice %arg11[%add3A_5, %dma_start3A] : memref<10240x128xf32, #tpu.memory_space<vmem_shared>> -> memref<128x128xf32, #tpu.memory_space<vmem_shared>>
      %dma_start3A_50 = arith.constant 0 : i32
      %dma_start3A_51 = tpu.memref_slice %arg11[%add3A_5, %dma_start3A_50] : memref<10240x128xf32, #tpu.memory_space<vmem_shared>> -> memref<128x128xf32, #tpu.memory_space<vmem_shared>>
      tpu.enqueue_dma source(%arg10 : memref<128x128xf32, #tpu.memory_space<vmem>>) target(%dma_start3A_51 : memref<128x128xf32, #tpu.memory_space<vmem_shared>>) target_semaphore(%run_scoped3A : memref<!tpu.dma_semaphore, #tpu.memory_space<semaphore_mem>>)
      %dma_wait3A = arith.constant 0 : i32
      %dma_wait3A_52 = tpu.memref_slice %arg11[%add3A_5, %dma_wait3A] : memref<10240x128xf32, #tpu.memory_space<vmem_shared>> -> memref<128x128xf32, #tpu.memory_space<vmem_shared>>
      %dma_wait3A_53 = arith.constant 0 : i32
      %dma_wait3A_54 = tpu.memref_slice %arg11[%add3A_5, %dma_wait3A_53] : memref<10240x128xf32, #tpu.memory_space<vmem_shared>> -> memref<128x128xf32, #tpu.memory_space<vmem_shared>>
      tpu.wait_dma2 semaphore(%run_scoped3A : memref<!tpu.dma_semaphore, #tpu.memory_space<semaphore_mem>>) src(%arg10 : memref<128x128xf32, #tpu.memory_space<vmem>>) dst(%dma_wait3A_54 : memref<128x128xf32, #tpu.memory_space<vmem_shared>>)
      tpu.yield
    }) : () -> ()
    %mul3A_6 = arith.constant 640 : i32
    %mul3A_7 = arith.muli %arg1, %mul3A_6 : i32
    %add3A_8 = arith.constant 256 : i32
    %add3A_9 = arith.addi %mul3A_7, %add3A_8 : i32
    "tpu.region"() ({
      %run_scoped3A = tpu.sem_alloc : memref<!tpu.dma_semaphore, #tpu.memory_space<semaphore_mem>>
      %dma_start3A = arith.constant 0 : i32
      %dma_start3A_49 = tpu.memref_slice %arg11[%add3A_9, %dma_start3A] : memref<10240x128xf32, #tpu.memory_space<vmem_shared>> -> memref<128x128xf32, #tpu.memory_space<vmem_shared>>
      %dma_start3A_50 = arith.constant 0 : i32
      %dma_start3A_51 = tpu.memref_slice %arg11[%add3A_9, %dma_start3A_50] : memref<10240x128xf32, #tpu.memory_space<vmem_shared>> -> memref<128x128xf32, #tpu.memory_space<vmem_shared>>
      tpu.enqueue_dma source(%arg10 : memref<128x128xf32, #tpu.memory_space<vmem>>) target(%dma_start3A_51 : memref<128x128xf32, #tpu.memory_space<vmem_shared>>) target_semaphore(%run_scoped3A : memref<!tpu.dma_semaphore, #tpu.memory_space<semaphore_mem>>)
      %dma_wait3A = arith.constant 0 : i32
      %dma_wait3A_52 = tpu.memref_slice %arg11[%add3A_9, %dma_wait3A] : memref<10240x128xf32, #tpu.memory_space<vmem_shared>> -> memref<128x128xf32, #tpu.memory_space<vmem_shared>>
      %dma_wait3A_53 = arith.constant 0 : i32
      %dma_wait3A_54 = tpu.memref_slice %arg11[%add3A_9, %dma_wait3A_53] : memref<10240x128xf32, #tpu.memory_space<vmem_shared>> -> memref<128x128xf32, #tpu.memory_space<vmem_shared>>
      tpu.wait_dma2 semaphore(%run_scoped3A : memref<!tpu.dma_semaphore, #tpu.memory_space<semaphore_mem>>) src(%arg10 : memref<128x128xf32, #tpu.memory_space<vmem>>) dst(%dma_wait3A_54 : memref<128x128xf32, #tpu.memory_space<vmem_shared>>)
      tpu.yield
    }) : () -> ()
    %mul3A_10 = arith.constant 640 : i32
    %mul3A_11 = arith.muli %arg1, %mul3A_10 : i32
    %add3A_12 = arith.constant 384 : i32
    %add3A_13 = arith.addi %mul3A_11, %add3A_12 : i32
    "tpu.region"() ({
      %run_scoped3A = tpu.sem_alloc : memref<!tpu.dma_semaphore, #tpu.memory_space<semaphore_mem>>
      %dma_start3A = arith.constant 0 : i32
      %dma_start3A_49 = tpu.memref_slice %arg11[%add3A_13, %dma_start3A] : memref<10240x128xf32, #tpu.memory_space<vmem_shared>> -> memref<128x128xf32, #tpu.memory_space<vmem_shared>>
      %dma_start3A_50 = arith.constant 0 : i32
      %dma_start3A_51 = tpu.memref_slice %arg11[%add3A_13, %dma_start3A_50] : memref<10240x128xf32, #tpu.memory_space<vmem_shared>> -> memref<128x128xf32, #tpu.memory_space<vmem_shared>>
      tpu.enqueue_dma source(%arg10 : memref<128x128xf32, #tpu.memory_space<vmem>>) target(%dma_start3A_51 : memref<128x128xf32, #tpu.memory_space<vmem_shared>>) target_semaphore(%run_scoped3A : memref<!tpu.dma_semaphore, #tpu.memory_space<semaphore_mem>>)
      %dma_wait3A = arith.constant 0 : i32
      %dma_wait3A_52 = tpu.memref_slice %arg11[%add3A_13, %dma_wait3A] : memref<10240x128xf32, #tpu.memory_space<vmem_shared>> -> memref<128x128xf32, #tpu.memory_space<vmem_shared>>
      %dma_wait3A_53 = arith.constant 0 : i32
      %dma_wait3A_54 = tpu.memref_slice %arg11[%add3A_13, %dma_wait3A_53] : memref<10240x128xf32, #tpu.memory_space<vmem_shared>> -> memref<128x128xf32, #tpu.memory_space<vmem_shared>>
      tpu.wait_dma2 semaphore(%run_scoped3A : memref<!tpu.dma_semaphore, #tpu.memory_space<semaphore_mem>>) src(%arg10 : memref<128x128xf32, #tpu.memory_space<vmem>>) dst(%dma_wait3A_54 : memref<128x128xf32, #tpu.memory_space<vmem_shared>>)
      tpu.yield
    }) : () -> ()
    %mul3A_14 = arith.constant 640 : i32
    %mul3A_15 = arith.muli %arg1, %mul3A_14 : i32
    %add3A_16 = arith.constant 512 : i32
    %add3A_17 = arith.addi %mul3A_15, %add3A_16 : i32
    "tpu.region"() ({
      %run_scoped3A = tpu.sem_alloc : memref<!tpu.dma_semaphore, #tpu.memory_space<semaphore_mem>>
      %dma_start3A = arith.constant 0 : i32
      %dma_start3A_49 = tpu.memref_slice %arg11[%add3A_17, %dma_start3A] : memref<10240x128xf32, #tpu.memory_space<vmem_shared>> -> memref<128x128xf32, #tpu.memory_space<vmem_shared>>
      %dma_start3A_50 = arith.constant 0 : i32
      %dma_start3A_51 = tpu.memref_slice %arg11[%add3A_17, %dma_start3A_50] : memref<10240x128xf32, #tpu.memory_space<vmem_shared>> -> memref<128x128xf32, #tpu.memory_space<vmem_shared>>
      tpu.enqueue_dma source(%arg10 : memref<128x128xf32, #tpu.memory_space<vmem>>) target(%dma_start3A_51 : memref<128x128xf32, #tpu.memory_space<vmem_shared>>) target_semaphore(%run_scoped3A : memref<!tpu.dma_semaphore, #tpu.memory_space<semaphore_mem>>)
      %dma_wait3A = arith.constant 0 : i32
      %dma_wait3A_52 = tpu.memref_slice %arg11[%add3A_17, %dma_wait3A] : memref<10240x128xf32, #tpu.memory_space<vmem_shared>> -> memref<128x128xf32, #tpu.memory_space<vmem_shared>>
      %dma_wait3A_53 = arith.constant 0 : i32
      %dma_wait3A_54 = tpu.memref_slice %arg11[%add3A_17, %dma_wait3A_53] : memref<10240x128xf32, #tpu.memory_space<vmem_shared>> -> memref<128x128xf32, #tpu.memory_space<vmem_shared>>
      tpu.wait_dma2 semaphore(%run_scoped3A : memref<!tpu.dma_semaphore, #tpu.memory_space<semaphore_mem>>) src(%arg10 : memref<128x128xf32, #tpu.memory_space<vmem>>) dst(%dma_wait3A_54 : memref<128x128xf32, #tpu.memory_space<vmem_shared>>)
      tpu.yield
    }) : () -> ()
    %barrier3A = arith.constant 0 : index
    tpu.barrier barrier_id(%barrier3A)
    %mul3A_18 = arith.constant 16 : i32
    %mul3A_19 = arith.muli %arg0, %mul3A_18 : i32
    %add3A_20 = arith.addi %mul3A_19, %arg1 : i32
    %mul3A_21 = arith.constant 10000 : i32
    %mul3A_22 = arith.muli %add3A_20, %mul3A_21 : i32
    %scan3A = arith.constant 0 : i32
    %scan3A_23 = arith.constant 0 : i32
    %scan3A_24 = arith.constant 50 : i32
    %scan3A_25 = arith.addi %scan3A_23, %scan3A_24 : i32
    %scan3A_26 = arith.constant 1 : i32
    scf.for %scan3A_49 = %scan3A_23 to %scan3A_25 step %scan3A_26  : i32 {
      %mul3A_50 = arith.constant 200 : i32
      %mul3A_51 = arith.muli %scan3A_49, %mul3A_50 : i32
      %add3A_52 = arith.addi %mul3A_22, %mul3A_51 : i32
      "tpu.region"() ({
        %run_scoped3A = tpu.sem_alloc : memref<!tpu.dma_semaphore, #tpu.memory_space<semaphore_mem>>
        %dma_start3A_57 = tpu.memref_slice %arg3[%add3A_52] : memref<320000xi32, #tpu.memory_space<hbm>> -> memref<200xi32, #tpu.memory_space<hbm>>
        %dma_start3A_58 = tpu.memref_slice %arg3[%add3A_52] : memref<320000xi32, #tpu.memory_space<hbm>> -> memref<200xi32, #tpu.memory_space<hbm>>
        tpu.enqueue_dma source(%dma_start3A_58 : memref<200xi32, #tpu.memory_space<hbm>>) target(%arg7 : memref<200xi32, #tpu.memory_space<vmem>>) target_semaphore(%run_scoped3A : memref<!tpu.dma_semaphore, #tpu.memory_space<semaphore_mem>>)
        %dma_wait3A_59 = tpu.memref_slice %arg3[%add3A_52] : memref<320000xi32, #tpu.memory_space<hbm>> -> memref<200xi32, #tpu.memory_space<hbm>>
        %dma_wait3A_60 = tpu.memref_slice %arg3[%add3A_52] : memref<320000xi32, #tpu.memory_space<hbm>> -> memref<200xi32, #tpu.memory_space<hbm>>
        tpu.wait_dma2 semaphore(%run_scoped3A : memref<!tpu.dma_semaphore, #tpu.memory_space<semaphore_mem>>) src(%dma_wait3A_60 : memref<200xi32, #tpu.memory_space<hbm>>) dst(%arg7 : memref<200xi32, #tpu.memory_space<vmem>>)
        tpu.yield
      }) : () -> ()
      "tpu.region"() ({
        %run_scoped3A = tpu.sem_alloc : memref<!tpu.dma_semaphore, #tpu.memory_space<semaphore_mem>>
        %dma_start3A_57 = tpu.memref_slice %arg4[%add3A_52] : memref<320000xi32, #tpu.memory_space<hbm>> -> memref<200xi32, #tpu.memory_space<hbm>>
        %dma_start3A_58 = tpu.memref_slice %arg4[%add3A_52] : memref<320000xi32, #tpu.memory_space<hbm>> -> memref<200xi32, #tpu.memory_space<hbm>>
        tpu.enqueue_dma source(%dma_start3A_58 : memref<200xi32, #tpu.memory_space<hbm>>) target(%arg8 : memref<200xi32, #tpu.memory_space<vmem>>) target_semaphore(%run_scoped3A : memref<!tpu.dma_semaphore, #tpu.memory_space<semaphore_mem>>)
        %dma_wait3A_59 = tpu.memref_slice %arg4[%add3A_52] : memref<320000xi32, #tpu.memory_space<hbm>> -> memref<200xi32, #tpu.memory_space<hbm>>
        %dma_wait3A_60 = tpu.memref_slice %arg4[%add3A_52] : memref<320000xi32, #tpu.memory_space<hbm>> -> memref<200xi32, #tpu.memory_space<hbm>>
        tpu.wait_dma2 semaphore(%run_scoped3A : memref<!tpu.dma_semaphore, #tpu.memory_space<semaphore_mem>>) src(%dma_wait3A_60 : memref<200xi32, #tpu.memory_space<hbm>>) dst(%arg8 : memref<200xi32, #tpu.memory_space<vmem>>)
        tpu.yield
      }) : () -> ()
      %dma_start3A = arith.constant 0 : i32
      %dma_start3A_53 = arith.constant 0 : i32
      %dma_start3A_54 = tpu.memref_slice %arg2[%dma_start3A, %dma_start3A_53] : memref<10000x128xf32, #tpu.memory_space<hbm>> -> memref<10000x128xf32, #tpu.memory_space<hbm>>
      tpu.enqueue_indirect_dma source(%dma_start3A_54 : memref<10000x128xf32, #tpu.memory_space<hbm>>) target(%arg9 : memref<200x128xf32, #tpu.memory_space<vmem>>) offsets(%arg7 : memref<200xi32, #tpu.memory_space<vmem>>) semaphore(%arg12 : memref<!tpu.dma_semaphore, #tpu.memory_space<semaphore_mem>>)
      %dma_wait3A = arith.constant 0 : i32
      %dma_wait3A_55 = arith.constant 0 : i32
      %dma_wait3A_56 = tpu.memref_slice %arg2[%dma_wait3A, %dma_wait3A_55] : memref<10000x128xf32, #tpu.memory_space<hbm>> -> memref<10000x128xf32, #tpu.memory_space<hbm>>
      tpu.wait_indirect_dma semaphore(%arg12 : memref<!tpu.dma_semaphore, #tpu.memory_space<semaphore_mem>>) src(%dma_wait3A_56 : memref<10000x128xf32, #tpu.memory_space<hbm>>) dst(%arg9 : memref<200x128xf32, #tpu.memory_space<vmem>>)
      "tpu.region"() ({
        %run_scoped3A = tpu.sem_alloc : memref<!tpu.dma_semaphore, #tpu.memory_space<semaphore_mem>>
        %dma_start3A_57 = arith.constant 0 : i32
        %dma_start3A_58 = arith.constant 0 : i32
        %dma_start3A_59 = tpu.memref_slice %arg11[%dma_start3A_57, %dma_start3A_58] : memref<10240x128xf32, #tpu.memory_space<vmem_shared>> -> memref<10240x128xf32, #tpu.memory_space<vmem_shared>>
        tpu.enqueue_indirect_dma source(%arg9 : memref<200x128xf32, #tpu.memory_space<vmem>>) target(%dma_start3A_59 : memref<10240x128xf32, #tpu.memory_space<vmem_shared>>) offsets(%arg8 : memref<200xi32, #tpu.memory_space<vmem>>) semaphore(%run_scoped3A : memref<!tpu.dma_semaphore, #tpu.memory_space<semaphore_mem>>) {add = true}
        %dma_wait3A_60 = arith.constant 0 : i32
        %dma_wait3A_61 = arith.constant 0 : i32
        %dma_wait3A_62 = tpu.memref_slice %arg11[%dma_wait3A_60, %dma_wait3A_61] : memref<10240x128xf32, #tpu.memory_space<vmem_shared>> -> memref<10240x128xf32, #tpu.memory_space<vmem_shared>>
        tpu.wait_indirect_dma semaphore(%run_scoped3A : memref<!tpu.dma_semaphore, #tpu.memory_space<semaphore_mem>>) src(%arg9 : memref<200x128xf32, #tpu.memory_space<vmem>>) dst(%dma_wait3A_62 : memref<10240x128xf32, #tpu.memory_space<vmem_shared>>)
        tpu.yield
      }) : () -> ()
    }
    %scan3A_27 = arith.constant 50 : i32
    %barrier3A_28 = arith.constant 0 : index
    tpu.barrier barrier_id(%barrier3A_28)
    %mul3A_29 = arith.constant 640 : i32
    %mul3A_30 = arith.muli %arg1, %mul3A_29 : i32
    %add3A_31 = arith.constant 0 : i32
    %add3A_32 = arith.addi %mul3A_30, %add3A_31 : i32
    "tpu.region"() ({
      %run_scoped3A = tpu.sem_alloc : memref<!tpu.dma_semaphore, #tpu.memory_space<semaphore_mem>>
      %dma_start3A = arith.constant 0 : i32
      %dma_start3A_49 = tpu.memref_slice %arg11[%add3A_32, %dma_start3A] : memref<10240x128xf32, #tpu.memory_space<vmem_shared>> -> memref<128x128xf32, #tpu.memory_space<vmem_shared>>
      %dma_start3A_50 = arith.constant 0 : i32
      %dma_start3A_51 = tpu.memref_slice %arg11[%add3A_32, %dma_start3A_50] : memref<10240x128xf32, #tpu.memory_space<vmem_shared>> -> memref<128x128xf32, #tpu.memory_space<vmem_shared>>
      tpu.enqueue_dma source(%dma_start3A_51 : memref<128x128xf32, #tpu.memory_space<vmem_shared>>) target(%arg10 : memref<128x128xf32, #tpu.memory_space<vmem>>) target_semaphore(%run_scoped3A : memref<!tpu.dma_semaphore, #tpu.memory_space<semaphore_mem>>)
      %dma_wait3A = arith.constant 0 : i32
      %dma_wait3A_52 = tpu.memref_slice %arg11[%add3A_32, %dma_wait3A] : memref<10240x128xf32, #tpu.memory_space<vmem_shared>> -> memref<128x128xf32, #tpu.memory_space<vmem_shared>>
      %dma_wait3A_53 = arith.constant 0 : i32
      %dma_wait3A_54 = tpu.memref_slice %arg11[%add3A_32, %dma_wait3A_53] : memref<10240x128xf32, #tpu.memory_space<vmem_shared>> -> memref<128x128xf32, #tpu.memory_space<vmem_shared>>
      tpu.wait_dma2 semaphore(%run_scoped3A : memref<!tpu.dma_semaphore, #tpu.memory_space<semaphore_mem>>) src(%dma_wait3A_54 : memref<128x128xf32, #tpu.memory_space<vmem_shared>>) dst(%arg10 : memref<128x128xf32, #tpu.memory_space<vmem>>)
      tpu.yield
    }) : () -> ()
    "tpu.region"() ({
      %run_scoped3A = tpu.sem_alloc : memref<!tpu.dma_semaphore, #tpu.memory_space<semaphore_mem>>
      %dma_start3A = arith.constant 0 : i32
      %dma_start3A_49 = tpu.memref_slice %arg6[%arg0, %add3A_32, %dma_start3A] : memref<2x10240x128xf32, #tpu.memory_space<hbm>> -> memref<1x128x128xf32, #tpu.memory_space<hbm>>
      %dma_start3A_50 = tpu.memref_squeeze %dma_start3A_49 : memref<1x128x128xf32, #tpu.memory_space<hbm>> -> memref<128x128xf32, #tpu.memory_space<hbm>>
      %dma_start3A_51 = arith.constant 0 : i32
      %dma_start3A_52 = tpu.memref_slice %arg6[%arg0, %add3A_32, %dma_start3A_51] : memref<2x10240x128xf32, #tpu.memory_space<hbm>> -> memref<1x128x128xf32, #tpu.memory_space<hbm>>
      %dma_start3A_53 = tpu.memref_squeeze %dma_start3A_52 : memref<1x128x128xf32, #tpu.memory_space<hbm>> -> memref<128x128xf32, #tpu.memory_space<hbm>>
      tpu.enqueue_dma source(%arg10 : memref<128x128xf32, #tpu.memory_space<vmem>>) target(%dma_start3A_53 : memref<128x128xf32, #tpu.memory_space<hbm>>) target_semaphore(%run_scoped3A : memref<!tpu.dma_semaphore, #tpu.memory_space<semaphore_mem>>)
      %dma_wait3A = arith.constant 0 : i32
      %dma_wait3A_54 = tpu.memref_slice %arg6[%arg0, %add3A_32, %dma_wait3A] : memref<2x10240x128xf32, #tpu.memory_space<hbm>> -> memref<1x128x128xf32, #tpu.memory_space<hbm>>
      %dma_wait3A_55 = tpu.memref_squeeze %dma_wait3A_54 : memref<1x128x128xf32, #tpu.memory_space<hbm>> -> memref<128x128xf32, #tpu.memory_space<hbm>>
      %dma_wait3A_56 = arith.constant 0 : i32
      %dma_wait3A_57 = tpu.memref_slice %arg6[%arg0, %add3A_32, %dma_wait3A_56] : memref<2x10240x128xf32, #tpu.memory_space<hbm>> -> memref<1x128x128xf32, #tpu.memory_space<hbm>>
      %dma_wait3A_58 = tpu.memref_squeeze %dma_wait3A_57 : memref<1x128x128xf32, #tpu.memory_space<hbm>> -> memref<128x128xf32, #tpu.memory_space<hbm>>
      tpu.wait_dma2 semaphore(%run_scoped3A : memref<!tpu.dma_semaphore, #tpu.memory_space<semaphore_mem>>) src(%arg10 : memref<128x128xf32, #tpu.memory_space<vmem>>) dst(%dma_wait3A_58 : memref<128x128xf32, #tpu.memory_space<hbm>>)
      tpu.yield
    }) : () -> ()
    %mul3A_33 = arith.constant 640 : i32
    %mul3A_34 = arith.muli %arg1, %mul3A_33 : i32
    %add3A_35 = arith.constant 128 : i32
    %add3A_36 = arith.addi %mul3A_34, %add3A_35 : i32
    "tpu.region"() ({
      %run_scoped3A = tpu.sem_alloc : memref<!tpu.dma_semaphore, #tpu.memory_space<semaphore_mem>>
      %dma_start3A = arith.constant 0 : i32
      %dma_start3A_49 = tpu.memref_slice %arg11[%add3A_36, %dma_start3A] : memref<10240x128xf32, #tpu.memory_space<vmem_shared>> -> memref<128x128xf32, #tpu.memory_space<vmem_shared>>
      %dma_start3A_50 = arith.constant 0 : i32
      %dma_start3A_51 = tpu.memref_slice %arg11[%add3A_36, %dma_start3A_50] : memref<10240x128xf32, #tpu.memory_space<vmem_shared>> -> memref<128x128xf32, #tpu.memory_space<vmem_shared>>
      tpu.enqueue_dma source(%dma_start3A_51 : memref<128x128xf32, #tpu.memory_space<vmem_shared>>) target(%arg10 : memref<128x128xf32, #tpu.memory_space<vmem>>) target_semaphore(%run_scoped3A : memref<!tpu.dma_semaphore, #tpu.memory_space<semaphore_mem>>)
      %dma_wait3A = arith.constant 0 : i32
      %dma_wait3A_52 = tpu.memref_slice %arg11[%add3A_36, %dma_wait3A] : memref<10240x128xf32, #tpu.memory_space<vmem_shared>> -> memref<128x128xf32, #tpu.memory_space<vmem_shared>>
      %dma_wait3A_53 = arith.constant 0 : i32
      %dma_wait3A_54 = tpu.memref_slice %arg11[%add3A_36, %dma_wait3A_53] : memref<10240x128xf32, #tpu.memory_space<vmem_shared>> -> memref<128x128xf32, #tpu.memory_space<vmem_shared>>
      tpu.wait_dma2 semaphore(%run_scoped3A : memref<!tpu.dma_semaphore, #tpu.memory_space<semaphore_mem>>) src(%dma_wait3A_54 : memref<128x128xf32, #tpu.memory_space<vmem_shared>>) dst(%arg10 : memref<128x128xf32, #tpu.memory_space<vmem>>)
      tpu.yield
    }) : () -> ()
    "tpu.region"() ({
      %run_scoped3A = tpu.sem_alloc : memref<!tpu.dma_semaphore, #tpu.memory_space<semaphore_mem>>
      %dma_start3A = arith.constant 0 : i32
      %dma_start3A_49 = tpu.memref_slice %arg6[%arg0, %add3A_36, %dma_start3A] : memref<2x10240x128xf32, #tpu.memory_space<hbm>> -> memref<1x128x128xf32, #tpu.memory_space<hbm>>
      %dma_start3A_50 = tpu.memref_squeeze %dma_start3A_49 : memref<1x128x128xf32, #tpu.memory_space<hbm>> -> memref<128x128xf32, #tpu.memory_space<hbm>>
      %dma_start3A_51 = arith.constant 0 : i32
      %dma_start3A_52 = tpu.memref_slice %arg6[%arg0, %add3A_36, %dma_start3A_51] : memref<2x10240x128xf32, #tpu.memory_space<hbm>> -> memref<1x128x128xf32, #tpu.memory_space<hbm>>
      %dma_start3A_53 = tpu.memref_squeeze %dma_start3A_52 : memref<1x128x128xf32, #tpu.memory_space<hbm>> -> memref<128x128xf32, #tpu.memory_space<hbm>>
      tpu.enqueue_dma source(%arg10 : memref<128x128xf32, #tpu.memory_space<vmem>>) target(%dma_start3A_53 : memref<128x128xf32, #tpu.memory_space<hbm>>) target_semaphore(%run_scoped3A : memref<!tpu.dma_semaphore, #tpu.memory_space<semaphore_mem>>)
      %dma_wait3A = arith.constant 0 : i32
      %dma_wait3A_54 = tpu.memref_slice %arg6[%arg0, %add3A_36, %dma_wait3A] : memref<2x10240x128xf32, #tpu.memory_space<hbm>> -> memref<1x128x128xf32, #tpu.memory_space<hbm>>
      %dma_wait3A_55 = tpu.memref_squeeze %dma_wait3A_54 : memref<1x128x128xf32, #tpu.memory_space<hbm>> -> memref<128x128xf32, #tpu.memory_space<hbm>>
      %dma_wait3A_56 = arith.constant 0 : i32
      %dma_wait3A_57 = tpu.memref_slice %arg6[%arg0, %add3A_36, %dma_wait3A_56] : memref<2x10240x128xf32, #tpu.memory_space<hbm>> -> memref<1x128x128xf32, #tpu.memory_space<hbm>>
      %dma_wait3A_58 = tpu.memref_squeeze %dma_wait3A_57 : memref<1x128x128xf32, #tpu.memory_space<hbm>> -> memref<128x128xf32, #tpu.memory_space<hbm>>
      tpu.wait_dma2 semaphore(%run_scoped3A : memref<!tpu.dma_semaphore, #tpu.memory_space<semaphore_mem>>) src(%arg10 : memref<128x128xf32, #tpu.memory_space<vmem>>) dst(%dma_wait3A_58 : memref<128x128xf32, #tpu.memory_space<hbm>>)
      tpu.yield
    }) : () -> ()
    %mul3A_37 = arith.constant 640 : i32
    %mul3A_38 = arith.muli %arg1, %mul3A_37 : i32
    %add3A_39 = arith.constant 256 : i32
    %add3A_40 = arith.addi %mul3A_38, %add3A_39 : i32
    "tpu.region"() ({
      %run_scoped3A = tpu.sem_alloc : memref<!tpu.dma_semaphore, #tpu.memory_space<semaphore_mem>>
      %dma_start3A = arith.constant 0 : i32
      %dma_start3A_49 = tpu.memref_slice %arg11[%add3A_40, %dma_start3A] : memref<10240x128xf32, #tpu.memory_space<vmem_shared>> -> memref<128x128xf32, #tpu.memory_space<vmem_shared>>
      %dma_start3A_50 = arith.constant 0 : i32
      %dma_start3A_51 = tpu.memref_slice %arg11[%add3A_40, %dma_start3A_50] : memref<10240x128xf32, #tpu.memory_space<vmem_shared>> -> memref<128x128xf32, #tpu.memory_space<vmem_shared>>
      tpu.enqueue_dma source(%dma_start3A_51 : memref<128x128xf32, #tpu.memory_space<vmem_shared>>) target(%arg10 : memref<128x128xf32, #tpu.memory_space<vmem>>) target_semaphore(%run_scoped3A : memref<!tpu.dma_semaphore, #tpu.memory_space<semaphore_mem>>)
      %dma_wait3A = arith.constant 0 : i32
      %dma_wait3A_52 = tpu.memref_slice %arg11[%add3A_40, %dma_wait3A] : memref<10240x128xf32, #tpu.memory_space<vmem_shared>> -> memref<128x128xf32, #tpu.memory_space<vmem_shared>>
      %dma_wait3A_53 = arith.constant 0 : i32
      %dma_wait3A_54 = tpu.memref_slice %arg11[%add3A_40, %dma_wait3A_53] : memref<10240x128xf32, #tpu.memory_space<vmem_shared>> -> memref<128x128xf32, #tpu.memory_space<vmem_shared>>
      tpu.wait_dma2 semaphore(%run_scoped3A : memref<!tpu.dma_semaphore, #tpu.memory_space<semaphore_mem>>) src(%dma_wait3A_54 : memref<128x128xf32, #tpu.memory_space<vmem_shared>>) dst(%arg10 : memref<128x128xf32, #tpu.memory_space<vmem>>)
      tpu.yield
    }) : () -> ()
    "tpu.region"() ({
      %run_scoped3A = tpu.sem_alloc : memref<!tpu.dma_semaphore, #tpu.memory_space<semaphore_mem>>
      %dma_start3A = arith.constant 0 : i32
      %dma_start3A_49 = tpu.memref_slice %arg6[%arg0, %add3A_40, %dma_start3A] : memref<2x10240x128xf32, #tpu.memory_space<hbm>> -> memref<1x128x128xf32, #tpu.memory_space<hbm>>
      %dma_start3A_50 = tpu.memref_squeeze %dma_start3A_49 : memref<1x128x128xf32, #tpu.memory_space<hbm>> -> memref<128x128xf32, #tpu.memory_space<hbm>>
      %dma_start3A_51 = arith.constant 0 : i32
      %dma_start3A_52 = tpu.memref_slice %arg6[%arg0, %add3A_40, %dma_start3A_51] : memref<2x10240x128xf32, #tpu.memory_space<hbm>> -> memref<1x128x128xf32, #tpu.memory_space<hbm>>
      %dma_start3A_53 = tpu.memref_squeeze %dma_start3A_52 : memref<1x128x128xf32, #tpu.memory_space<hbm>> -> memref<128x128xf32, #tpu.memory_space<hbm>>
      tpu.enqueue_dma source(%arg10 : memref<128x128xf32, #tpu.memory_space<vmem>>) target(%dma_start3A_53 : memref<128x128xf32, #tpu.memory_space<hbm>>) target_semaphore(%run_scoped3A : memref<!tpu.dma_semaphore, #tpu.memory_space<semaphore_mem>>)
      %dma_wait3A = arith.constant 0 : i32
      %dma_wait3A_54 = tpu.memref_slice %arg6[%arg0, %add3A_40, %dma_wait3A] : memref<2x10240x128xf32, #tpu.memory_space<hbm>> -> memref<1x128x128xf32, #tpu.memory_space<hbm>>
      %dma_wait3A_55 = tpu.memref_squeeze %dma_wait3A_54 : memref<1x128x128xf32, #tpu.memory_space<hbm>> -> memref<128x128xf32, #tpu.memory_space<hbm>>
      %dma_wait3A_56 = arith.constant 0 : i32
      %dma_wait3A_57 = tpu.memref_slice %arg6[%arg0, %add3A_40, %dma_wait3A_56] : memref<2x10240x128xf32, #tpu.memory_space<hbm>> -> memref<1x128x128xf32, #tpu.memory_space<hbm>>
      %dma_wait3A_58 = tpu.memref_squeeze %dma_wait3A_57 : memref<1x128x128xf32, #tpu.memory_space<hbm>> -> memref<128x128xf32, #tpu.memory_space<hbm>>
      tpu.wait_dma2 semaphore(%run_scoped3A : memref<!tpu.dma_semaphore, #tpu.memory_space<semaphore_mem>>) src(%arg10 : memref<128x128xf32, #tpu.memory_space<vmem>>) dst(%dma_wait3A_58 : memref<128x128xf32, #tpu.memory_space<hbm>>)
      tpu.yield
    }) : () -> ()
    %mul3A_41 = arith.constant 640 : i32
    %mul3A_42 = arith.muli %arg1, %mul3A_41 : i32
    %add3A_43 = arith.constant 384 : i32
    %add3A_44 = arith.addi %mul3A_42, %add3A_43 : i32
    "tpu.region"() ({
      %run_scoped3A = tpu.sem_alloc : memref<!tpu.dma_semaphore, #tpu.memory_space<semaphore_mem>>
      %dma_start3A = arith.constant 0 : i32
      %dma_start3A_49 = tpu.memref_slice %arg11[%add3A_44, %dma_start3A] : memref<10240x128xf32, #tpu.memory_space<vmem_shared>> -> memref<128x128xf32, #tpu.memory_space<vmem_shared>>
      %dma_start3A_50 = arith.constant 0 : i32
      %dma_start3A_51 = tpu.memref_slice %arg11[%add3A_44, %dma_start3A_50] : memref<10240x128xf32, #tpu.memory_space<vmem_shared>> -> memref<128x128xf32, #tpu.memory_space<vmem_shared>>
      tpu.enqueue_dma source(%dma_start3A_51 : memref<128x128xf32, #tpu.memory_space<vmem_shared>>) target(%arg10 : memref<128x128xf32, #tpu.memory_space<vmem>>) target_semaphore(%run_scoped3A : memref<!tpu.dma_semaphore, #tpu.memory_space<semaphore_mem>>)
      %dma_wait3A = arith.constant 0 : i32
      %dma_wait3A_52 = tpu.memref_slice %arg11[%add3A_44, %dma_wait3A] : memref<10240x128xf32, #tpu.memory_space<vmem_shared>> -> memref<128x128xf32, #tpu.memory_space<vmem_shared>>
      %dma_wait3A_53 = arith.constant 0 : i32
      %dma_wait3A_54 = tpu.memref_slice %arg11[%add3A_44, %dma_wait3A_53] : memref<10240x128xf32, #tpu.memory_space<vmem_shared>> -> memref<128x128xf32, #tpu.memory_space<vmem_shared>>
      tpu.wait_dma2 semaphore(%run_scoped3A : memref<!tpu.dma_semaphore, #tpu.memory_space<semaphore_mem>>) src(%dma_wait3A_54 : memref<128x128xf32, #tpu.memory_space<vmem_shared>>) dst(%arg10 : memref<128x128xf32, #tpu.memory_space<vmem>>)
      tpu.yield
    }) : () -> ()
    "tpu.region"() ({
      %run_scoped3A = tpu.sem_alloc : memref<!tpu.dma_semaphore, #tpu.memory_space<semaphore_mem>>
      %dma_start3A = arith.constant 0 : i32
      %dma_start3A_49 = tpu.memref_slice %arg6[%arg0, %add3A_44, %dma_start3A] : memref<2x10240x128xf32, #tpu.memory_space<hbm>> -> memref<1x128x128xf32, #tpu.memory_space<hbm>>
      %dma_start3A_50 = tpu.memref_squeeze %dma_start3A_49 : memref<1x128x128xf32, #tpu.memory_space<hbm>> -> memref<128x128xf32, #tpu.memory_space<hbm>>
      %dma_start3A_51 = arith.constant 0 : i32
      %dma_start3A_52 = tpu.memref_slice %arg6[%arg0, %add3A_44, %dma_start3A_51] : memref<2x10240x128xf32, #tpu.memory_space<hbm>> -> memref<1x128x128xf32, #tpu.memory_space<hbm>>
      %dma_start3A_53 = tpu.memref_squeeze %dma_start3A_52 : memref<1x128x128xf32, #tpu.memory_space<hbm>> -> memref<128x128xf32, #tpu.memory_space<hbm>>
      tpu.enqueue_dma source(%arg10 : memref<128x128xf32, #tpu.memory_space<vmem>>) target(%dma_start3A_53 : memref<128x128xf32, #tpu.memory_space<hbm>>) target_semaphore(%run_scoped3A : memref<!tpu.dma_semaphore, #tpu.memory_space<semaphore_mem>>)
      %dma_wait3A = arith.constant 0 : i32
      %dma_wait3A_54 = tpu.memref_slice %arg6[%arg0, %add3A_44, %dma_wait3A] : memref<2x10240x128xf32, #tpu.memory_space<hbm>> -> memref<1x128x128xf32, #tpu.memory_space<hbm>>
      %dma_wait3A_55 = tpu.memref_squeeze %dma_wait3A_54 : memref<1x128x128xf32, #tpu.memory_space<hbm>> -> memref<128x128xf32, #tpu.memory_space<hbm>>
      %dma_wait3A_56 = arith.constant 0 : i32
      %dma_wait3A_57 = tpu.memref_slice %arg6[%arg0, %add3A_44, %dma_wait3A_56] : memref<2x10240x128xf32, #tpu.memory_space<hbm>> -> memref<1x128x128xf32, #tpu.memory_space<hbm>>
      %dma_wait3A_58 = tpu.memref_squeeze %dma_wait3A_57 : memref<1x128x128xf32, #tpu.memory_space<hbm>> -> memref<128x128xf32, #tpu.memory_space<hbm>>
      tpu.wait_dma2 semaphore(%run_scoped3A : memref<!tpu.dma_semaphore, #tpu.memory_space<semaphore_mem>>) src(%arg10 : memref<128x128xf32, #tpu.memory_space<vmem>>) dst(%dma_wait3A_58 : memref<128x128xf32, #tpu.memory_space<hbm>>)
      tpu.yield
    }) : () -> ()
    %mul3A_45 = arith.constant 640 : i32
    %mul3A_46 = arith.muli %arg1, %mul3A_45 : i32
    %add3A_47 = arith.constant 512 : i32
    %add3A_48 = arith.addi %mul3A_46, %add3A_47 : i32
    "tpu.region"() ({
      %run_scoped3A = tpu.sem_alloc : memref<!tpu.dma_semaphore, #tpu.memory_space<semaphore_mem>>
      %dma_start3A = arith.constant 0 : i32
      %dma_start3A_49 = tpu.memref_slice %arg11[%add3A_48, %dma_start3A] : memref<10240x128xf32, #tpu.memory_space<vmem_shared>> -> memref<128x128xf32, #tpu.memory_space<vmem_shared>>
      %dma_start3A_50 = arith.constant 0 : i32
      %dma_start3A_51 = tpu.memref_slice %arg11[%add3A_48, %dma_start3A_50] : memref<10240x128xf32, #tpu.memory_space<vmem_shared>> -> memref<128x128xf32, #tpu.memory_space<vmem_shared>>
      tpu.enqueue_dma source(%dma_start3A_51 : memref<128x128xf32, #tpu.memory_space<vmem_shared>>) target(%arg10 : memref<128x128xf32, #tpu.memory_space<vmem>>) target_semaphore(%run_scoped3A : memref<!tpu.dma_semaphore, #tpu.memory_space<semaphore_mem>>)
      %dma_wait3A = arith.constant 0 : i32
      %dma_wait3A_52 = tpu.memref_slice %arg11[%add3A_48, %dma_wait3A] : memref<10240x128xf32, #tpu.memory_space<vmem_shared>> -> memref<128x128xf32, #tpu.memory_space<vmem_shared>>
      %dma_wait3A_53 = arith.constant 0 : i32
      %dma_wait3A_54 = tpu.memref_slice %arg11[%add3A_48, %dma_wait3A_53] : memref<10240x128xf32, #tpu.memory_space<vmem_shared>> -> memref<128x128xf32, #tpu.memory_space<vmem_shared>>
      tpu.wait_dma2 semaphore(%run_scoped3A : memref<!tpu.dma_semaphore, #tpu.memory_space<semaphore_mem>>) src(%dma_wait3A_54 : memref<128x128xf32, #tpu.memory_space<vmem_shared>>) dst(%arg10 : memref<128x128xf32, #tpu.memory_space<vmem>>)
      tpu.yield
    }) : () -> ()
    "tpu.region"() ({
      %run_scoped3A = tpu.sem_alloc : memref<!tpu.dma_semaphore, #tpu.memory_space<semaphore_mem>>
      %dma_start3A = arith.constant 0 : i32
      %dma_start3A_49 = tpu.memref_slice %arg6[%arg0, %add3A_48, %dma_start3A] : memref<2x10240x128xf32, #tpu.memory_space<hbm>> -> memref<1x128x128xf32, #tpu.memory_space<hbm>>
      %dma_start3A_50 = tpu.memref_squeeze %dma_start3A_49 : memref<1x128x128xf32, #tpu.memory_space<hbm>> -> memref<128x128xf32, #tpu.memory_space<hbm>>
      %dma_start3A_51 = arith.constant 0 : i32
      %dma_start3A_52 = tpu.memref_slice %arg6[%arg0, %add3A_48, %dma_start3A_51] : memref<2x10240x128xf32, #tpu.memory_space<hbm>> -> memref<1x128x128xf32, #tpu.memory_space<hbm>>
      %dma_start3A_53 = tpu.memref_squeeze %dma_start3A_52 : memref<1x128x128xf32, #tpu.memory_space<hbm>> -> memref<128x128xf32, #tpu.memory_space<hbm>>
      tpu.enqueue_dma source(%arg10 : memref<128x128xf32, #tpu.memory_space<vmem>>) target(%dma_start3A_53 : memref<128x128xf32, #tpu.memory_space<hbm>>) target_semaphore(%run_scoped3A : memref<!tpu.dma_semaphore, #tpu.memory_space<semaphore_mem>>)
      %dma_wait3A = arith.constant 0 : i32
      %dma_wait3A_54 = tpu.memref_slice %arg6[%arg0, %add3A_48, %dma_wait3A] : memref<2x10240x128xf32, #tpu.memory_space<hbm>> -> memref<1x128x128xf32, #tpu.memory_space<hbm>>
      %dma_wait3A_55 = tpu.memref_squeeze %dma_wait3A_54 : memref<1x128x128xf32, #tpu.memory_space<hbm>> -> memref<128x128xf32, #tpu.memory_space<hbm>>
      %dma_wait3A_56 = arith.constant 0 : i32
      %dma_wait3A_57 = tpu.memref_slice %arg6[%arg0, %add3A_48, %dma_wait3A_56] : memref<2x10240x128xf32, #tpu.memory_space<hbm>> -> memref<1x128x128xf32, #tpu.memory_space<hbm>>
      %dma_wait3A_58 = tpu.memref_squeeze %dma_wait3A_57 : memref<1x128x128xf32, #tpu.memory_space<hbm>> -> memref<128x128xf32, #tpu.memory_space<hbm>>
      tpu.wait_dma2 semaphore(%run_scoped3A : memref<!tpu.dma_semaphore, #tpu.memory_space<semaphore_mem>>) src(%arg10 : memref<128x128xf32, #tpu.memory_space<vmem>>) dst(%dma_wait3A_58 : memref<128x128xf32, #tpu.memory_space<hbm>>)
      tpu.yield
    }) : () -> ()
    return
  }
}

module attributes {stable_mosaic.version = 14 : i64} {
  func.func @_mm1_body(%arg0: i32, %arg1: memref<2000x128xf32, #tpu.memory_space<vmem>>, %arg2: memref<128x128xf32, #tpu.memory_space<vmem>>, %arg3: memref<2000x1xf32, #tpu.memory_space<vmem>>, %arg4: memref<2000x128xf32, #tpu.memory_space<vmem>>) attributes {dimension_semantics = [#tpu.dimension_semantics<arbitrary>], iteration_bounds = array<i64: 5>, scalar_prefetch = 0 : i64, scratch_operands = 0 : i64, tpu.core_type = #tpu.core_type<tc>, window_params = [{transform_indices = @transform_0, window_bounds = array<i64: 2000, 128>}, {pipeline_mode = #tpu.pipeline_mode<synchronous>, transform_indices = @transform_1, window_bounds = array<i64: 128, 128>}, {transform_indices = @transform_2, window_bounds = array<i64: 2000, 1>}, {transform_indices = @transform_3, window_bounds = array<i64: 2000, 128>}]} {
    %get3A = arith.constant 0 : index
    %get3A_0 = arith.constant 0 : index
    %get3A_1 = vector.load %arg1[%get3A, %get3A_0] : memref<2000x128xf32, #tpu.memory_space<vmem>>, vector<2000x128xf32>
    %get3A_2 = arith.constant 0 : index
    %get3A_3 = arith.constant 0 : index
    %get3A_4 = vector.load %arg2[%get3A_2, %get3A_3] : memref<128x128xf32, #tpu.memory_space<vmem>>, vector<128x128xf32>
    %dot_general3A = arith.constant dense<0.000000e+00> : vector<2000x128xf32>
    %dot_general3A_5 = tpu.matmul %get3A_1, %get3A_4, %dot_general3A {dimension_numbers = #tpu.dot_dimension_numbers<[1], [0], [0], [1], [0, 0, 1, 1], [], []>, transpose_lhs_hint = false} : vector<2000x128xf32>, vector<128x128xf32>, vector<2000x128xf32> -> vector<2000x128xf32>
    %get3A_6 = arith.constant 0 : index
    %get3A_7 = arith.constant 0 : index
    %get3A_8 = vector.load %arg3[%get3A_6, %get3A_7] : memref<2000x1xf32, #tpu.memory_space<vmem>>, vector<2000x1xf32>
    %mul3A = vector.broadcast %get3A_8 : vector<2000x1xf32> to vector<2000x128xf32>
    %mul3A_9 = arith.mulf %mul3A, %dot_general3A_5 : vector<2000x128xf32>
    %swap3A = arith.constant 0 : index
    %swap3A_10 = arith.constant 0 : index
    %swap3A_11 = vector.load %arg4[%swap3A, %swap3A_10] : memref<2000x128xf32, #tpu.memory_space<vmem>>, vector<2000x128xf32>
    tpu.vector_store %arg4[%swap3A, %swap3A_10], %mul3A_9 {strides = array<i32>} : memref<2000x128xf32, #tpu.memory_space<vmem>>, vector<2000x128xf32>,
    return
  }
  func.func @transform_0(%arg0: i32) -> (i32, i32) {
    %c0_i32 = arith.constant 0 : i32
    %c0_i32_0 = arith.constant 0 : i32
    return %arg0, %c0_i32 : i32, i32
  }
  func.func @transform_1(%arg0: i32) -> (i32, i32) {
    %c0_i32 = arith.constant 0 : i32
    %c0_i32_0 = arith.constant 0 : i32
    %c0_i32_1 = arith.constant 0 : i32
    return %c0_i32, %c0_i32_0 : i32, i32
  }
  func.func @transform_2(%arg0: i32) -> (i32, i32) {
    %c0_i32 = arith.constant 0 : i32
    %c0_i32_0 = arith.constant 0 : i32
    return %arg0, %c0_i32 : i32, i32
  }
  func.func @transform_3(%arg0: i32) -> (i32, i32) {
    %c0_i32 = arith.constant 0 : i32
    %c0_i32_0 = arith.constant 0 : i32
    return %arg0, %c0_i32 : i32, i32
  }
}

module attributes {stable_mosaic.version = 14 : i64} {
  func.func @_dinv_body(%arg0: i32, %arg1: memref<2000x2xf32, #tpu.memory_space<vmem>>, %arg2: memref<2000x1xf32, #tpu.memory_space<vmem>>) attributes {dimension_semantics = [#tpu.dimension_semantics<arbitrary>], iteration_bounds = array<i64: 5>, scalar_prefetch = 0 : i64, scratch_operands = 0 : i64, tpu.core_type = #tpu.core_type<tc>, window_params = [{transform_indices = @transform_0, window_bounds = array<i64: 2000, 2>}, {transform_indices = @transform_1, window_bounds = array<i64: 2000, 1>}]} {
    %get3A = arith.constant 0 : index
    %get3A_0 = arith.constant 0 : index
    %get3A_1 = vector.load %arg1[%get3A, %get3A_0] : memref<2000x2xf32, #tpu.memory_space<vmem>>, vector<2000x1xf32>
    %get3A_2 = arith.constant 0 : index
    %get3A_3 = arith.constant 1 : index
    %get3A_4 = vector.load %arg1[%get3A_2, %get3A_3] : memref<2000x2xf32, #tpu.memory_space<vmem>>, vector<2000x1xf32>
    %add3A = arith.addf %get3A_1, %get3A_4 : vector<2000x1xf32>
    %add3A_5 = arith.constant 1.000000e+00 : f32
    %add3A_6 = vector.broadcast %add3A_5 : f32 to vector<2000x1xf32>
    %add3A_7 = arith.addf %add3A, %add3A_6 : vector<2000x1xf32>
    %rsqrt3A = math.rsqrt %add3A_7 : vector<2000x1xf32>
    %swap3A = arith.constant 0 : index
    %swap3A_8 = arith.constant 0 : index
    %swap3A_9 = vector.load %arg2[%swap3A, %swap3A_8] : memref<2000x1xf32, #tpu.memory_space<vmem>>, vector<2000x1xf32>
    tpu.vector_store %arg2[%swap3A, %swap3A_8], %rsqrt3A {strides = array<i32>} : memref<2000x1xf32, #tpu.memory_space<vmem>>, vector<2000x1xf32>,
    return
  }
  func.func @transform_0(%arg0: i32) -> (i32, i32) {
    %c0_i32 = arith.constant 0 : i32
    %c0_i32_0 = arith.constant 0 : i32
    return %arg0, %c0_i32 : i32, i32
  }
  func.func @transform_1(%arg0: i32) -> (i32, i32) {
    %c0_i32 = arith.constant 0 : i32
    %c0_i32_0 = arith.constant 0 : i32
    return %arg0, %c0_i32 : i32, i32
  }
}

module attributes {stable_mosaic.version = 14 : i64} {
  func.func @_mm2_body(%arg0: i32, %arg1: memref<2x2000x128xf32, #tpu.memory_space<vmem>>, %arg2: memref<2000x128xf32, #tpu.memory_space<vmem>>, %arg3: memref<2000x1xf32, #tpu.memory_space<vmem>>, %arg4: memref<1x128xf32, #tpu.memory_space<vmem>>, %arg5: memref<128x128xf32, #tpu.memory_space<vmem>>, %arg6: memref<2000x128xf32, #tpu.memory_space<vmem>>) attributes {dimension_semantics = [#tpu.dimension_semantics<arbitrary>], iteration_bounds = array<i64: 5>, scalar_prefetch = 0 : i64, scratch_operands = 0 : i64, tpu.core_type = #tpu.core_type<tc>, window_params = [{transform_indices = @transform_0, window_bounds = array<i64: 2, 2000, 128>}, {transform_indices = @transform_1, window_bounds = array<i64: 2000, 128>}, {transform_indices = @transform_2, window_bounds = array<i64: 2000, 1>}, {pipeline_mode = #tpu.pipeline_mode<synchronous>, transform_indices = @transform_3, window_bounds = array<i64: 1, 128>}, {pipeline_mode = #tpu.pipeline_mode<synchronous>, transform_indices = @transform_4, window_bounds = array<i64: 128, 128>}, {transform_indices = @transform_5, window_bounds = array<i64: 2000, 128>}]} {
    %get3A = arith.constant 0 : index
    %get3A_0 = arith.constant 0 : index
    %get3A_1 = vector.load %arg3[%get3A, %get3A_0] : memref<2000x1xf32, #tpu.memory_space<vmem>>, vector<2000x1xf32>
    %get3A_2 = arith.constant 0 : index
    %get3A_3 = arith.constant 0 : index
    %get3A_4 = arith.constant 0 : index
    %get3A_5 = vector.load %arg1[%get3A_2, %get3A_3, %get3A_4] : memref<2x2000x128xf32, #tpu.memory_space<vmem>>, vector<1x2000x128xf32>
    %get3A_6 = vector.shape_cast %get3A_5 : vector<1x2000x128xf32> to vector<2000x128xf32>
    %get3A_7 = arith.constant 1 : index
    %get3A_8 = arith.constant 0 : index
    %get3A_9 = arith.constant 0 : index
    %get3A_10 = vector.load %arg1[%get3A_7, %get3A_8, %get3A_9] : memref<2x2000x128xf32, #tpu.memory_space<vmem>>, vector<1x2000x128xf32>
    %get3A_11 = vector.shape_cast %get3A_10 : vector<1x2000x128xf32> to vector<2000x128xf32>
    %add3A = arith.addf %get3A_6, %get3A_11 : vector<2000x128xf32>
    %get3A_12 = arith.constant 0 : index
    %get3A_13 = arith.constant 0 : index
    %get3A_14 = vector.load %arg2[%get3A_12, %get3A_13] : memref<2000x128xf32, #tpu.memory_space<vmem>>, vector<2000x128xf32>
    %add3A_15 = arith.addf %add3A, %get3A_14 : vector<2000x128xf32>
    %mul3A = vector.broadcast %get3A_1 : vector<2000x1xf32> to vector<2000x128xf32>
    %mul3A_16 = arith.mulf %mul3A, %add3A_15 : vector<2000x128xf32>
    %get3A_17 = arith.constant 0 : index
    %get3A_18 = arith.constant 0 : index
    %get3A_19 = vector.load %arg4[%get3A_17, %get3A_18] : memref<1x128xf32, #tpu.memory_space<vmem>>, vector<1x128xf32>
    %add3A_20 = vector.broadcast %get3A_19 : vector<1x128xf32> to vector<2000x128xf32>
    %add3A_21 = arith.addf %mul3A_16, %add3A_20 : vector<2000x128xf32>
    %max3A = arith.constant 0.000000e+00 : f32
    %max3A_22 = vector.broadcast %max3A : f32 to vector<2000x128xf32>
    %max3A_23 = arith.maximumf %add3A_21, %max3A_22 : vector<2000x128xf32>
    %get3A_24 = arith.constant 0 : index
    %get3A_25 = arith.constant 0 : index
    %get3A_26 = vector.load %arg5[%get3A_24, %get3A_25] : memref<128x128xf32, #tpu.memory_space<vmem>>, vector<128x128xf32>
    %dot_general3A = arith.constant dense<0.000000e+00> : vector<2000x128xf32>
    %dot_general3A_27 = tpu.matmul %max3A_23, %get3A_26, %dot_general3A {dimension_numbers = #tpu.dot_dimension_numbers<[1], [0], [0], [1], [0, 0, 1, 1], [], []>, transpose_lhs_hint = false} : vector<2000x128xf32>, vector<128x128xf32>, vector<2000x128xf32> -> vector<2000x128xf32>
    %mul3A_28 = vector.broadcast %get3A_1 : vector<2000x1xf32> to vector<2000x128xf32>
    %mul3A_29 = arith.mulf %mul3A_28, %dot_general3A_27 : vector<2000x128xf32>
    %swap3A = arith.constant 0 : index
    %swap3A_30 = arith.constant 0 : index
    %swap3A_31 = vector.load %arg6[%swap3A, %swap3A_30] : memref<2000x128xf32, #tpu.memory_space<vmem>>, vector<2000x128xf32>
    tpu.vector_store %arg6[%swap3A, %swap3A_30], %mul3A_29 {strides = array<i32>} : memref<2000x128xf32, #tpu.memory_space<vmem>>, vector<2000x128xf32>,
    return
  }
  func.func @transform_0(%arg0: i32) -> (i32, i32, i32) {
    %c0_i32 = arith.constant 0 : i32
    %c0_i32_0 = arith.constant 0 : i32
    %c0_i32_1 = arith.constant 0 : i32
    return %c0_i32, %arg0, %c0_i32_0 : i32, i32, i32
  }
  func.func @transform_1(%arg0: i32) -> (i32, i32) {
    %c0_i32 = arith.constant 0 : i32
    %c0_i32_0 = arith.constant 0 : i32
    return %arg0, %c0_i32 : i32, i32
  }
  func.func @transform_2(%arg0: i32) -> (i32, i32) {
    %c0_i32 = arith.constant 0 : i32
    %c0_i32_0 = arith.constant 0 : i32
    return %arg0, %c0_i32 : i32, i32
  }
  func.func @transform_3(%arg0: i32) -> (i32, i32) {
    %c0_i32 = arith.constant 0 : i32
    %c0_i32_0 = arith.constant 0 : i32
    %c0_i32_1 = arith.constant 0 : i32
    return %c0_i32, %c0_i32_0 : i32, i32
  }
  func.func @transform_4(%arg0: i32) -> (i32, i32) {
    %c0_i32 = arith.constant 0 : i32
    %c0_i32_0 = arith.constant 0 : i32
    %c0_i32_1 = arith.constant 0 : i32
    return %c0_i32, %c0_i32_0 : i32, i32
  }
  func.func @transform_5(%arg0: i32) -> (i32, i32) {
    %c0_i32 = arith.constant 0 : i32
    %c0_i32_0 = arith.constant 0 : i32
    return %arg0, %c0_i32 : i32, i32
  }
}

module attributes {stable_mosaic.version = 14 : i64} {
  func.func @_fin_body(%arg0: i32, %arg1: memref<2x2000x128xf32, #tpu.memory_space<vmem>>, %arg2: memref<2000x128xf32, #tpu.memory_space<vmem>>, %arg3: memref<2000x1xf32, #tpu.memory_space<vmem>>, %arg4: memref<1x64xf32, #tpu.memory_space<vmem>>, %arg5: memref<2000x64xf32, #tpu.memory_space<vmem>>) attributes {dimension_semantics = [#tpu.dimension_semantics<arbitrary>], iteration_bounds = array<i64: 5>, scalar_prefetch = 0 : i64, scratch_operands = 0 : i64, tpu.core_type = #tpu.core_type<tc>, window_params = [{transform_indices = @transform_0, window_bounds = array<i64: 2, 2000, 128>}, {transform_indices = @transform_1, window_bounds = array<i64: 2000, 128>}, {transform_indices = @transform_2, window_bounds = array<i64: 2000, 1>}, {pipeline_mode = #tpu.pipeline_mode<synchronous>, transform_indices = @transform_3, window_bounds = array<i64: 1, 64>}, {transform_indices = @transform_4, window_bounds = array<i64: 2000, 64>}]} {
    %get3A = arith.constant 0 : index
    %get3A_0 = arith.constant 0 : index
    %get3A_1 = arith.constant 0 : index
    %get3A_2 = vector.load %arg1[%get3A, %get3A_0, %get3A_1] : memref<2x2000x128xf32, #tpu.memory_space<vmem>>, vector<1x2000x64xf32>
    %get3A_3 = vector.shape_cast %get3A_2 : vector<1x2000x64xf32> to vector<2000x64xf32>
    %get3A_4 = arith.constant 1 : index
    %get3A_5 = arith.constant 0 : index
    %get3A_6 = arith.constant 0 : index
    %get3A_7 = vector.load %arg1[%get3A_4, %get3A_5, %get3A_6] : memref<2x2000x128xf32, #tpu.memory_space<vmem>>, vector<1x2000x64xf32>
    %get3A_8 = vector.shape_cast %get3A_7 : vector<1x2000x64xf32> to vector<2000x64xf32>
    %add3A = arith.addf %get3A_3, %get3A_8 : vector<2000x64xf32>
    %get3A_9 = arith.constant 0 : index
    %get3A_10 = arith.constant 0 : index
    %get3A_11 = vector.load %arg2[%get3A_9, %get3A_10] : memref<2000x128xf32, #tpu.memory_space<vmem>>, vector<2000x64xf32>
    %add3A_12 = arith.addf %add3A, %get3A_11 : vector<2000x64xf32>
    %get3A_13 = arith.constant 0 : index
    %get3A_14 = arith.constant 0 : index
    %get3A_15 = vector.load %arg3[%get3A_13, %get3A_14] : memref<2000x1xf32, #tpu.memory_space<vmem>>, vector<2000x1xf32>
    %mul3A = vector.broadcast %get3A_15 : vector<2000x1xf32> to vector<2000x64xf32>
    %mul3A_16 = arith.mulf %mul3A, %add3A_12 : vector<2000x64xf32>
    %get3A_17 = arith.constant 0 : index
    %get3A_18 = arith.constant 0 : index
    %get3A_19 = vector.load %arg4[%get3A_17, %get3A_18] : memref<1x64xf32, #tpu.memory_space<vmem>>, vector<1x64xf32>
    %add3A_20 = vector.broadcast %get3A_19 : vector<1x64xf32> to vector<2000x64xf32>
    %add3A_21 = arith.addf %mul3A_16, %add3A_20 : vector<2000x64xf32>
    %swap3A = arith.constant 0 : index
    %swap3A_22 = arith.constant 0 : index
    %swap3A_23 = vector.load %arg5[%swap3A, %swap3A_22] : memref<2000x64xf32, #tpu.memory_space<vmem>>, vector<2000x64xf32>
    tpu.vector_store %arg5[%swap3A, %swap3A_22], %add3A_21 {strides = array<i32>} : memref<2000x64xf32, #tpu.memory_space<vmem>>, vector<2000x64xf32>,
    return
  }
  func.func @transform_0(%arg0: i32) -> (i32, i32, i32) {
    %c0_i32 = arith.constant 0 : i32
    %c0_i32_0 = arith.constant 0 : i32
    %c0_i32_1 = arith.constant 0 : i32
    return %c0_i32, %arg0, %c0_i32_0 : i32, i32, i32
  }
  func.func @transform_1(%arg0: i32) -> (i32, i32) {
    %c0_i32 = arith.constant 0 : i32
    %c0_i32_0 = arith.constant 0 : i32
    return %arg0, %c0_i32 : i32, i32
  }
  func.func @transform_2(%arg0: i32) -> (i32, i32) {
    %c0_i32 = arith.constant 0 : i32
    %c0_i32_0 = arith.constant 0 : i32
    return %arg0, %c0_i32 : i32, i32
  }
  func.func @transform_3(%arg0: i32) -> (i32, i32) {
    %c0_i32 = arith.constant 0 : i32
    %c0_i32_0 = arith.constant 0 : i32
    %c0_i32_1 = arith.constant 0 : i32
    return %c0_i32, %c0_i32_0 : i32, i32
  }
  func.func @transform_4(%arg0: i32) -> (i32, i32) {
    %c0_i32 = arith.constant 0 : i32
    %c0_i32_0 = arith.constant 0 : i32
    return %arg0, %c0_i32 : i32, i32
  }
}

</mosaic_0001>

<sc_bundles>
// kernel: kernel.11.cloned.1.call-start
scs
__scs_entry_jumppad:
0x0: {  	(pc) =	sbr.rel $0x88, $3  }
0x1: {  	(tag) =	ssettag $0x0;
	lr =	simm.s32 $0x1  }
0x2: {  	[smem:$0x3F99] =	sst lr;
	_ =	strace $0xD0000000  }
0x3: {  	_ = 	snop  }
0x4: {  	_ = 	snop  }
0x5: {  	_ = 	snop  }
0x6: {  	_ = 	snop  }
0x7: {  	_ = 	snop  }
__scs_overlays_trampoline_lowered:
0x8: {  	[smem:$0x3FA8] =	sst s0  }
0x9: {  	[smem:$0x3FA9] =	sst s1  }
0xa: {  	[smem:$0x3FAA] =	sst s2  }
0xb: {  	[smem:$0x3FAB] =	sst s3  }
0xc: {  	[smem:$0x3FAC] =	sst s4  }
0xd: {  	[smem:$0x3FAD] =	sst s5  }
0xe: {  	[smem:$0x3FAE] =	sst s6  }
0xf: {  	[smem:$0x3FAF] =	sst s7  }
0x10: {  	[smem:$0x3FB0] =	sst s8  }
0x11: {  	[smem:$0x3FB1] =	sst s9;
	s0 =	simm.s32 @!p0 $0x0  }
0x12: {  	s1 =	sld [smem:$0x3F97];
	s0 =	simm.s32 @p0 $0x1  }
0x13: {  	[smem:$0x3FB2] =	sst s0;
	s0 =	simm.s32 @!p1 $0x0  }
0x14: {  	s2 =	sld [smem:$0x3F96];
	s0 =	simm.s32 @p1 $0x1  }
0x15: {  	[smem:$0x3FB3] =	sst s0;
	s0 =	simm.s32 @!p2 $0x0  }
0x16: {  	s3 =	sld [smem:$0x3FDB];
	s0 =	simm.s32 @p2 $0x1  }
0x17: {  	s4 =	simm.s32 $0x1BF5;
	[smem:$0x3FB5] =	sst s0  }
0x18: {  	s0 =	sld [smem:$0x3F98];
	_ =	swait.ge [sflag:s4], $0x0  }
0x19: {  	s7 =	sld [smem:$0x3F99]  }
0x1a: {  	s8 =	sadd.s32 $0xFFFFE003, lr  }
0x1b: {  	s9 =	sadd.s32 $0xFFFFFEF7, lr;
	s5 =	simm.s32 $0xFFFFFFFF;
	p2 =	slt.u32 s8, $0xFFFFF086  }
0x1c: {  	p1 =	slt.u32 s9, $0xF7A;
	s5 =	simm.s32 @!p2 $0x0  }
0x1d: {  	s5 =	simm.s32 @p1 $0x1;
	p0 =	seq.s32 s7, s2  }
0x1e: {  	s7 =	smul.u32 @!p0 $0xF7A, s2;
	p2 =	seq.s32 @!p0 s5, $0x0  }
0x1f: {  	s9 =	smul.u32 $0xF7A, s1;
	s8 =	simm.s32 @!p0 $0x1BF5;
	p2 =	por !p2, p0  }
0x20: {  	[sflag:s8] =	ssyncset.s32 @!p0 $0xFFFFF086;
	s6 =	sadd.s32 @!p0 s3, s7;
	s7 =	simm.s32 @!p0 $0x108  }
0x21: {  	s3 =	sadd.s32 s3, s9;
	s6 =	sadd.s32 @!p0 $0x88, s6;
	s7 =	simm.s32 @p2 $0x1082  }
0x22: {  	[simem:s7], [sflag:s8] =	dma.local @!p0 [hbm:s6], $0xF7A  }
0x23: {  	s9 =	sor.u32 $0xD0000000, s2;
	s6 =	simm.s32 $0x108;
	_ =	swait.ge @!p0 [sflag:s8], $0x0  }
0x24: {  	s3 =	sadd.s32 $0x88, s3;
	s6 =	simm.s32 @!p1 $0x1082;
	[sflag:s4] =	ssyncset.s32 $0xFFFFF086  }
0x25: {  	[simem:s6], [sflag:s4] =	dma.local [hbm:s3], $0xF7A  }
0x26: {  	[smem:$0x3F99] =	sst s1;
	(tag) =	ssettag s2;
	_ =	strace s9  }
0x27: {  	s1 =	sld [smem:$0x3FA9]  }
0x28: {  	s2 =	sld [smem:$0x3FAA]  }
0x29: {  	s4 =	sld [smem:$0x3FAC]  }
0x2a: {  	p0 =	seq.s32 s5, $0x0;
	s5 =	sld [smem:$0x3FAD]  }
0x2b: {  	s6 =	sld [smem:$0x3FAE]  }
0x2c: {  	s7 =	sld [smem:$0x3FAF]  }
0x2d: {  	s3 =	simm.s32 $0x108;
	s8 =	sld [smem:$0x3FB0]  }
0x2e: {  	s3 =	simm.s32 @!p0 $0x1082;
	s9 =	sld [smem:$0x3FB1]  }
0x2f: {  	lr =	sadd.s32 s0, s3;
	s0 =	sld [smem:$0x3FA8]  }
0x30: {  	s3 =	sld [smem:$0x3FAB]  }
0x31: {  	[smem:$0x3FB4] =	sst s10  }
0x32: {  	s10 =	sld [smem:$0x3FB2];
	_ =	sdelay $0x3  }
0x33: {  	p0 =	seq.s32 s10, $0x1;
	s10 =	sld [smem:$0x3FB4];
	_ =	sdelay $0x3  }
0x34: {  	[smem:$0x3FB4] =	sst s10  }
0x35: {  	s10 =	sld [smem:$0x3FB3];
	_ =	sdelay $0x3  }
0x36: {  	p1 =	seq.s32 s10, $0x1;
	s10 =	sld [smem:$0x3FB4];
	_ =	sdelay $0x3  }
0x37: {  	[smem:$0x3FB4] =	sst s10  }
0x38: {  	s10 =	sld [smem:$0x3FB5]  }
0x39: {  	_ = 	snop;
	(pc) =	sbr.ind lr, $3  }
0x3a: {  	_ = 	snop  }
0x3b: {  	_ = 	snop  }
0x3c: {  	p2 =	seq.s32 s10, $0x1;
	s10 =	sld [smem:$0x3FB4]  }
0x3d: {  	_ =	shalt  }
0x3e: {  	_ =	shalt  }
0x3f: {  	_ =	shalt  }
0x40: {  	_ =	shalt  }
0x41: {  	_ =	shalt  }
0x42: {  	_ =	shalt  }
0x43: {  	_ =	shalt  }
0x44: {  	_ =	shalt  }
0x45: {  	_ =	shalt  }
0x46: {  	_ =	shalt  }
0x47: {  	_ =	shalt  }
0x48: {  	_ =	shalt  }
0x49: {  	_ =	shalt  }
0x4a: {  	_ =	shalt  }
0x4b: {  	_ =	shalt  }
0x4c: {  	_ =	shalt  }
0x4d: {  	_ =	shalt  }
0x4e: {  	_ =	shalt  }
0x4f: {  	_ =	shalt  }
0x50: {  	_ =	shalt  }
0x51: {  	_ =	shalt  }
0x52: {  	_ =	shalt  }
0x53: {  	_ =	shalt  }
0x54: {  	_ =	shalt  }
0x55: {  	_ =	shalt  }
0x56: {  	_ =	shalt  }
0x57: {  	_ =	shalt  }
0x58: {  	_ =	shalt  }
0x59: {  	_ =	shalt  }
0x5a: {  	_ =	shalt  }
0x5b: {  	_ =	shalt  }
0x5c: {  	_ =	shalt  }
0x5d: {  	_ =	shalt  }
0x5e: {  	_ =	shalt  }
0x5f: {  	_ =	shalt  }
0x60: {  	_ =	shalt  }
0x61: {  	_ =	shalt  }
0x62: {  	_ =	shalt  }
0x63: {  	_ =	shalt  }
0x64: {  	_ =	shalt  }
0x65: {  	_ =	shalt  }
0x66: {  	_ =	shalt  }
0x67: {  	_ =	shalt  }
0x68: {  	_ =	shalt  }
0x69: {  	_ =	shalt  }
0x6a: {  	_ =	shalt  }
0x6b: {  	_ =	shalt  }
0x6c: {  	_ =	shalt  }
0x6d: {  	_ =	shalt  }
0x6e: {  	_ =	shalt  }
0x6f: {  	_ =	shalt  }
0x70: {  	_ =	shalt  }
0x71: {  	_ =	shalt  }
0x72: {  	_ =	shalt  }
0x73: {  	_ =	shalt  }
0x74: {  	_ =	shalt  }
0x75: {  	_ =	shalt  }
0x76: {  	_ =	shalt  }
0x77: {  	_ =	shalt  }
0x78: {  	_ =	shalt  }
0x79: {  	_ =	shalt  }
0x7a: {  	_ =	shalt  }
0x7b: {  	_ =	shalt  }
0x7c: {  	_ =	shalt  }
0x7d: {  	_ =	shalt  }
0x7e: {  	_ =	shalt  }
0x7f: {  	_ =	shalt  }
0x80: {  	_ =	shalt  }
0x81: {  	_ =	shalt  }
0x82: {  	_ =	shalt  }
0x83: {  	_ =	shalt  }
0x84: {  	_ =	shalt  }
0x85: {  	_ =	shalt  }
0x86: {  	_ =	shalt  }
0x87: {  	_ =	shalt  }
.Lfunc_end0:
.L_simem_size_0:
called_computation_lowered:
.L_overlay_start_0:
0x88: {  	s2 =	sld [smem:$0x3FD9]  }
0x89: {  	s3 =	sld [smem:$0x3FFE];
	_ =	sdelay $0x1  }
0x8a: {  	s1 =	srdreg.scid  }
0x8b: {  	s0 =	sand.u32 $0x1, s1  }
0x8c: {  	s16 =	sshll.u32 s0, $0xA;
	s2 =	sadd.s32 s3, s2  }
0x8d: {  	s2 =	sadd.s32 s2, s16  }
0x8e: {  	[smem:$0x3FC0] =	sst s2  }
0x8f: {  	_ = 	snop  }
0x90: {  	(tm) =	ssettm $0x1  }
0x91: {  	s17 =	sld [smem:$0x3FFB];
	_ =	sdelay $0x3  }
0x92: {  	_ =	strace s17  }
0x93: {  	s2 =	sld [smem:$0x3FFC];
	_ =	sdelay $0x3  }
0x94: {  	_ =	strace s2  }
0x95: {  	s2 =	sld [smem:$0x3FFD];
	_ =	sdelay $0x3  }
0x96: {  	_ =	strace s2  }
0x97: {  	_ =	strace $0x8FFFFFFF  }
0x98: {  	s18 =	sld [smem:$0x3FDB];
	_ =	sdelay $0x1  }
0x99: {  	s19 =	simm.s32 $_scs_section_size  }
0x9a: {  	s4 =	simm.s32 $_size__tile_overlayer_lowered;
	s5 =	simm.s32 $_tile_overlayer_lowered  }
0x9b: {  	s22 =	simm.s32 $0x1BFF;
	s21 =	sshll.u32 s5, $0x1;
	s2 =	sadd.s32 s19, s18  }
0x9c: {  	s6 =	simm.s32 $0x0;
	s20 =	sshll.u32 s4, $0x1;
	s4 =	sadd.s32 s21, s2  }
0x9d: {  	[timem:s6], [sflag:s22] =	dma.local [hbm:s4], s20  }
0x9e: {  	_ =	swait.ge [sflag:s22], s20  }
0x9f: {  	s3 =	ssub.s32 $0x0, s20;
	[sflag:s22] =	ssyncset.done $0x0  }
0xa0: {  	[sflag:s22] =	ssyncadd.s32 s3;
	_ =	sdelay $0x1  }
0xa1: {  	s23 =	simm.s32 $0x1B8B  }
0xa2: {  	_ =	swait.ge [sflag:s23], $0x1  }
0xa3: {  	[sflag:s23] =	ssyncset.done $0x0  }
0xa4: {  	s25 =	simm.s32 $0x1B8E;
	s24 =	sld [smem:$0x3FFE];
	[sflag:s23] =	ssyncadd.s32 $0xFFFFFFFF  }
0xa5: {  	s26 =	simm.s32 $execute0_lowered;
	[smem:$0x3FD2] =	sst s25  }
0xa6: {  	s4 =	sshll.u32 s26, $0x1;
	_ =	strace $0x80000046;
	[dreg:$0x1] =	wrdreg $0xFFFFFFFF  }
0xa7: {  	s28 =	simm.s32 $_size_execute0_lowered;
	s2 =	sadd.s32 s2, s4;
	[dreg:$0x0] =	wrdreg $0x0  }
0xa8: {  	s4 =	sshll.u32 s28, $0x1;
	[dreg:$0x2] =	wrdreg s2  }
0xa9: {  	[dreg:$0x3] =	wrdreg s4  }
0xaa: {  	[dreg:$0x4] =	wrdreg $0xC0  }
0xab: {  	_ =	task [dreg:s6], $0x5FFFF  }
0xac: {  	[dreg:$0x1] =	wrdreg $0xFFFFFFFF  }
0xad: {  	[dreg:$0x0] =	wrdreg $0x60  }
0xae: {  	[dreg:$0x2] =	wrdreg s24  }
0xaf: {  	[dreg:$0x3] =	wrdreg $0x4800  }
0xb0: {  	[dreg:$0x4] =	wrdreg $0x9  }
0xb1: {  	_ =	task.clear_ibuf [dreg:s6], $0x5FFFF;
	_ =	strace $0x90000046  }
0xb2: {  	s29 =	simm.s32 $0x9;
	_ =	strace $0x80000048  }
0xb3: {  	_ =	swait.ge [sflag:s29], $0x1  }
0xb4: {  	[sflag:s29] =	ssyncadd.s32 $0xFFFFFFFF  }
0xb5: {  	_ =	strace $0x90000048  }
0xb6: {  	_ =	sfence  }
0xb7: {  	s30 =	sld [smem:$0x0];
	_ =	sdelay $0x2  }
0xb8: {  	s31 =	sshll.u32 s1, $0xD;
	s1 =	sshrl.u32 s1, $0x2  }
0xb9: {  	s3 =	sand.u32 $0x4000, s31;
	s1 =	sadd.s32 s1, s30  }
0xba: {  	s0 =	sor.u32 s3, s0;
	s1 =	sshll.u32 s1, $0x11  }
0xbb: {  	s0 =	sor.u32 s1, s0  }
0xbc: {  	s0 =	sadd.s32 $0x8F2B, s0  }
0xbd: {  	[sflag:s0] =	ssyncadd.remote.s32 $0x1  }
0xbe: {  	_ =	sfence.sel $0xFFFF  }
0xbf: {  	[dreg:$0x0] =	wrdreg $0xFFFFFFFF;
	(pc) =	sbr.abs _section_cstart, $3  }
0xc0: {  	[dreg:$0x1] =	wrdreg $0xFFFFFFFF  }
0xc1: {  	_ =	task.clear_ibuf [dreg:s6], $0x2FFFF;
	_ =	strace $0x9FFFFFFF  }
0xc2: {  	(tm) =	ssettm $0x7FFFFFFF  }
0xc3: {  	_ =	shalt  }
tec
execute0_lowered:
.L_overlay_start_1:
0x0: {  	(tag) =	ssettag $0x1  }
0x1: {  	s0 =	srdreg.scid;
	s6 =	rddreg [dreg:$0x0]  }
0x2: {  	s2 =	rddreg [dreg:$0x1];
	s4 =	sand.u32 $0x1, s0  }
0x3: {  	s0 =	stileid.u32;
	s5 =	smul.u32 $0x27100, s4  }
0x4: {  	s1 =	rddreg [dreg:$0x2];
	s3 =	simm.s32 $0x0;
	s7 =	smul.u32 $0x2710, s0  }
0x5: {  	s12 =	simm.s32 $0x100;
	s13 =	simm.s32 $0xC8;
	s8 =	smul.u32 $0x280, s0  }
0x6: {  	s14 =	simm.s32 $0x0;
	[smem:$0x7FF] =	sst s3;
	s29 =	smul.u32 $0x2800, s4  }
0x7: {  	_ =	strace $0x80000047;
	s31 =	ssub.s32 $0x2, s4;
	s4 =	sadd.s32 $0xC600, s6  }
0x8: {  	s11 =	sshrl.u32 s31, $0x1;
	s5 =	sadd.s32 s7, s5;
	s30 =	sadd.s32 s8, s29  }
0x9: {  	s11 =	ssub.s32 s31, s11;
	s5 =	sshrl.u32 s5, $0x3;
	s10 =	sshrl.u32 s30, $0x3  }
0xa: {  	s9 =	sadd.s32 s5, s6;
	s5 =	sadd.s32 $0xC800, s6;
	s10 =	sadd.s32 s10, s6  }
0xb: {  	s6 =	sadd.s32 s8, s2;
	s8 =	smax.u32 s11, $0x1;
	s11 =	simm.s32 $0x1  }
0xc: {  	s7 =	sadd.s32 $0xCA00, s10;
	s9 =	sadd.s32 $0x2800, s9;
	s10 =	simm.s32 $0x200  }
.LBB2_1:
0xd: {  	[tilespmem:s10], [sflag:$0x1] =	stream.linear.gather [hbm4b:s5+s3], $0x280, $0x38;
	[tilespmem:$0x700] =	vst v63  }
0xe: {  	_ =	swait.ge [sflag:s11], $0x280  }
0xf: {  	[sflag:s11] =	ssyncset.done $0x0  }
0x10: {  	[sflag:s11] =	ssyncadd.s32 $0xFFFFFD80  }
0x11: {  	[spmem:s6] =	stream.linear.scatter [tilespmem:s10], [sflag:$0x1], $0x280, $0x38;
	[tilespmem:$0x700] =	vst v63  }
0x12: {  	_ =	swait.ge [sflag:s11], $0x280  }
0x13: {  	[sflag:s11] =	ssyncset.done $0x0  }
0x14: {  	[sflag:s11] =	ssyncadd.s32 $0xFFFFFD80  }
0x15: {  	[tilespmem:s12], [sflag:$0x1] =	stream.linear.gather [hbm4b:s4+s3], $0x100, $0x38;
	[tilespmem:$0x700] =	vst v63  }
0x16: {  	_ =	swait.ge [sflag:s11], $0x100  }
0x17: {  	[sflag:s11] =	ssyncset.done $0x0  }
0x18: {  	[sflag:s11] =	ssyncadd.s32 $0xFFFFFF00  }
0x19: {  	s15 =	sadd.s32 $0x0, s9;
	[bflag:$0x0] =	sbarrier.arrive $0xFFFF  }
0x1a: {  	[tilespmem:s3], [sflag:$0x1] =	stream.linear.gather [hbm4b:s15+s3], $0xC8, $0x38;
	[tilespmem:$0x700] =	vst v63  }
0x1b: {  	_ =	swait.ge [sflag:s11], $0xC8  }
0x1c: {  	[sflag:s11] =	ssyncset.done $0x0  }
0x1d: {  	[sflag:s11] =	ssyncadd.s32 $0xFFFFFF38  }
0x1e: {  	[spmem:s2] =	stream.indirect.scatter.add.f32 [tilespmem:s12], [sflag:$0x1], $0x1, s3, s13, $0xb8;
	[tilespmem:$0x700] =	vst v63  }
0x1f: {  	_ =	swait.ge [sflag:s11], $0xC8  }
0x20: {  	s16 =	simm.s32 $0x32;
	s15 =	simm.s32 $0x19;
	[sflag:s11] =	ssyncset.done $0x0  }
.LBB2_2:
0x21: {  	s17 =	sadd.s32 s15, s9  }
0x22: {  	[sflag:s11] =	ssyncadd.s32 $0xFFFFFF38;
	s15 =	smov.u32 s16;
	s18 =	sadd.s32 $0x19, s16  }
0x23: {  	[tilespmem:s3], [sflag:$0x1] =	stream.linear.gather [hbm4b:s17+s3], $0xC8, $0x38;
	[tilespmem:$0x700] =	vst v63  }
0x24: {  	p0 =	sne.s32 s16, $0x4C9;
	_ =	swait.ge [sflag:s11], $0xC8  }
.Ltmp0:
0x25: {  	[sflag:s11] =	ssyncset.done $0x0;
	(pc) =	sbr.rel @p0 .LBB2_2-.Ltmp0, $4  }
0x26: {  	[sflag:s11] =	ssyncadd.s32 $0xFFFFFF38  }
0x27: {  	[spmem:s2] =	stream.indirect.scatter.add.f32 [tilespmem:s12], [sflag:$0x1], $0x1, s3, s13, $0xb8;
	[tilespmem:$0x700] =	vst v63  }
0x28: {  	_ =	swait.ge [sflag:s11], $0xC8  }
0x29: {  	s16 =	smov.u32 s18;
	[sflag:s11] =	ssyncset.done $0x0  }
0x2a: {  	s15 =	sadd.s32 s15, s9;
	[sflag:s11] =	ssyncadd.s32 $0xFFFFFF38  }
0x2b: {  	[tilespmem:s3], [sflag:$0x1] =	stream.linear.gather [hbm4b:s15+s3], $0xC8, $0x38;
	[tilespmem:$0x700] =	vst v63  }
0x2c: {  	_ =	swait.ge [sflag:s11], $0xC8  }
0x2d: {  	[sflag:s11] =	ssyncset.done $0x0  }
0x2e: {  	[sflag:s11] =	ssyncadd.s32 $0xFFFFFF38  }
0x2f: {  	[spmem:s2] =	stream.indirect.scatter.add.f32 [tilespmem:s12], [sflag:$0x1], $0x1, s3, s13, $0xb8;
	[tilespmem:$0x700] =	vst v63  }
0x30: {  	_ =	swait.ge [sflag:s11], $0xC8  }
0x31: {  	[sflag:s11] =	ssyncset.done $0x0  }
0x32: {  	[sflag:s11] =	ssyncadd.s32 $0xFFFFFF38  }
0x33: {  	[bflag:$0x0] =	sbarrier.arrive $0xFFFF  }
0x34: {  	[tilespmem:s10], [sflag:$0x1] =	stream.linear.gather [spmem:s6], $0x280, $0x38;
	[tilespmem:$0x700] =	vst v63  }
0x35: {  	s14 =	sadd.s32 $0x1, s14;
	_ =	swait.ge [sflag:s11], $0x280  }
0x36: {  	p0 =	sne.s32 s14, s8;
	[sflag:s11] =	ssyncset.done $0x0  }
.Ltmp1:
0x37: {  	[sflag:s11] =	ssyncadd.s32 $0xFFFFFD80;
	(pc) =	sbr.rel @p0 .LBB2_1-.Ltmp1, $4  }
0x38: {  	[hbm4b:s7+s3] =	stream.linear.scatter [tilespmem:s10], [sflag:$0x1], $0x280, $0x38;
	[tilespmem:$0x700] =	vst v63  }
0x39: {  	_ =	swait.ge [sflag:s11], $0x280  }
0x3a: {  	[sflag:s11] =	ssyncset.done $0x0  }
0x3b: {  	[sflag:s11] =	ssyncadd.s32 $0xFFFFFD80  }
0x3c: {  	_ =	sfence.sel $0x180000  }
0x3d: {  	[bflag:$0x0] =	sbarrier.arrive $0xFFFF  }
0x3e: {  	p0 =	sne.s32 s0, $0x0;
	_ =	strace $0x90000047  }
0x3f: {  	s0 =	sadd.s32 @!p0 $0x100000, s1;
	[bflag:$0x2] =	sbarrier.arrive $0xFFFF  }
0x40: {  	[sflag:s0] =	ssyncadd.tile.s32 @!p0 $0x1;
	_ =	shalt  }
.Lfunc_end2:
_tile_overlayer_lowered:
.L_overlay_start_2:
0x41: {  	(tag) =	ssettag $0x2  }
0x42: {  	s0 =	rddreg [dreg:$0x0];
	s2 =	stileid.u32  }
0x43: {  	s1 =	rddreg [dreg:$0x1];
	p0 =	sne.s32 s2, $0x0  }
0x44: {  	s3 =	rddreg [dreg:$0x2];
	[bflag:$0x3] =	sbarrier.arrive $0xFFFF;
	s2 =	simm.s32 @!p0 $0x1C01  }
0x45: {  	[timem:s3], [sflag:s2] =	dma.local @!p0 [hbm:s0], s1  }
0x46: {  	s0 =	simm.s32 @!p0 $0x1  }
0x47: {  	_ =	swait.ge @!p0 [sflag:s0], s1  }
0x48: {  	s1 =	ssub.s32 @!p0 $0x0, s1;
	[sflag:s0] =	ssyncset.done @!p0 $0x0  }
0x49: {  	[sflag:s0] =	ssyncadd.s32 @!p0 s1  }
0x4a: {  	[bflag:$0x3] =	sbarrier.arrive $0xFFFF  }
0x4b: {  	_ =	shalt  }

// kernel: kernel.14.cloned.1.call-start
scs
__scs_entry_jumppad:
0x0: {  	(pc) =	sbr.rel $0x88, $3  }
0x1: {  	(tag) =	ssettag $0x0;
	lr =	simm.s32 $0x1  }
0x2: {  	[smem:$0x3F99] =	sst lr;
	_ =	strace $0xD0000000  }
0x3: {  	_ = 	snop  }
0x4: {  	_ = 	snop  }
0x5: {  	_ = 	snop  }
0x6: {  	_ = 	snop  }
0x7: {  	_ = 	snop  }
__scs_overlays_trampoline_lowered:
0x8: {  	[smem:$0x3FA8] =	sst s0  }
0x9: {  	[smem:$0x3FA9] =	sst s1  }
0xa: {  	[smem:$0x3FAA] =	sst s2  }
0xb: {  	[smem:$0x3FAB] =	sst s3  }
0xc: {  	[smem:$0x3FAC] =	sst s4  }
0xd: {  	[smem:$0x3FAD] =	sst s5  }
0xe: {  	[smem:$0x3FAE] =	sst s6  }
0xf: {  	[smem:$0x3FAF] =	sst s7  }
0x10: {  	[smem:$0x3FB0] =	sst s8  }
0x11: {  	[smem:$0x3FB1] =	sst s9;
	s0 =	simm.s32 @!p0 $0x0  }
0x12: {  	s1 =	sld [smem:$0x3F97];
	s0 =	simm.s32 @p0 $0x1  }
0x13: {  	[smem:$0x3FB2] =	sst s0;
	s0 =	simm.s32 @!p1 $0x0  }
0x14: {  	s2 =	sld [smem:$0x3F96];
	s0 =	simm.s32 @p1 $0x1  }
0x15: {  	[smem:$0x3FB3] =	sst s0;
	s0 =	simm.s32 @!p2 $0x0  }
0x16: {  	s3 =	sld [smem:$0x3FDB];
	s0 =	simm.s32 @p2 $0x1  }
0x17: {  	s4 =	simm.s32 $0x1BF5;
	[smem:$0x3FB5] =	sst s0  }
0x18: {  	s0 =	sld [smem:$0x3F98];
	_ =	swait.ge [sflag:s4], $0x0  }
0x19: {  	s7 =	sld [smem:$0x3F99]  }
0x1a: {  	s8 =	sadd.s32 $0xFFFFE003, lr  }
0x1b: {  	s9 =	sadd.s32 $0xFFFFFEF7, lr;
	s5 =	simm.s32 $0xFFFFFFFF;
	p2 =	slt.u32 s8, $0xFFFFF086  }
0x1c: {  	p1 =	slt.u32 s9, $0xF7A;
	s5 =	simm.s32 @!p2 $0x0  }
0x1d: {  	s5 =	simm.s32 @p1 $0x1;
	p0 =	seq.s32 s7, s2  }
0x1e: {  	s7 =	smul.u32 @!p0 $0xF7A, s2;
	p2 =	seq.s32 @!p0 s5, $0x0  }
0x1f: {  	s9 =	smul.u32 $0xF7A, s1;
	s8 =	simm.s32 @!p0 $0x1BF5;
	p2 =	por !p2, p0  }
0x20: {  	[sflag:s8] =	ssyncset.s32 @!p0 $0xFFFFF086;
	s6 =	sadd.s32 @!p0 s3, s7;
	s7 =	simm.s32 @!p0 $0x108  }
0x21: {  	s3 =	sadd.s32 s3, s9;
	s6 =	sadd.s32 @!p0 $0x88, s6;
	s7 =	simm.s32 @p2 $0x1082  }
0x22: {  	[simem:s7], [sflag:s8] =	dma.local @!p0 [hbm:s6], $0xF7A  }
0x23: {  	s9 =	sor.u32 $0xD0000000, s2;
	s6 =	simm.s32 $0x108;
	_ =	swait.ge @!p0 [sflag:s8], $0x0  }
0x24: {  	s3 =	sadd.s32 $0x88, s3;
	s6 =	simm.s32 @!p1 $0x1082;
	[sflag:s4] =	ssyncset.s32 $0xFFFFF086  }
0x25: {  	[simem:s6], [sflag:s4] =	dma.local [hbm:s3], $0xF7A  }
0x26: {  	[smem:$0x3F99] =	sst s1;
	(tag) =	ssettag s2;
	_ =	strace s9  }
0x27: {  	s1 =	sld [smem:$0x3FA9]  }
0x28: {  	s2 =	sld [smem:$0x3FAA]  }
0x29: {  	s4 =	sld [smem:$0x3FAC]  }
0x2a: {  	p0 =	seq.s32 s5, $0x0;
	s5 =	sld [smem:$0x3FAD]  }
0x2b: {  	s6 =	sld [smem:$0x3FAE]  }
0x2c: {  	s7 =	sld [smem:$0x3FAF]  }
0x2d: {  	s3 =	simm.s32 $0x108;
	s8 =	sld [smem:$0x3FB0]  }
0x2e: {  	s3 =	simm.s32 @!p0 $0x1082;
	s9 =	sld [smem:$0x3FB1]  }
0x2f: {  	lr =	sadd.s32 s0, s3;
	s0 =	sld [smem:$0x3FA8]  }
0x30: {  	s3 =	sld [smem:$0x3FAB]  }
0x31: {  	[smem:$0x3FB4] =	sst s10  }
0x32: {  	s10 =	sld [smem:$0x3FB2];
	_ =	sdelay $0x3  }
0x33: {  	p0 =	seq.s32 s10, $0x1;
	s10 =	sld [smem:$0x3FB4];
	_ =	sdelay $0x3  }
0x34: {  	[smem:$0x3FB4] =	sst s10  }
0x35: {  	s10 =	sld [smem:$0x3FB3];
	_ =	sdelay $0x3  }
0x36: {  	p1 =	seq.s32 s10, $0x1;
	s10 =	sld [smem:$0x3FB4];
	_ =	sdelay $0x3  }
0x37: {  	[smem:$0x3FB4] =	sst s10  }
0x38: {  	s10 =	sld [smem:$0x3FB5]  }
0x39: {  	_ = 	snop;
	(pc) =	sbr.ind lr, $3  }
0x3a: {  	_ = 	snop  }
0x3b: {  	_ = 	snop  }
0x3c: {  	p2 =	seq.s32 s10, $0x1;
	s10 =	sld [smem:$0x3FB4]  }
0x3d: {  	_ =	shalt  }
0x3e: {  	_ =	shalt  }
0x3f: {  	_ =	shalt  }
0x40: {  	_ =	shalt  }
0x41: {  	_ =	shalt  }
0x42: {  	_ =	shalt  }
0x43: {  	_ =	shalt  }
0x44: {  	_ =	shalt  }
0x45: {  	_ =	shalt  }
0x46: {  	_ =	shalt  }
0x47: {  	_ =	shalt  }
0x48: {  	_ =	shalt  }
0x49: {  	_ =	shalt  }
0x4a: {  	_ =	shalt  }
0x4b: {  	_ =	shalt  }
0x4c: {  	_ =	shalt  }
0x4d: {  	_ =	shalt  }
0x4e: {  	_ =	shalt  }
0x4f: {  	_ =	shalt  }
0x50: {  	_ =	shalt  }
0x51: {  	_ =	shalt  }
0x52: {  	_ =	shalt  }
0x53: {  	_ =	shalt  }
0x54: {  	_ =	shalt  }
0x55: {  	_ =	shalt  }
0x56: {  	_ =	shalt  }
0x57: {  	_ =	shalt  }
0x58: {  	_ =	shalt  }
0x59: {  	_ =	shalt  }
0x5a: {  	_ =	shalt  }
0x5b: {  	_ =	shalt  }
0x5c: {  	_ =	shalt  }
0x5d: {  	_ =	shalt  }
0x5e: {  	_ =	shalt  }
0x5f: {  	_ =	shalt  }
0x60: {  	_ =	shalt  }
0x61: {  	_ =	shalt  }
0x62: {  	_ =	shalt  }
0x63: {  	_ =	shalt  }
0x64: {  	_ =	shalt  }
0x65: {  	_ =	shalt  }
0x66: {  	_ =	shalt  }
0x67: {  	_ =	shalt  }
0x68: {  	_ =	shalt  }
0x69: {  	_ =	shalt  }
0x6a: {  	_ =	shalt  }
0x6b: {  	_ =	shalt  }
0x6c: {  	_ =	shalt  }
0x6d: {  	_ =	shalt  }
0x6e: {  	_ =	shalt  }
0x6f: {  	_ =	shalt  }
0x70: {  	_ =	shalt  }
0x71: {  	_ =	shalt  }
0x72: {  	_ =	shalt  }
0x73: {  	_ =	shalt  }
0x74: {  	_ =	shalt  }
0x75: {  	_ =	shalt  }
0x76: {  	_ =	shalt  }
0x77: {  	_ =	shalt  }
0x78: {  	_ =	shalt  }
0x79: {  	_ =	shalt  }
0x7a: {  	_ =	shalt  }
0x7b: {  	_ =	shalt  }
0x7c: {  	_ =	shalt  }
0x7d: {  	_ =	shalt  }
0x7e: {  	_ =	shalt  }
0x7f: {  	_ =	shalt  }
0x80: {  	_ =	shalt  }
0x81: {  	_ =	shalt  }
0x82: {  	_ =	shalt  }
0x83: {  	_ =	shalt  }
0x84: {  	_ =	shalt  }
0x85: {  	_ =	shalt  }
0x86: {  	_ =	shalt  }
0x87: {  	_ =	shalt  }
.Lfunc_end0:
.L_simem_size_0:
called_computation.1_lowered:
.L_overlay_start_0:
0x88: {  	s2 =	sld [smem:$0x3FD9]  }
0x89: {  	s3 =	sld [smem:$0x3FFE];
	_ =	sdelay $0x1  }
0x8a: {  	s1 =	srdreg.scid  }
0x8b: {  	s0 =	sand.u32 $0x1, s1  }
0x8c: {  	s17 =	sshll.u32 s0, $0xA;
	s2 =	sadd.s32 s3, s2  }
0x8d: {  	s2 =	sadd.s32 s2, s17  }
0x8e: {  	[smem:$0x3FC0] =	sst s2  }
0x8f: {  	_ = 	snop  }
0x90: {  	s2 =	sld [smem:$0x3FD0];
	(tm) =	ssettm $0x1  }
0x91: {  	s18 =	sld [smem:$0x3FFB];
	_ =	sdelay $0x3  }
0x92: {  	_ =	strace s18  }
0x93: {  	s3 =	sld [smem:$0x3FFC];
	_ =	sdelay $0x3  }
0x94: {  	_ =	strace s3  }
0x95: {  	s3 =	sld [smem:$0x3FFD];
	_ =	sdelay $0x3  }
0x96: {  	_ =	strace s3  }
0x97: {  	_ =	strace $0x8FFFFFFF  }
0x98: {  	s19 =	sld [smem:$0x3FDB];
	_ =	sdelay $0x1  }
0x99: {  	s4 =	simm.s32 $_scs_section_size  }
0x9a: {  	s5 =	simm.s32 $_size__tile_overlayer_lowered;
	s6 =	simm.s32 $_tile_overlayer_lowered  }
0x9b: {  	s22 =	simm.s32 $0x1BFF;
	s21 =	sshll.u32 s6, $0x1;
	s3 =	sadd.s32 s4, s19  }
0x9c: {  	s7 =	simm.s32 $0x0;
	s20 =	sshll.u32 s5, $0x1;
	s5 =	sadd.s32 s21, s3  }
0x9d: {  	[timem:s7], [sflag:s22] =	dma.local [hbm:s5], s20  }
0x9e: {  	_ =	swait.ge [sflag:s22], s20  }
0x9f: {  	s4 =	ssub.s32 $0x0, s20;
	[sflag:s22] =	ssyncset.done $0x0  }
0xa0: {  	[sflag:s22] =	ssyncadd.s32 s4;
	_ =	sdelay $0x1  }
0xa1: {  	s23 =	simm.s32 $0x1B8B  }
0xa2: {  	_ =	swait.ge [sflag:s23], $0x1  }
0xa3: {  	[sflag:s23] =	ssyncset.done $0x0  }
0xa4: {  	s25 =	simm.s32 $0x1B8E;
	s24 =	sld [smem:$0x3FFE];
	[sflag:s23] =	ssyncadd.s32 $0xFFFFFFFF  }
0xa5: {  	s26 =	simm.s32 $execute0_lowered;
	[smem:$0x3FD2] =	sst s25  }
0xa6: {  	s5 =	sshll.u32 s26, $0x1;
	_ =	strace $0x80000049;
	[dreg:$0x1] =	wrdreg $0xFFFFFFFF  }
0xa7: {  	s28 =	simm.s32 $_size_execute0_lowered;
	s3 =	sadd.s32 s3, s5;
	[dreg:$0x0] =	wrdreg $0x0  }
0xa8: {  	s5 =	sshll.u32 s28, $0x1;
	[dreg:$0x2] =	wrdreg s3  }
0xa9: {  	[dreg:$0x3] =	wrdreg s5  }
0xaa: {  	[dreg:$0x4] =	wrdreg $0xC0  }
0xab: {  	_ =	task [dreg:s7], $0x5FFFF  }
0xac: {  	[dreg:$0x1] =	wrdreg $0xFFFFFFFF  }
0xad: {  	[dreg:$0x0] =	wrdreg $0x60  }
0xae: {  	[dreg:$0x2] =	wrdreg s24  }
0xaf: {  	[dreg:$0x3] =	wrdreg s2  }
0xb0: {  	[dreg:$0x4] =	wrdreg $0xA6000  }
0xb1: {  	[dreg:$0x5] =	wrdreg $0x9  }
0xb2: {  	_ =	task.clear_ibuf [dreg:s7], $0x6FFFF;
	_ =	strace $0x90000049  }
0xb3: {  	s29 =	simm.s32 $0x9;
	_ =	strace $0x8000004B  }
0xb4: {  	_ =	swait.ge [sflag:s29], $0x1  }
0xb5: {  	[sflag:s29] =	ssyncadd.s32 $0xFFFFFFFF  }
0xb6: {  	_ =	strace $0x9000004B  }
0xb7: {  	_ =	sfence  }
0xb8: {  	s30 =	sld [smem:$0x0];
	_ =	sdelay $0x2  }
0xb9: {  	s31 =	sshll.u32 s1, $0xD;
	s1 =	sshrl.u32 s1, $0x2  }
0xba: {  	s3 =	sand.u32 $0x4000, s31;
	s1 =	sadd.s32 s1, s30  }
0xbb: {  	s0 =	sor.u32 s3, s0;
	s1 =	sshll.u32 s1, $0x11  }
0xbc: {  	s0 =	sor.u32 s1, s0  }
0xbd: {  	s0 =	sadd.s32 $0x8F2B, s0  }
0xbe: {  	[sflag:s0] =	ssyncadd.remote.s32 $0x1  }
0xbf: {  	_ =	sfence.sel $0xFFFF  }
0xc0: {  	[dreg:$0x0] =	wrdreg $0xFFFFFFFF;
	(pc) =	sbr.abs _section_cstart, $3  }
0xc1: {  	[dreg:$0x1] =	wrdreg $0xFFFFFFFF  }
0xc2: {  	_ =	task.clear_ibuf [dreg:s7], $0x2FFFF;
	_ =	strace $0x9FFFFFFF  }
0xc3: {  	(tm) =	ssettm $0x7FFFFFFF  }
tec
execute0_lowered:
.L_overlay_start_1:
0x0: {  	(tag) =	ssettag $0x1  }
0x1: {  	s6 =	rddreg [dreg:$0x0]  }
0x2: {  	s18 =	rddreg [dreg:$0x1]  }
0x3: {  	s0 =	srdreg.scid;
	s2 =	rddreg [dreg:$0x2]  }
0x4: {  	s1 =	rddreg [dreg:$0x3];
	s7 =	sand.u32 $0x1, s0  }
0x5: {  	s0 =	stileid.u32;
	s4 =	smul.u32 $0x27100, s7  }
0x6: {  	s3 =	simm.s32 $0x0;
	s23 =	simm.s32 $0x200;
	s5 =	smul.u32 $0x2710, s0  }
0x7: {  	s24 =	simm.s32 $0x1;
	s25 =	simm.s32 $0x0;
	s8 =	smul.u32 $0x50000, s0  }
0x8: {  	[smem:$0x7FF] =	sst s3;
	s15 =	sadd.s32 $0x34000, s6;
	s10 =	smul.u32 $0x14000, s0  }
0x9: {  	_ =	strace $0x8000004A;
	s9 =	ssub.s32 $0x2, s7;
	s20 =	smul.u32 $0x140000, s7  }
0xa: {  	s31 =	sshrl.u32 s9, $0x1;
	s4 =	sadd.s32 s5, s4;
	s5 =	sadd.s32 $0x33800, s6  }
0xb: {  	s8 =	sshrl.u32 s8, $0x2;
	s16 =	ssub.s32 s9, s31;
	s11 =	sadd.s32 $0x4000, s10  }
0xc: {  	s13 =	sadd.s32 $0x8000, s10;
	s14 =	sadd.s32 $0xC000, s10;
	s21 =	sadd.s32 $0x10000, s10  }
0xd: {  	s12 =	sadd.s32 s10, s20;
	s19 =	sshrl.u32 s4, $0x3;
	s4 =	sadd.s32 $0xC600, s6  }
0xe: {  	s7 =	sadd.s32 s11, s2;
	s9 =	sadd.s32 s14, s2;
	s11 =	sadd.s32 s20, s11  }
0xf: {  	s10 =	sadd.s32 s21, s2;
	s12 =	sshrl.u32 s12, $0x3;
	s14 =	sadd.s32 s20, s14  }
0x10: {  	s16 =	smax.u32 s16, $0x1;
	s17 =	sadd.s32 s19, s6;
	s6 =	sadd.s32 s8, s2  }
0x11: {  	s8 =	sadd.s32 s13, s2;
	s22 =	sshrl.u32 s11, $0x3;
	s11 =	sadd.s32 s15, s12  }
0x12: {  	s13 =	sadd.s32 s20, s13;
	s20 =	sadd.s32 s20, s21;
	s14 =	sshrl.u32 s14, $0x3  }
0x13: {  	s18 =	sadd.s32 s19, s18;
	s19 =	simm.s32 $0x6600;
	s21 =	simm.s32 $0x100  }
0x14: {  	s12 =	sadd.s32 s15, s22;
	s13 =	sshrl.u32 s13, $0x3;
	s20 =	sshrl.u32 s20, $0x3  }
0x15: {  	s14 =	sadd.s32 s15, s14;
	s17 =	sadd.s32 $0x2800, s17;
	s22 =	simm.s32 $0xC8  }
0x16: {  	s13 =	sadd.s32 s15, s13;
	s15 =	sadd.s32 s15, s20;
	s20 =	simm.s32 $0x2  }
.LBB2_1:
0x17: {  	[tilespmem:s19], [sflag:$0x2] =	stream.linear.gather [hbm4b:s5+s3], $0x4000, $0x38;
	[tilespmem:$0x1E600] =	vst v63  }
0x18: {  	_ =	swait.ge [sflag:s20], $0x4000  }
0x19: {  	[sflag:s20] =	ssyncset.done $0x0  }
0x1a: {  	[sflag:s20] =	ssyncadd.s32 $0xFFFFC000  }
0x1b: {  	[spmem:s6] =	stream.linear.scatter [tilespmem:s19], [sflag:$0x2], $0x4000, $0x38;
	[tilespmem:$0x1E600] =	vst v63  }
0x1c: {  	_ =	swait.ge [sflag:s20], $0x4000  }
0x1d: {  	[sflag:s20] =	ssyncset.done $0x0  }
0x1e: {  	[sflag:s20] =	ssyncadd.s32 $0xFFFFC000  }
0x1f: {  	[spmem:s7] =	stream.linear.scatter [tilespmem:s19], [sflag:$0x2], $0x4000, $0x38;
	[tilespmem:$0x1E600] =	vst v63  }
0x20: {  	_ =	swait.ge [sflag:s20], $0x4000  }
0x21: {  	[sflag:s20] =	ssyncset.done $0x0  }
0x22: {  	[sflag:s20] =	ssyncadd.s32 $0xFFFFC000  }
0x23: {  	[spmem:s8] =	stream.linear.scatter [tilespmem:s19], [sflag:$0x2], $0x4000, $0x38;
	[tilespmem:$0x1E600] =	vst v63  }
0x24: {  	_ =	swait.ge [sflag:s20], $0x4000  }
0x25: {  	[sflag:s20] =	ssyncset.done $0x0  }
0x26: {  	[sflag:s20] =	ssyncadd.s32 $0xFFFFC000  }
0x27: {  	[spmem:s9] =	stream.linear.scatter [tilespmem:s19], [sflag:$0x2], $0x4000, $0x38;
	[tilespmem:$0x1E600] =	vst v63  }
0x28: {  	_ =	swait.ge [sflag:s20], $0x4000  }
0x29: {  	[sflag:s20] =	ssyncset.done $0x0  }
0x2a: {  	[sflag:s20] =	ssyncadd.s32 $0xFFFFC000  }
0x2b: {  	[spmem:s10] =	stream.linear.scatter [tilespmem:s19], [sflag:$0x2], $0x4000, $0x38;
	[tilespmem:$0x1E600] =	vst v63  }
0x2c: {  	_ =	swait.ge [sflag:s20], $0x4000  }
0x2d: {  	[sflag:s20] =	ssyncset.done $0x0  }
0x2e: {  	[sflag:s20] =	ssyncadd.s32 $0xFFFFC000  }
0x2f: {  	s26 =	sadd.s32 $0x0, s18;
	[bflag:$0x0] =	sbarrier.arrive $0xFFFF  }
0x30: {  	[tilespmem:s3], [sflag:$0x2] =	stream.linear.gather [hbm4b:s26+s3], $0xC8, $0x38;
	[tilespmem:$0x1E600] =	vst v63  }
0x31: {  	_ =	swait.ge [sflag:s20], $0xC8  }
0x32: {  	[sflag:s20] =	ssyncset.done $0x0  }
0x33: {  	s31 =	sadd.s32 $0x0, s17;
	[sflag:s20] =	ssyncadd.s32 $0xFFFFFF38  }
0x34: {  	[tilespmem:s21], [sflag:$0x2] =	stream.linear.gather [hbm4b:s31+s3], $0xC8, $0x38;
	[tilespmem:$0x1E600] =	vst v63  }
0x35: {  	_ =	swait.ge [sflag:s20], $0xC8  }
0x36: {  	[sflag:s20] =	ssyncset.done $0x0  }
0x37: {  	[sflag:s20] =	ssyncadd.s32 $0xFFFFFF38  }
0x38: {  	[tilespmem:s23], [sflag:$0x1] =	stream.indirect.gather [hbm4b:s4+s22], $0x80, s3, s22, $0xb8;
	[tilespmem:$0x1E600] =	vst v63  }
0x39: {  	_ =	swait.ge [sflag:s24], $0x6400  }
0x3a: {  	[sflag:s24] =	ssyncset.done $0x0  }
0x3b: {  	[sflag:s24] =	ssyncadd.s32 $0xFFFF9C00  }
0x3c: {  	[spmem:s2] =	stream.indirect.scatter.add.f32 [tilespmem:s23], [sflag:$0x2], $0x80, s21, s22, $0xb8;
	[tilespmem:$0x1E600] =	vst v63  }
0x3d: {  	_ =	swait.ge [sflag:s20], $0x6400  }
0x3e: {  	s28 =	simm.s32 $0x32;
	s26 =	simm.s32 $0x19;
	[sflag:s20] =	ssyncset.done $0x0  }
.LBB2_2:
0x3f: {  	s29 =	sadd.s32 s26, s18  }
0x40: {  	[sflag:s20] =	ssyncadd.s32 $0xFFFF9C00;
	s30 =	smov.u32 s28;
	s31 =	sadd.s32 $0x19, s28  }
0x41: {  	[tilespmem:s3], [sflag:$0x2] =	stream.linear.gather [hbm4b:s29+s3], $0xC8, $0x38;
	[tilespmem:$0x1E600] =	vst v63  }
0x42: {  	p0 =	sne.s32 s28, $0x4C9;
	_ =	swait.ge [sflag:s20], $0xC8  }
0x43: {  	[sflag:s20] =	ssyncset.done $0x0  }
0x44: {  	s28 =	sadd.s32 s26, s17;
	s26 =	smov.u32 s30;
	[sflag:s20] =	ssyncadd.s32 $0xFFFFFF38  }
0x45: {  	[tilespmem:s21], [sflag:$0x2] =	stream.linear.gather [hbm4b:s28+s3], $0xC8, $0x38;
	[tilespmem:$0x1E600] =	vst v63  }
0x46: {  	_ =	swait.ge [sflag:s20], $0xC8  }
0x47: {  	[sflag:s20] =	ssyncset.done $0x0  }
0x48: {  	[sflag:s20] =	ssyncadd.s32 $0xFFFFFF38  }
0x49: {  	[tilespmem:s23], [sflag:$0x1] =	stream.indirect.gather [hbm4b:s4+s22], $0x80, s3, s22, $0xb8;
	[tilespmem:$0x1E600] =	vst v63  }
0x4a: {  	_ =	swait.ge [sflag:s24], $0x6400  }
.Ltmp0:
0x4b: {  	[sflag:s24] =	ssyncset.done $0x0;
	(pc) =	sbr.rel @p0 .LBB2_2-.Ltmp0, $4  }
0x4c: {  	[sflag:s24] =	ssyncadd.s32 $0xFFFF9C00  }
0x4d: {  	[spmem:s2] =	stream.indirect.scatter.add.f32 [tilespmem:s23], [sflag:$0x2], $0x80, s21, s22, $0xb8;
	[tilespmem:$0x1E600] =	vst v63  }
0x4e: {  	_ =	swait.ge [sflag:s20], $0x6400  }
0x4f: {  	s28 =	smov.u32 s31;
	[sflag:s20] =	ssyncset.done $0x0  }
0x50: {  	s28 =	sadd.s32 s26, s18;
	[sflag:s20] =	ssyncadd.s32 $0xFFFF9C00  }
0x51: {  	[tilespmem:s3], [sflag:$0x2] =	stream.linear.gather [hbm4b:s28+s3], $0xC8, $0x38;
	[tilespmem:$0x1E600] =	vst v63  }
0x52: {  	_ =	swait.ge [sflag:s20], $0xC8  }
0x53: {  	[sflag:s20] =	ssyncset.done $0x0  }
0x54: {  	s31 =	sadd.s32 s26, s17;
	[sflag:s20] =	ssyncadd.s32 $0xFFFFFF38  }
0x55: {  	[tilespmem:s21], [sflag:$0x2] =	stream.linear.gather [hbm4b:s31+s3], $0xC8, $0x38;
	[tilespmem:$0x1E600] =	vst v63  }
0x56: {  	_ =	swait.ge [sflag:s20], $0xC8  }
0x57: {  	[sflag:s20] =	ssyncset.done $0x0  }
0x58: {  	[sflag:s20] =	ssyncadd.s32 $0xFFFFFF38  }
0x59: {  	[tilespmem:s23], [sflag:$0x1] =	stream.indirect.gather [hbm4b:s4+s22], $0x80, s3, s22, $0xb8;
	[tilespmem:$0x1E600] =	vst v63  }
0x5a: {  	_ =	swait.ge [sflag:s24], $0x6400  }
0x5b: {  	[sflag:s24] =	ssyncset.done $0x0  }
0x5c: {  	[sflag:s24] =	ssyncadd.s32 $0xFFFF9C00  }
0x5d: {  	[spmem:s2] =	stream.indirect.scatter.add.f32 [tilespmem:s23], [sflag:$0x2], $0x80, s21, s22, $0xb8;
	[tilespmem:$0x1E600] =	vst v63  }
0x5e: {  	_ =	swait.ge [sflag:s20], $0x6400  }
0x5f: {  	[sflag:s20] =	ssyncset.done $0x0  }
0x60: {  	[sflag:s20] =	ssyncadd.s32 $0xFFFF9C00  }
0x61: {  	[bflag:$0x0] =	sbarrier.arrive $0xFFFF  }
0x62: {  	[tilespmem:s19], [sflag:$0x2] =	stream.linear.gather [spmem:s6], $0x4000, $0x38;
	[tilespmem:$0x1E600] =	vst v63  }
0x63: {  	_ =	swait.ge [sflag:s20], $0x4000  }
0x64: {  	[sflag:s20] =	ssyncset.done $0x0  }
0x65: {  	[sflag:s20] =	ssyncadd.s32 $0xFFFFC000  }
0x66: {  	[hbm4b:s11+s3] =	stream.linear.scatter [tilespmem:s19], [sflag:$0x2], $0x4000, $0x38;
	[tilespmem:$0x1E600] =	vst v63  }
0x67: {  	_ =	swait.ge [sflag:s20], $0x4000  }
0x68: {  	[sflag:s20] =	ssyncset.done $0x0  }
0x69: {  	[sflag:s20] =	ssyncadd.s32 $0xFFFFC000  }
0x6a: {  	[tilespmem:s19], [sflag:$0x2] =	stream.linear.gather [spmem:s7], $0x4000, $0x38;
	[tilespmem:$0x1E600] =	vst v63  }
0x6b: {  	_ =	swait.ge [sflag:s20], $0x4000  }
0x6c: {  	[sflag:s20] =	ssyncset.done $0x0  }
0x6d: {  	[sflag:s20] =	ssyncadd.s32 $0xFFFFC000  }
0x6e: {  	[hbm4b:s12+s3] =	stream.linear.scatter [tilespmem:s19], [sflag:$0x2], $0x4000, $0x38;
	[tilespmem:$0x1E600] =	vst v63  }
0x6f: {  	_ =	swait.ge [sflag:s20], $0x4000  }
0x70: {  	[sflag:s20] =	ssyncset.done $0x0  }
0x71: {  	[sflag:s20] =	ssyncadd.s32 $0xFFFFC000  }
0x72: {  	[tilespmem:s19], [sflag:$0x2] =	stream.linear.gather [spmem:s8], $0x4000, $0x38;
	[tilespmem:$0x1E600] =	vst v63  }
0x73: {  	_ =	swait.ge [sflag:s20], $0x4000  }
0x74: {  	[sflag:s20] =	ssyncset.done $0x0  }
0x75: {  	[sflag:s20] =	ssyncadd.s32 $0xFFFFC000  }
0x76: {  	[hbm4b:s13+s3] =	stream.linear.scatter [tilespmem:s19], [sflag:$0x2], $0x4000, $0x38;
	[tilespmem:$0x1E600] =	vst v63  }
0x77: {  	_ =	swait.ge [sflag:s20], $0x4000  }
0x78: {  	[sflag:s20] =	ssyncset.done $0x0  }
0x79: {  	[sflag:s20] =	ssyncadd.s32 $0xFFFFC000  }
0x7a: {  	[tilespmem:s19], [sflag:$0x2] =	stream.linear.gather [spmem:s9], $0x4000, $0x38;
	[tilespmem:$0x1E600] =	vst v63  }
0x7b: {  	_ =	swait.ge [sflag:s20], $0x4000  }
0x7c: {  	[sflag:s20] =	ssyncset.done $0x0  }
0x7d: {  	[sflag:s20] =	ssyncadd.s32 $0xFFFFC000  }
0x7e: {  	[hbm4b:s14+s3] =	stream.linear.scatter [tilespmem:s19], [sflag:$0x2], $0x4000, $0x38;
	[tilespmem:$0x1E600] =	vst v63  }
0x7f: {  	_ =	swait.ge [sflag:s20], $0x4000  }
0x80: {  	[sflag:s20] =	ssyncset.done $0x0  }
0x81: {  	[sflag:s20] =	ssyncadd.s32 $0xFFFFC000  }
0x82: {  	[tilespmem:s19], [sflag:$0x2] =	stream.linear.gather [spmem:s10], $0x4000, $0x38;
	[tilespmem:$0x1E600] =	vst v63  }
0x83: {  	s25 =	sadd.s32 $0x1, s25;
	_ =	swait.ge [sflag:s20], $0x4000  }
0x84: {  	p0 =	sne.s32 s25, s16;
	[sflag:s20] =	ssyncset.done $0x0  }
.Ltmp1:
0x85: {  	[sflag:s20] =	ssyncadd.s32 $0xFFFFC000;
	(pc) =	sbr.rel @p0 .LBB2_1-.Ltmp1, $4  }
0x86: {  	[hbm4b:s15+s3] =	stream.linear.scatter [tilespmem:s19], [sflag:$0x2], $0x4000, $0x38;
	[tilespmem:$0x1E600] =	vst v63  }
0x87: {  	_ =	swait.ge [sflag:s20], $0x4000  }
0x88: {  	[sflag:s20] =	ssyncset.done $0x0  }
0x89: {  	[sflag:s20] =	ssyncadd.s32 $0xFFFFC000  }
0x8a: {  	_ =	sfence.sel $0x180000  }
0x8b: {  	[bflag:$0x0] =	sbarrier.arrive $0xFFFF  }
0x8c: {  	p0 =	sne.s32 s0, $0x0;
	_ =	strace $0x9000004A  }
0x8d: {  	s0 =	sadd.s32 @!p0 $0x100000, s1;
	[bflag:$0x2] =	sbarrier.arrive $0xFFFF  }
0x8e: {  	[sflag:s0] =	ssyncadd.tile.s32 @!p0 $0x1;
	_ =	shalt  }
.Lfunc_end2:
_tile_overlayer_lowered:
.L_overlay_start_2:
0x8f: {  	(tag) =	ssettag $0x2  }
0x90: {  	s0 =	rddreg [dreg:$0x0];
	s2 =	stileid.u32  }
0x91: {  	s1 =	rddreg [dreg:$0x1];
	p0 =	sne.s32 s2, $0x0  }
0x92: {  	s3 =	rddreg [dreg:$0x2];
	[bflag:$0x3] =	sbarrier.arrive $0xFFFF;
	s2 =	simm.s32 @!p0 $0x1C02  }
0x93: {  	[timem:s3], [sflag:s2] =	dma.local @!p0 [hbm:s0], s1  }
0x94: {  	s0 =	simm.s32 @!p0 $0x2  }
0x95: {  	_ =	swait.ge @!p0 [sflag:s0], s1  }
0x96: {  	s1 =	ssub.s32 @!p0 $0x0, s1;
	[sflag:s0] =	ssyncset.done @!p0 $0x0  }
0x97: {  	[sflag:s0] =	ssyncadd.s32 @!p0 s1  }
0x98: {  	[bflag:$0x3] =	sbarrier.arrive $0xFFFF  }
0x99: {  	_ =	shalt  }

// kernel: kernel.17.cloned.1.call-start
scs
__scs_entry_jumppad:
0x0: {  	(pc) =	sbr.rel $0x88, $3  }
0x1: {  	(tag) =	ssettag $0x0;
	lr =	simm.s32 $0x1  }
0x2: {  	[smem:$0x3F99] =	sst lr;
	_ =	strace $0xD0000000  }
0x3: {  	_ = 	snop  }
0x4: {  	_ = 	snop  }
0x5: {  	_ = 	snop  }
0x6: {  	_ = 	snop  }
0x7: {  	_ = 	snop  }
__scs_overlays_trampoline_lowered:
0x8: {  	[smem:$0x3FA8] =	sst s0  }
0x9: {  	[smem:$0x3FA9] =	sst s1  }
0xa: {  	[smem:$0x3FAA] =	sst s2  }
0xb: {  	[smem:$0x3FAB] =	sst s3  }
0xc: {  	[smem:$0x3FAC] =	sst s4  }
0xd: {  	[smem:$0x3FAD] =	sst s5  }
0xe: {  	[smem:$0x3FAE] =	sst s6  }
0xf: {  	[smem:$0x3FAF] =	sst s7  }
0x10: {  	[smem:$0x3FB0] =	sst s8  }
0x11: {  	[smem:$0x3FB1] =	sst s9;
	s0 =	simm.s32 @!p0 $0x0  }
0x12: {  	s1 =	sld [smem:$0x3F97];
	s0 =	simm.s32 @p0 $0x1  }
0x13: {  	[smem:$0x3FB2] =	sst s0;
	s0 =	simm.s32 @!p1 $0x0  }
0x14: {  	s2 =	sld [smem:$0x3F96];
	s0 =	simm.s32 @p1 $0x1  }
0x15: {  	[smem:$0x3FB3] =	sst s0;
	s0 =	simm.s32 @!p2 $0x0  }
0x16: {  	s3 =	sld [smem:$0x3FDB];
	s0 =	simm.s32 @p2 $0x1  }
0x17: {  	s4 =	simm.s32 $0x1BF5;
	[smem:$0x3FB5] =	sst s0  }
0x18: {  	s0 =	sld [smem:$0x3F98];
	_ =	swait.ge [sflag:s4], $0x0  }
0x19: {  	s7 =	sld [smem:$0x3F99]  }
0x1a: {  	s8 =	sadd.s32 $0xFFFFE003, lr  }
0x1b: {  	s9 =	sadd.s32 $0xFFFFFEF7, lr;
	s5 =	simm.s32 $0xFFFFFFFF;
	p2 =	slt.u32 s8, $0xFFFFF086  }
0x1c: {  	p1 =	slt.u32 s9, $0xF7A;
	s5 =	simm.s32 @!p2 $0x0  }
0x1d: {  	s5 =	simm.s32 @p1 $0x1;
	p0 =	seq.s32 s7, s2  }
0x1e: {  	s7 =	smul.u32 @!p0 $0xF7A, s2;
	p2 =	seq.s32 @!p0 s5, $0x0  }
0x1f: {  	s9 =	smul.u32 $0xF7A, s1;
	s8 =	simm.s32 @!p0 $0x1BF5;
	p2 =	por !p2, p0  }
0x20: {  	[sflag:s8] =	ssyncset.s32 @!p0 $0xFFFFF086;
	s6 =	sadd.s32 @!p0 s3, s7;
	s7 =	simm.s32 @!p0 $0x108  }
0x21: {  	s3 =	sadd.s32 s3, s9;
	s6 =	sadd.s32 @!p0 $0x88, s6;
	s7 =	simm.s32 @p2 $0x1082  }
0x22: {  	[simem:s7], [sflag:s8] =	dma.local @!p0 [hbm:s6], $0xF7A  }
0x23: {  	s9 =	sor.u32 $0xD0000000, s2;
	s6 =	simm.s32 $0x108;
	_ =	swait.ge @!p0 [sflag:s8], $0x0  }
0x24: {  	s3 =	sadd.s32 $0x88, s3;
	s6 =	simm.s32 @!p1 $0x1082;
	[sflag:s4] =	ssyncset.s32 $0xFFFFF086  }
0x25: {  	[simem:s6], [sflag:s4] =	dma.local [hbm:s3], $0xF7A  }
0x26: {  	[smem:$0x3F99] =	sst s1;
	(tag) =	ssettag s2;
	_ =	strace s9  }
0x27: {  	s1 =	sld [smem:$0x3FA9]  }
0x28: {  	s2 =	sld [smem:$0x3FAA]  }
0x29: {  	s4 =	sld [smem:$0x3FAC]  }
0x2a: {  	p0 =	seq.s32 s5, $0x0;
	s5 =	sld [smem:$0x3FAD]  }
0x2b: {  	s6 =	sld [smem:$0x3FAE]  }
0x2c: {  	s7 =	sld [smem:$0x3FAF]  }
0x2d: {  	s3 =	simm.s32 $0x108;
	s8 =	sld [smem:$0x3FB0]  }
0x2e: {  	s3 =	simm.s32 @!p0 $0x1082;
	s9 =	sld [smem:$0x3FB1]  }
0x2f: {  	lr =	sadd.s32 s0, s3;
	s0 =	sld [smem:$0x3FA8]  }
0x30: {  	s3 =	sld [smem:$0x3FAB]  }
0x31: {  	[smem:$0x3FB4] =	sst s10  }
0x32: {  	s10 =	sld [smem:$0x3FB2];
	_ =	sdelay $0x3  }
0x33: {  	p0 =	seq.s32 s10, $0x1;
	s10 =	sld [smem:$0x3FB4];
	_ =	sdelay $0x3  }
0x34: {  	[smem:$0x3FB4] =	sst s10  }
0x35: {  	s10 =	sld [smem:$0x3FB3];
	_ =	sdelay $0x3  }
0x36: {  	p1 =	seq.s32 s10, $0x1;
	s10 =	sld [smem:$0x3FB4];
	_ =	sdelay $0x3  }
0x37: {  	[smem:$0x3FB4] =	sst s10  }
0x38: {  	s10 =	sld [smem:$0x3FB5]  }
0x39: {  	_ = 	snop;
	(pc) =	sbr.ind lr, $3  }
0x3a: {  	_ = 	snop  }
0x3b: {  	_ = 	snop  }
0x3c: {  	p2 =	seq.s32 s10, $0x1;
	s10 =	sld [smem:$0x3FB4]  }
0x3d: {  	_ =	shalt  }
0x3e: {  	_ =	shalt  }
0x3f: {  	_ =	shalt  }
0x40: {  	_ =	shalt  }
0x41: {  	_ =	shalt  }
0x42: {  	_ =	shalt  }
0x43: {  	_ =	shalt  }
0x44: {  	_ =	shalt  }
0x45: {  	_ =	shalt  }
0x46: {  	_ =	shalt  }
0x47: {  	_ =	shalt  }
0x48: {  	_ =	shalt  }
0x49: {  	_ =	shalt  }
0x4a: {  	_ =	shalt  }
0x4b: {  	_ =	shalt  }
0x4c: {  	_ =	shalt  }
0x4d: {  	_ =	shalt  }
0x4e: {  	_ =	shalt  }
0x4f: {  	_ =	shalt  }
0x50: {  	_ =	shalt  }
0x51: {  	_ =	shalt  }
0x52: {  	_ =	shalt  }
0x53: {  	_ =	shalt  }
0x54: {  	_ =	shalt  }
0x55: {  	_ =	shalt  }
0x56: {  	_ =	shalt  }
0x57: {  	_ =	shalt  }
0x58: {  	_ =	shalt  }
0x59: {  	_ =	shalt  }
0x5a: {  	_ =	shalt  }
0x5b: {  	_ =	shalt  }
0x5c: {  	_ =	shalt  }
0x5d: {  	_ =	shalt  }
0x5e: {  	_ =	shalt  }
0x5f: {  	_ =	shalt  }
0x60: {  	_ =	shalt  }
0x61: {  	_ =	shalt  }
0x62: {  	_ =	shalt  }
0x63: {  	_ =	shalt  }
0x64: {  	_ =	shalt  }
0x65: {  	_ =	shalt  }
0x66: {  	_ =	shalt  }
0x67: {  	_ =	shalt  }
0x68: {  	_ =	shalt  }
0x69: {  	_ =	shalt  }
0x6a: {  	_ =	shalt  }
0x6b: {  	_ =	shalt  }
0x6c: {  	_ =	shalt  }
0x6d: {  	_ =	shalt  }
0x6e: {  	_ =	shalt  }
0x6f: {  	_ =	shalt  }
0x70: {  	_ =	shalt  }
0x71: {  	_ =	shalt  }
0x72: {  	_ =	shalt  }
0x73: {  	_ =	shalt  }
0x74: {  	_ =	shalt  }
0x75: {  	_ =	shalt  }
0x76: {  	_ =	shalt  }
0x77: {  	_ =	shalt  }
0x78: {  	_ =	shalt  }
0x79: {  	_ =	shalt  }
0x7a: {  	_ =	shalt  }
0x7b: {  	_ =	shalt  }
0x7c: {  	_ =	shalt  }
0x7d: {  	_ =	shalt  }
0x7e: {  	_ =	shalt  }
0x7f: {  	_ =	shalt  }
0x80: {  	_ =	shalt  }
0x81: {  	_ =	shalt  }
0x82: {  	_ =	shalt  }
0x83: {  	_ =	shalt  }
0x84: {  	_ =	shalt  }
0x85: {  	_ =	shalt  }
0x86: {  	_ =	shalt  }
0x87: {  	_ =	shalt  }
.Lfunc_end0:
.L_simem_size_0:
called_computation.2_lowered:
.L_overlay_start_0:
0x88: {  	s2 =	sld [smem:$0x3FD9]  }
0x89: {  	s3 =	sld [smem:$0x3FFE];
	_ =	sdelay $0x1  }
0x8a: {  	s1 =	srdreg.scid  }
0x8b: {  	s0 =	sand.u32 $0x1, s1  }
0x8c: {  	s17 =	sshll.u32 s0, $0xA;
	s2 =	sadd.s32 s3, s2  }
0x8d: {  	s2 =	sadd.s32 s2, s17  }
0x8e: {  	[smem:$0x3FC0] =	sst s2  }
0x8f: {  	_ = 	snop  }
0x90: {  	s2 =	sld [smem:$0x3FD0];
	(tm) =	ssettm $0x1  }
0x91: {  	s18 =	sld [smem:$0x3FFB];
	_ =	sdelay $0x3  }
0x92: {  	_ =	strace s18  }
0x93: {  	s3 =	sld [smem:$0x3FFC];
	_ =	sdelay $0x3  }
0x94: {  	_ =	strace s3  }
0x95: {  	s3 =	sld [smem:$0x3FFD];
	_ =	sdelay $0x3  }
0x96: {  	_ =	strace s3  }
0x97: {  	_ =	strace $0x8FFFFFFF  }
0x98: {  	s19 =	sld [smem:$0x3FDB];
	_ =	sdelay $0x1  }
0x99: {  	s4 =	simm.s32 $_scs_section_size  }
0x9a: {  	s5 =	simm.s32 $_size__tile_overlayer_lowered;
	s6 =	simm.s32 $_tile_overlayer_lowered  }
0x9b: {  	s22 =	simm.s32 $0x1BFF;
	s21 =	sshll.u32 s6, $0x1;
	s3 =	sadd.s32 s4, s19  }
0x9c: {  	s7 =	simm.s32 $0x0;
	s20 =	sshll.u32 s5, $0x1;
	s5 =	sadd.s32 s21, s3  }
0x9d: {  	[timem:s7], [sflag:s22] =	dma.local [hbm:s5], s20  }
0x9e: {  	_ =	swait.ge [sflag:s22], s20  }
0x9f: {  	s4 =	ssub.s32 $0x0, s20;
	[sflag:s22] =	ssyncset.done $0x0  }
0xa0: {  	[sflag:s22] =	ssyncadd.s32 s4;
	_ =	sdelay $0x1  }
0xa1: {  	s23 =	simm.s32 $0x1B8B  }
0xa2: {  	_ =	swait.ge [sflag:s23], $0x1  }
0xa3: {  	[sflag:s23] =	ssyncset.done $0x0  }
0xa4: {  	s25 =	simm.s32 $0x1B8E;
	s24 =	sld [smem:$0x3FFE];
	[sflag:s23] =	ssyncadd.s32 $0xFFFFFFFF  }
0xa5: {  	s26 =	simm.s32 $execute0_lowered;
	[smem:$0x3FD2] =	sst s25  }
0xa6: {  	s5 =	sshll.u32 s26, $0x1;
	_ =	strace $0x8000004C;
	[dreg:$0x1] =	wrdreg $0xFFFFFFFF  }
0xa7: {  	s28 =	simm.s32 $_size_execute0_lowered;
	s3 =	sadd.s32 s3, s5;
	[dreg:$0x0] =	wrdreg $0x0  }
0xa8: {  	s5 =	sshll.u32 s28, $0x1;
	[dreg:$0x2] =	wrdreg s3  }
0xa9: {  	[dreg:$0x3] =	wrdreg s5  }
0xaa: {  	[dreg:$0x4] =	wrdreg $0xC0  }
0xab: {  	_ =	task [dreg:s7], $0x5FFFF  }
0xac: {  	[dreg:$0x1] =	wrdreg $0xFFFFFFFF  }
0xad: {  	[dreg:$0x0] =	wrdreg $0x60  }
0xae: {  	[dreg:$0x2] =	wrdreg s24  }
0xaf: {  	[dreg:$0x3] =	wrdreg s2  }
0xb0: {  	[dreg:$0x4] =	wrdreg $0xA6000  }
0xb1: {  	[dreg:$0x5] =	wrdreg $0x9  }
0xb2: {  	_ =	task.clear_ibuf [dreg:s7], $0x6FFFF;
	_ =	strace $0x9000004C  }
0xb3: {  	s29 =	simm.s32 $0x9;
	_ =	strace $0x8000004E  }
0xb4: {  	_ =	swait.ge [sflag:s29], $0x1  }
0xb5: {  	[sflag:s29] =	ssyncadd.s32 $0xFFFFFFFF  }
0xb6: {  	_ =	strace $0x9000004E  }
0xb7: {  	_ =	sfence  }
0xb8: {  	s30 =	sld [smem:$0x0];
	_ =	sdelay $0x2  }
0xb9: {  	s31 =	sshll.u32 s1, $0xD;
	s1 =	sshrl.u32 s1, $0x2  }
0xba: {  	s3 =	sand.u32 $0x4000, s31;
	s1 =	sadd.s32 s1, s30  }
0xbb: {  	s0 =	sor.u32 s3, s0;
	s1 =	sshll.u32 s1, $0x11  }
0xbc: {  	s0 =	sor.u32 s1, s0  }
0xbd: {  	s0 =	sadd.s32 $0x8F2B, s0  }
0xbe: {  	[sflag:s0] =	ssyncadd.remote.s32 $0x1  }
0xbf: {  	_ =	sfence.sel $0xFFFF  }
0xc0: {  	[dreg:$0x0] =	wrdreg $0xFFFFFFFF;
	(pc) =	sbr.abs _section_cstart, $3  }
0xc1: {  	[dreg:$0x1] =	wrdreg $0xFFFFFFFF  }
0xc2: {  	_ =	task.clear_ibuf [dreg:s7], $0x2FFFF;
	_ =	strace $0x9FFFFFFF  }
0xc3: {  	(tm) =	ssettm $0x7FFFFFFF  }
tec
execute0_lowered:
.L_overlay_start_1:
0x0: {  	(tag) =	ssettag $0x1  }
0x1: {  	s6 =	rddreg [dreg:$0x0]  }
0x2: {  	s18 =	rddreg [dreg:$0x1]  }
0x3: {  	s0 =	srdreg.scid;
	s2 =	rddreg [dreg:$0x2]  }
0x4: {  	s1 =	rddreg [dreg:$0x3];
	s7 =	sand.u32 $0x1, s0  }
0x5: {  	s0 =	stileid.u32;
	s4 =	smul.u32 $0x27100, s7  }
0x6: {  	s3 =	simm.s32 $0x0;
	s23 =	simm.s32 $0x200;
	s5 =	smul.u32 $0x2710, s0  }
0x7: {  	s24 =	simm.s32 $0x1;
	s25 =	simm.s32 $0x0;
	s8 =	smul.u32 $0x50000, s0  }
0x8: {  	[smem:$0x7FF] =	sst s3;
	s15 =	sadd.s32 $0x34000, s6;
	s10 =	smul.u32 $0x14000, s0  }
0x9: {  	_ =	strace $0x8000004D;
	s9 =	ssub.s32 $0x2, s7;
	s20 =	smul.u32 $0x140000, s7  }
0xa: {  	s31 =	sshrl.u32 s9, $0x1;
	s4 =	sadd.s32 s5, s4;
	s5 =	sadd.s32 $0x33800, s6  }
0xb: {  	s8 =	sshrl.u32 s8, $0x2;
	s16 =	ssub.s32 s9, s31;
	s11 =	sadd.s32 $0x4000, s10  }
0xc: {  	s13 =	sadd.s32 $0x8000, s10;
	s14 =	sadd.s32 $0xC000, s10;
	s21 =	sadd.s32 $0x10000, s10  }
0xd: {  	s12 =	sadd.s32 s10, s20;
	s19 =	sshrl.u32 s4, $0x3;
	s4 =	sadd.s32 $0xC600, s6  }
0xe: {  	s7 =	sadd.s32 s11, s2;
	s9 =	sadd.s32 s14, s2;
	s11 =	sadd.s32 s20, s11  }
0xf: {  	s10 =	sadd.s32 s21, s2;
	s12 =	sshrl.u32 s12, $0x3;
	s14 =	sadd.s32 s20, s14  }
0x10: {  	s16 =	smax.u32 s16, $0x1;
	s17 =	sadd.s32 s19, s6;
	s6 =	sadd.s32 s8, s2  }
0x11: {  	s8 =	sadd.s32 s13, s2;
	s22 =	sshrl.u32 s11, $0x3;
	s11 =	sadd.s32 s15, s12  }
0x12: {  	s13 =	sadd.s32 s20, s13;
	s20 =	sadd.s32 s20, s21;
	s14 =	sshrl.u32 s14, $0x3  }
0x13: {  	s18 =	sadd.s32 s19, s18;
	s19 =	simm.s32 $0x6600;
	s21 =	simm.s32 $0x100  }
0x14: {  	s12 =	sadd.s32 s15, s22;
	s13 =	sshrl.u32 s13, $0x3;
	s20 =	sshrl.u32 s20, $0x3  }
0x15: {  	s14 =	sadd.s32 s15, s14;
	s17 =	sadd.s32 $0x2800, s17;
	s22 =	simm.s32 $0xC8  }
0x16: {  	s13 =	sadd.s32 s15, s13;
	s15 =	sadd.s32 s15, s20;
	s20 =	simm.s32 $0x2  }
.LBB2_1:
0x17: {  	[tilespmem:s19], [sflag:$0x2] =	stream.linear.gather [hbm4b:s5+s3], $0x4000, $0x38;
	[tilespmem:$0x1E600] =	vst v63  }
0x18: {  	_ =	swait.ge [sflag:s20], $0x4000  }
0x19: {  	[sflag:s20] =	ssyncset.done $0x0  }
0x1a: {  	[sflag:s20] =	ssyncadd.s32 $0xFFFFC000  }
0x1b: {  	[spmem:s6] =	stream.linear.scatter [tilespmem:s19], [sflag:$0x2], $0x4000, $0x38;
	[tilespmem:$0x1E600] =	vst v63  }
0x1c: {  	_ =	swait.ge [sflag:s20], $0x4000  }
0x1d: {  	[sflag:s20] =	ssyncset.done $0x0  }
0x1e: {  	[sflag:s20] =	ssyncadd.s32 $0xFFFFC000  }
0x1f: {  	[spmem:s7] =	stream.linear.scatter [tilespmem:s19], [sflag:$0x2], $0x4000, $0x38;
	[tilespmem:$0x1E600] =	vst v63  }
0x20: {  	_ =	swait.ge [sflag:s20], $0x4000  }
0x21: {  	[sflag:s20] =	ssyncset.done $0x0  }
0x22: {  	[sflag:s20] =	ssyncadd.s32 $0xFFFFC000  }
0x23: {  	[spmem:s8] =	stream.linear.scatter [tilespmem:s19], [sflag:$0x2], $0x4000, $0x38;
	[tilespmem:$0x1E600] =	vst v63  }
0x24: {  	_ =	swait.ge [sflag:s20], $0x4000  }
0x25: {  	[sflag:s20] =	ssyncset.done $0x0  }
0x26: {  	[sflag:s20] =	ssyncadd.s32 $0xFFFFC000  }
0x27: {  	[spmem:s9] =	stream.linear.scatter [tilespmem:s19], [sflag:$0x2], $0x4000, $0x38;
	[tilespmem:$0x1E600] =	vst v63  }
0x28: {  	_ =	swait.ge [sflag:s20], $0x4000  }
0x29: {  	[sflag:s20] =	ssyncset.done $0x0  }
0x2a: {  	[sflag:s20] =	ssyncadd.s32 $0xFFFFC000  }
0x2b: {  	[spmem:s10] =	stream.linear.scatter [tilespmem:s19], [sflag:$0x2], $0x4000, $0x38;
	[tilespmem:$0x1E600] =	vst v63  }
0x2c: {  	_ =	swait.ge [sflag:s20], $0x4000  }
0x2d: {  	[sflag:s20] =	ssyncset.done $0x0  }
0x2e: {  	[sflag:s20] =	ssyncadd.s32 $0xFFFFC000  }
0x2f: {  	s26 =	sadd.s32 $0x0, s18;
	[bflag:$0x0] =	sbarrier.arrive $0xFFFF  }
0x30: {  	[tilespmem:s3], [sflag:$0x2] =	stream.linear.gather [hbm4b:s26+s3], $0xC8, $0x38;
	[tilespmem:$0x1E600] =	vst v63  }
0x31: {  	_ =	swait.ge [sflag:s20], $0xC8  }
0x32: {  	[sflag:s20] =	ssyncset.done $0x0  }
0x33: {  	s31 =	sadd.s32 $0x0, s17;
	[sflag:s20] =	ssyncadd.s32 $0xFFFFFF38  }
0x34: {  	[tilespmem:s21], [sflag:$0x2] =	stream.linear.gather [hbm4b:s31+s3], $0xC8, $0x38;
	[tilespmem:$0x1E600] =	vst v63  }
0x35: {  	_ =	swait.ge [sflag:s20], $0xC8  }
0x36: {  	[sflag:s20] =	ssyncset.done $0x0  }
0x37: {  	[sflag:s20] =	ssyncadd.s32 $0xFFFFFF38  }
0x38: {  	[tilespmem:s23], [sflag:$0x1] =	stream.indirect.gather [hbm4b:s4+s22], $0x80, s3, s22, $0xb8;
	[tilespmem:$0x1E600] =	vst v63  }
0x39: {  	_ =	swait.ge [sflag:s24], $0x6400  }
0x3a: {  	[sflag:s24] =	ssyncset.done $0x0  }
0x3b: {  	[sflag:s24] =	ssyncadd.s32 $0xFFFF9C00  }
0x3c: {  	[spmem:s2] =	stream.indirect.scatter.add.f32 [tilespmem:s23], [sflag:$0x2], $0x80, s21, s22, $0xb8;
	[tilespmem:$0x1E600] =	vst v63  }
0x3d: {  	_ =	swait.ge [sflag:s20], $0x6400  }
0x3e: {  	s28 =	simm.s32 $0x32;
	s26 =	simm.s32 $0x19;
	[sflag:s20] =	ssyncset.done $0x0  }
.LBB2_2:
0x3f: {  	s29 =	sadd.s32 s26, s18  }
0x40: {  	[sflag:s20] =	ssyncadd.s32 $0xFFFF9C00;
	s30 =	smov.u32 s28;
	s31 =	sadd.s32 $0x19, s28  }
0x41: {  	[tilespmem:s3], [sflag:$0x2] =	stream.linear.gather [hbm4b:s29+s3], $0xC8, $0x38;
	[tilespmem:$0x1E600] =	vst v63  }
0x42: {  	p0 =	sne.s32 s28, $0x4C9;
	_ =	swait.ge [sflag:s20], $0xC8  }
0x43: {  	[sflag:s20] =	ssyncset.done $0x0  }
0x44: {  	s28 =	sadd.s32 s26, s17;
	s26 =	smov.u32 s30;
	[sflag:s20] =	ssyncadd.s32 $0xFFFFFF38  }
0x45: {  	[tilespmem:s21], [sflag:$0x2] =	stream.linear.gather [hbm4b:s28+s3], $0xC8, $0x38;
	[tilespmem:$0x1E600] =	vst v63  }
0x46: {  	_ =	swait.ge [sflag:s20], $0xC8  }
0x47: {  	[sflag:s20] =	ssyncset.done $0x0  }
0x48: {  	[sflag:s20] =	ssyncadd.s32 $0xFFFFFF38  }
0x49: {  	[tilespmem:s23], [sflag:$0x1] =	stream.indirect.gather [hbm4b:s4+s22], $0x80, s3, s22, $0xb8;
	[tilespmem:$0x1E600] =	vst v63  }
0x4a: {  	_ =	swait.ge [sflag:s24], $0x6400  }
.Ltmp0:
0x4b: {  	[sflag:s24] =	ssyncset.done $0x0;
	(pc) =	sbr.rel @p0 .LBB2_2-.Ltmp0, $4  }
0x4c: {  	[sflag:s24] =	ssyncadd.s32 $0xFFFF9C00  }
0x4d: {  	[spmem:s2] =	stream.indirect.scatter.add.f32 [tilespmem:s23], [sflag:$0x2], $0x80, s21, s22, $0xb8;
	[tilespmem:$0x1E600] =	vst v63  }
0x4e: {  	_ =	swait.ge [sflag:s20], $0x6400  }
0x4f: {  	s28 =	smov.u32 s31;
	[sflag:s20] =	ssyncset.done $0x0  }
0x50: {  	s28 =	sadd.s32 s26, s18;
	[sflag:s20] =	ssyncadd.s32 $0xFFFF9C00  }
0x51: {  	[tilespmem:s3], [sflag:$0x2] =	stream.linear.gather [hbm4b:s28+s3], $0xC8, $0x38;
	[tilespmem:$0x1E600] =	vst v63  }
0x52: {  	_ =	swait.ge [sflag:s20], $0xC8  }
0x53: {  	[sflag:s20] =	ssyncset.done $0x0  }
0x54: {  	s31 =	sadd.s32 s26, s17;
	[sflag:s20] =	ssyncadd.s32 $0xFFFFFF38  }
0x55: {  	[tilespmem:s21], [sflag:$0x2] =	stream.linear.gather [hbm4b:s31+s3], $0xC8, $0x38;
	[tilespmem:$0x1E600] =	vst v63  }
0x56: {  	_ =	swait.ge [sflag:s20], $0xC8  }
0x57: {  	[sflag:s20] =	ssyncset.done $0x0  }
0x58: {  	[sflag:s20] =	ssyncadd.s32 $0xFFFFFF38  }
0x59: {  	[tilespmem:s23], [sflag:$0x1] =	stream.indirect.gather [hbm4b:s4+s22], $0x80, s3, s22, $0xb8;
	[tilespmem:$0x1E600] =	vst v63  }
0x5a: {  	_ =	swait.ge [sflag:s24], $0x6400  }
0x5b: {  	[sflag:s24] =	ssyncset.done $0x0  }
0x5c: {  	[sflag:s24] =	ssyncadd.s32 $0xFFFF9C00  }
0x5d: {  	[spmem:s2] =	stream.indirect.scatter.add.f32 [tilespmem:s23], [sflag:$0x2], $0x80, s21, s22, $0xb8;
	[tilespmem:$0x1E600] =	vst v63  }
0x5e: {  	_ =	swait.ge [sflag:s20], $0x6400  }
0x5f: {  	[sflag:s20] =	ssyncset.done $0x0  }
0x60: {  	[sflag:s20] =	ssyncadd.s32 $0xFFFF9C00  }
0x61: {  	[bflag:$0x0] =	sbarrier.arrive $0xFFFF  }
0x62: {  	[tilespmem:s19], [sflag:$0x2] =	stream.linear.gather [spmem:s6], $0x4000, $0x38;
	[tilespmem:$0x1E600] =	vst v63  }
0x63: {  	_ =	swait.ge [sflag:s20], $0x4000  }
0x64: {  	[sflag:s20] =	ssyncset.done $0x0  }
0x65: {  	[sflag:s20] =	ssyncadd.s32 $0xFFFFC000  }
0x66: {  	[hbm4b:s11+s3] =	stream.linear.scatter [tilespmem:s19], [sflag:$0x2], $0x4000, $0x38;
	[tilespmem:$0x1E600] =	vst v63  }
0x67: {  	_ =	swait.ge [sflag:s20], $0x4000  }
0x68: {  	[sflag:s20] =	ssyncset.done $0x0  }
0x69: {  	[sflag:s20] =	ssyncadd.s32 $0xFFFFC000  }
0x6a: {  	[tilespmem:s19], [sflag:$0x2] =	stream.linear.gather [spmem:s7], $0x4000, $0x38;
	[tilespmem:$0x1E600] =	vst v63  }
0x6b: {  	_ =	swait.ge [sflag:s20], $0x4000  }
0x6c: {  	[sflag:s20] =	ssyncset.done $0x0  }
0x6d: {  	[sflag:s20] =	ssyncadd.s32 $0xFFFFC000  }
0x6e: {  	[hbm4b:s12+s3] =	stream.linear.scatter [tilespmem:s19], [sflag:$0x2], $0x4000, $0x38;
	[tilespmem:$0x1E600] =	vst v63  }
0x6f: {  	_ =	swait.ge [sflag:s20], $0x4000  }
0x70: {  	[sflag:s20] =	ssyncset.done $0x0  }
0x71: {  	[sflag:s20] =	ssyncadd.s32 $0xFFFFC000  }
0x72: {  	[tilespmem:s19], [sflag:$0x2] =	stream.linear.gather [spmem:s8], $0x4000, $0x38;
	[tilespmem:$0x1E600] =	vst v63  }
0x73: {  	_ =	swait.ge [sflag:s20], $0x4000  }
0x74: {  	[sflag:s20] =	ssyncset.done $0x0  }
0x75: {  	[sflag:s20] =	ssyncadd.s32 $0xFFFFC000  }
0x76: {  	[hbm4b:s13+s3] =	stream.linear.scatter [tilespmem:s19], [sflag:$0x2], $0x4000, $0x38;
	[tilespmem:$0x1E600] =	vst v63  }
0x77: {  	_ =	swait.ge [sflag:s20], $0x4000  }
0x78: {  	[sflag:s20] =	ssyncset.done $0x0  }
0x79: {  	[sflag:s20] =	ssyncadd.s32 $0xFFFFC000  }
0x7a: {  	[tilespmem:s19], [sflag:$0x2] =	stream.linear.gather [spmem:s9], $0x4000, $0x38;
	[tilespmem:$0x1E600] =	vst v63  }
0x7b: {  	_ =	swait.ge [sflag:s20], $0x4000  }
0x7c: {  	[sflag:s20] =	ssyncset.done $0x0  }
0x7d: {  	[sflag:s20] =	ssyncadd.s32 $0xFFFFC000  }
0x7e: {  	[hbm4b:s14+s3] =	stream.linear.scatter [tilespmem:s19], [sflag:$0x2], $0x4000, $0x38;
	[tilespmem:$0x1E600] =	vst v63  }
0x7f: {  	_ =	swait.ge [sflag:s20], $0x4000  }
0x80: {  	[sflag:s20] =	ssyncset.done $0x0  }
0x81: {  	[sflag:s20] =	ssyncadd.s32 $0xFFFFC000  }
0x82: {  	[tilespmem:s19], [sflag:$0x2] =	stream.linear.gather [spmem:s10], $0x4000, $0x38;
	[tilespmem:$0x1E600] =	vst v63  }
0x83: {  	s25 =	sadd.s32 $0x1, s25;
	_ =	swait.ge [sflag:s20], $0x4000  }
0x84: {  	p0 =	sne.s32 s25, s16;
	[sflag:s20] =	ssyncset.done $0x0  }
.Ltmp1:
0x85: {  	[sflag:s20] =	ssyncadd.s32 $0xFFFFC000;
	(pc) =	sbr.rel @p0 .LBB2_1-.Ltmp1, $4  }
0x86: {  	[hbm4b:s15+s3] =	stream.linear.scatter [tilespmem:s19], [sflag:$0x2], $0x4000, $0x38;
	[tilespmem:$0x1E600] =	vst v63  }
0x87: {  	_ =	swait.ge [sflag:s20], $0x4000  }
0x88: {  	[sflag:s20] =	ssyncset.done $0x0  }
0x89: {  	[sflag:s20] =	ssyncadd.s32 $0xFFFFC000  }
0x8a: {  	_ =	sfence.sel $0x180000  }
0x8b: {  	[bflag:$0x0] =	sbarrier.arrive $0xFFFF  }
0x8c: {  	p0 =	sne.s32 s0, $0x0;
	_ =	strace $0x9000004D  }
0x8d: {  	s0 =	sadd.s32 @!p0 $0x100000, s1;
	[bflag:$0x2] =	sbarrier.arrive $0xFFFF  }
0x8e: {  	[sflag:s0] =	ssyncadd.tile.s32 @!p0 $0x1;
	_ =	shalt  }
.Lfunc_end2:
_tile_overlayer_lowered:
.L_overlay_start_2:
0x8f: {  	(tag) =	ssettag $0x2  }
0x90: {  	s0 =	rddreg [dreg:$0x0];
	s2 =	stileid.u32  }
0x91: {  	s1 =	rddreg [dreg:$0x1];
	p0 =	sne.s32 s2, $0x0  }
0x92: {  	s3 =	rddreg [dreg:$0x2];
	[bflag:$0x3] =	sbarrier.arrive $0xFFFF;
	s2 =	simm.s32 @!p0 $0x1C02  }
0x93: {  	[timem:s3], [sflag:s2] =	dma.local @!p0 [hbm:s0], s1  }
0x94: {  	s0 =	simm.s32 @!p0 $0x2  }
0x95: {  	_ =	swait.ge @!p0 [sflag:s0], s1  }
0x96: {  	s1 =	ssub.s32 @!p0 $0x0, s1;
	[sflag:s0] =	ssyncset.done @!p0 $0x0  }
0x97: {  	[sflag:s0] =	ssyncadd.s32 @!p0 s1  }
0x98: {  	[bflag:$0x3] =	sbarrier.arrive $0xFFFF  }
0x99: {  	_ =	shalt  }

// kernel: kernel.20.cloned.1.call-start
scs
__scs_entry_jumppad:
0x0: {  	(pc) =	sbr.rel $0x88, $3  }
0x1: {  	(tag) =	ssettag $0x0;
	lr =	simm.s32 $0x1  }
0x2: {  	[smem:$0x3F99] =	sst lr;
	_ =	strace $0xD0000000  }
0x3: {  	_ = 	snop  }
0x4: {  	_ = 	snop  }
0x5: {  	_ = 	snop  }
0x6: {  	_ = 	snop  }
0x7: {  	_ = 	snop  }
__scs_overlays_trampoline_lowered:
0x8: {  	[smem:$0x3FA8] =	sst s0  }
0x9: {  	[smem:$0x3FA9] =	sst s1  }
0xa: {  	[smem:$0x3FAA] =	sst s2  }
0xb: {  	[smem:$0x3FAB] =	sst s3  }
0xc: {  	[smem:$0x3FAC] =	sst s4  }
0xd: {  	[smem:$0x3FAD] =	sst s5  }
0xe: {  	[smem:$0x3FAE] =	sst s6  }
0xf: {  	[smem:$0x3FAF] =	sst s7  }
0x10: {  	[smem:$0x3FB0] =	sst s8  }
0x11: {  	[smem:$0x3FB1] =	sst s9;
	s0 =	simm.s32 @!p0 $0x0  }
0x12: {  	s1 =	sld [smem:$0x3F97];
	s0 =	simm.s32 @p0 $0x1  }
0x13: {  	[smem:$0x3FB2] =	sst s0;
	s0 =	simm.s32 @!p1 $0x0  }
0x14: {  	s2 =	sld [smem:$0x3F96];
	s0 =	simm.s32 @p1 $0x1  }
0x15: {  	[smem:$0x3FB3] =	sst s0;
	s0 =	simm.s32 @!p2 $0x0  }
0x16: {  	s3 =	sld [smem:$0x3FDB];
	s0 =	simm.s32 @p2 $0x1  }
0x17: {  	s4 =	simm.s32 $0x1BF5;
	[smem:$0x3FB5] =	sst s0  }
0x18: {  	s0 =	sld [smem:$0x3F98];
	_ =	swait.ge [sflag:s4], $0x0  }
0x19: {  	s7 =	sld [smem:$0x3F99]  }
0x1a: {  	s8 =	sadd.s32 $0xFFFFE003, lr  }
0x1b: {  	s9 =	sadd.s32 $0xFFFFFEF7, lr;
	s5 =	simm.s32 $0xFFFFFFFF;
	p2 =	slt.u32 s8, $0xFFFFF086  }
0x1c: {  	p1 =	slt.u32 s9, $0xF7A;
	s5 =	simm.s32 @!p2 $0x0  }
0x1d: {  	s5 =	simm.s32 @p1 $0x1;
	p0 =	seq.s32 s7, s2  }
0x1e: {  	s7 =	smul.u32 @!p0 $0xF7A, s2;
	p2 =	seq.s32 @!p0 s5, $0x0  }
0x1f: {  	s9 =	smul.u32 $0xF7A, s1;
	s8 =	simm.s32 @!p0 $0x1BF5;
	p2 =	por !p2, p0  }
0x20: {  	[sflag:s8] =	ssyncset.s32 @!p0 $0xFFFFF086;
	s6 =	sadd.s32 @!p0 s3, s7;
	s7 =	simm.s32 @!p0 $0x108  }
0x21: {  	s3 =	sadd.s32 s3, s9;
	s6 =	sadd.s32 @!p0 $0x88, s6;
	s7 =	simm.s32 @p2 $0x1082  }
0x22: {  	[simem:s7], [sflag:s8] =	dma.local @!p0 [hbm:s6], $0xF7A  }
0x23: {  	s9 =	sor.u32 $0xD0000000, s2;
	s6 =	simm.s32 $0x108;
	_ =	swait.ge @!p0 [sflag:s8], $0x0  }
0x24: {  	s3 =	sadd.s32 $0x88, s3;
	s6 =	simm.s32 @!p1 $0x1082;
	[sflag:s4] =	ssyncset.s32 $0xFFFFF086  }
0x25: {  	[simem:s6], [sflag:s4] =	dma.local [hbm:s3], $0xF7A  }
0x26: {  	[smem:$0x3F99] =	sst s1;
	(tag) =	ssettag s2;
	_ =	strace s9  }
0x27: {  	s1 =	sld [smem:$0x3FA9]  }
0x28: {  	s2 =	sld [smem:$0x3FAA]  }
0x29: {  	s4 =	sld [smem:$0x3FAC]  }
0x2a: {  	p0 =	seq.s32 s5, $0x0;
	s5 =	sld [smem:$0x3FAD]  }
0x2b: {  	s6 =	sld [smem:$0x3FAE]  }
0x2c: {  	s7 =	sld [smem:$0x3FAF]  }
0x2d: {  	s3 =	simm.s32 $0x108;
	s8 =	sld [smem:$0x3FB0]  }
0x2e: {  	s3 =	simm.s32 @!p0 $0x1082;
	s9 =	sld [smem:$0x3FB1]  }
0x2f: {  	lr =	sadd.s32 s0, s3;
	s0 =	sld [smem:$0x3FA8]  }
0x30: {  	s3 =	sld [smem:$0x3FAB]  }
0x31: {  	[smem:$0x3FB4] =	sst s10  }
0x32: {  	s10 =	sld [smem:$0x3FB2];
	_ =	sdelay $0x3  }
0x33: {  	p0 =	seq.s32 s10, $0x1;
	s10 =	sld [smem:$0x3FB4];
	_ =	sdelay $0x3  }
0x34: {  	[smem:$0x3FB4] =	sst s10  }
0x35: {  	s10 =	sld [smem:$0x3FB3];
	_ =	sdelay $0x3  }
0x36: {  	p1 =	seq.s32 s10, $0x1;
	s10 =	sld [smem:$0x3FB4];
	_ =	sdelay $0x3  }
0x37: {  	[smem:$0x3FB4] =	sst s10  }
0x38: {  	s10 =	sld [smem:$0x3FB5]  }
0x39: {  	_ = 	snop;
	(pc) =	sbr.ind lr, $3  }
0x3a: {  	_ = 	snop  }
0x3b: {  	_ = 	snop  }
0x3c: {  	p2 =	seq.s32 s10, $0x1;
	s10 =	sld [smem:$0x3FB4]  }
0x3d: {  	_ =	shalt  }
0x3e: {  	_ =	shalt  }
0x3f: {  	_ =	shalt  }
0x40: {  	_ =	shalt  }
0x41: {  	_ =	shalt  }
0x42: {  	_ =	shalt  }
0x43: {  	_ =	shalt  }
0x44: {  	_ =	shalt  }
0x45: {  	_ =	shalt  }
0x46: {  	_ =	shalt  }
0x47: {  	_ =	shalt  }
0x48: {  	_ =	shalt  }
0x49: {  	_ =	shalt  }
0x4a: {  	_ =	shalt  }
0x4b: {  	_ =	shalt  }
0x4c: {  	_ =	shalt  }
0x4d: {  	_ =	shalt  }
0x4e: {  	_ =	shalt  }
0x4f: {  	_ =	shalt  }
0x50: {  	_ =	shalt  }
0x51: {  	_ =	shalt  }
0x52: {  	_ =	shalt  }
0x53: {  	_ =	shalt  }
0x54: {  	_ =	shalt  }
0x55: {  	_ =	shalt  }
0x56: {  	_ =	shalt  }
0x57: {  	_ =	shalt  }
0x58: {  	_ =	shalt  }
0x59: {  	_ =	shalt  }
0x5a: {  	_ =	shalt  }
0x5b: {  	_ =	shalt  }
0x5c: {  	_ =	shalt  }
0x5d: {  	_ =	shalt  }
0x5e: {  	_ =	shalt  }
0x5f: {  	_ =	shalt  }
0x60: {  	_ =	shalt  }
0x61: {  	_ =	shalt  }
0x62: {  	_ =	shalt  }
0x63: {  	_ =	shalt  }
0x64: {  	_ =	shalt  }
0x65: {  	_ =	shalt  }
0x66: {  	_ =	shalt  }
0x67: {  	_ =	shalt  }
0x68: {  	_ =	shalt  }
0x69: {  	_ =	shalt  }
0x6a: {  	_ =	shalt  }
0x6b: {  	_ =	shalt  }
0x6c: {  	_ =	shalt  }
0x6d: {  	_ =	shalt  }
0x6e: {  	_ =	shalt  }
0x6f: {  	_ =	shalt  }
0x70: {  	_ =	shalt  }
0x71: {  	_ =	shalt  }
0x72: {  	_ =	shalt  }
0x73: {  	_ =	shalt  }
0x74: {  	_ =	shalt  }
0x75: {  	_ =	shalt  }
0x76: {  	_ =	shalt  }
0x77: {  	_ =	shalt  }
0x78: {  	_ =	shalt  }
0x79: {  	_ =	shalt  }
0x7a: {  	_ =	shalt  }
0x7b: {  	_ =	shalt  }
0x7c: {  	_ =	shalt  }
0x7d: {  	_ =	shalt  }
0x7e: {  	_ =	shalt  }
0x7f: {  	_ =	shalt  }
0x80: {  	_ =	shalt  }
0x81: {  	_ =	shalt  }
0x82: {  	_ =	shalt  }
0x83: {  	_ =	shalt  }
0x84: {  	_ =	shalt  }
0x85: {  	_ =	shalt  }
0x86: {  	_ =	shalt  }
0x87: {  	_ =	shalt  }
.Lfunc_end0:
.L_simem_size_0:
called_computation.3_lowered:
.L_overlay_start_0:
0x88: {  	s2 =	sld [smem:$0x3FD9]  }
0x89: {  	s3 =	sld [smem:$0x3FFE];
	_ =	sdelay $0x1  }
0x8a: {  	s1 =	srdreg.scid  }
0x8b: {  	s0 =	sand.u32 $0x1, s1  }
0x8c: {  	s17 =	sshll.u32 s0, $0xA;
	s2 =	sadd.s32 s3, s2  }
0x8d: {  	s2 =	sadd.s32 s2, s17  }
0x8e: {  	[smem:$0x3FC0] =	sst s2  }
0x8f: {  	_ = 	snop  }
0x90: {  	s2 =	sld [smem:$0x3FD0];
	(tm) =	ssettm $0x1  }
0x91: {  	s18 =	sld [smem:$0x3FFB];
	_ =	sdelay $0x3  }
0x92: {  	_ =	strace s18  }
0x93: {  	s3 =	sld [smem:$0x3FFC];
	_ =	sdelay $0x3  }
0x94: {  	_ =	strace s3  }
0x95: {  	s3 =	sld [smem:$0x3FFD];
	_ =	sdelay $0x3  }
0x96: {  	_ =	strace s3  }
0x97: {  	_ =	strace $0x8FFFFFFF  }
0x98: {  	s19 =	sld [smem:$0x3FDB];
	_ =	sdelay $0x1  }
0x99: {  	s4 =	simm.s32 $_scs_section_size  }
0x9a: {  	s5 =	simm.s32 $_size__tile_overlayer_lowered;
	s6 =	simm.s32 $_tile_overlayer_lowered  }
0x9b: {  	s22 =	simm.s32 $0x1BFF;
	s21 =	sshll.u32 s6, $0x1;
	s3 =	sadd.s32 s4, s19  }
0x9c: {  	s7 =	simm.s32 $0x0;
	s20 =	sshll.u32 s5, $0x1;
	s5 =	sadd.s32 s21, s3  }
0x9d: {  	[timem:s7], [sflag:s22] =	dma.local [hbm:s5], s20  }
0x9e: {  	_ =	swait.ge [sflag:s22], s20  }
0x9f: {  	s4 =	ssub.s32 $0x0, s20;
	[sflag:s22] =	ssyncset.done $0x0  }
0xa0: {  	[sflag:s22] =	ssyncadd.s32 s4;
	_ =	sdelay $0x1  }
0xa1: {  	s23 =	simm.s32 $0x1B8B  }
0xa2: {  	_ =	swait.ge [sflag:s23], $0x1  }
0xa3: {  	[sflag:s23] =	ssyncset.done $0x0  }
0xa4: {  	s25 =	simm.s32 $0x1B8E;
	s24 =	sld [smem:$0x3FFE];
	[sflag:s23] =	ssyncadd.s32 $0xFFFFFFFF  }
0xa5: {  	s26 =	simm.s32 $execute0_lowered;
	[smem:$0x3FD2] =	sst s25  }
0xa6: {  	s5 =	sshll.u32 s26, $0x1;
	_ =	strace $0x8000004F;
	[dreg:$0x1] =	wrdreg $0xFFFFFFFF  }
0xa7: {  	s28 =	simm.s32 $_size_execute0_lowered;
	s3 =	sadd.s32 s3, s5;
	[dreg:$0x0] =	wrdreg $0x0  }
0xa8: {  	s5 =	sshll.u32 s28, $0x1;
	[dreg:$0x2] =	wrdreg s3  }
0xa9: {  	[dreg:$0x3] =	wrdreg s5  }
0xaa: {  	[dreg:$0x4] =	wrdreg $0xC0  }
0xab: {  	_ =	task [dreg:s7], $0x5FFFF  }
0xac: {  	[dreg:$0x1] =	wrdreg $0xFFFFFFFF  }
0xad: {  	[dreg:$0x0] =	wrdreg $0x60  }
0xae: {  	[dreg:$0x2] =	wrdreg s24  }
0xaf: {  	[dreg:$0x3] =	wrdreg s2  }
0xb0: {  	[dreg:$0x4] =	wrdreg $0xA6000  }
0xb1: {  	[dreg:$0x5] =	wrdreg $0x9  }
0xb2: {  	_ =	task.clear_ibuf [dreg:s7], $0x6FFFF;
	_ =	strace $0x9000004F  }
0xb3: {  	s29 =	simm.s32 $0x9;
	_ =	strace $0x80000051  }
0xb4: {  	_ =	swait.ge [sflag:s29], $0x1  }
0xb5: {  	[sflag:s29] =	ssyncadd.s32 $0xFFFFFFFF  }
0xb6: {  	_ =	strace $0x90000051  }
0xb7: {  	_ =	sfence  }
0xb8: {  	s30 =	sld [smem:$0x0];
	_ =	sdelay $0x2  }
0xb9: {  	s31 =	sshll.u32 s1, $0xD;
	s1 =	sshrl.u32 s1, $0x2  }
0xba: {  	s3 =	sand.u32 $0x4000, s31;
	s1 =	sadd.s32 s1, s30  }
0xbb: {  	s0 =	sor.u32 s3, s0;
	s1 =	sshll.u32 s1, $0x11  }
0xbc: {  	s0 =	sor.u32 s1, s0  }
0xbd: {  	s0 =	sadd.s32 $0x8F2B, s0  }
0xbe: {  	[sflag:s0] =	ssyncadd.remote.s32 $0x1  }
0xbf: {  	_ =	sfence.sel $0xFFFF  }
0xc0: {  	[dreg:$0x0] =	wrdreg $0xFFFFFFFF;
	(pc) =	sbr.abs _section_cstart, $3  }
0xc1: {  	[dreg:$0x1] =	wrdreg $0xFFFFFFFF  }
0xc2: {  	_ =	task.clear_ibuf [dreg:s7], $0x2FFFF;
	_ =	strace $0x9FFFFFFF  }
0xc3: {  	(tm) =	ssettm $0x7FFFFFFF  }
tec
execute0_lowered:
.L_overlay_start_1:
0x0: {  	(tag) =	ssettag $0x1  }
0x1: {  	s6 =	rddreg [dreg:$0x0]  }
0x2: {  	s18 =	rddreg [dreg:$0x1]  }
0x3: {  	s0 =	srdreg.scid;
	s2 =	rddreg [dreg:$0x2]  }
0x4: {  	s1 =	rddreg [dreg:$0x3];
	s7 =	sand.u32 $0x1, s0  }
0x5: {  	s0 =	stileid.u32;
	s4 =	smul.u32 $0x27100, s7  }
0x6: {  	s3 =	simm.s32 $0x0;
	s23 =	simm.s32 $0x200;
	s5 =	smul.u32 $0x2710, s0  }
0x7: {  	s24 =	simm.s32 $0x1;
	s25 =	simm.s32 $0x0;
	s8 =	smul.u32 $0x50000, s0  }
0x8: {  	[smem:$0x7FF] =	sst s3;
	s15 =	sadd.s32 $0x34000, s6;
	s10 =	smul.u32 $0x14000, s0  }
0x9: {  	_ =	strace $0x80000050;
	s9 =	ssub.s32 $0x2, s7;
	s20 =	smul.u32 $0x140000, s7  }
0xa: {  	s31 =	sshrl.u32 s9, $0x1;
	s4 =	sadd.s32 s5, s4;
	s5 =	sadd.s32 $0x33800, s6  }
0xb: {  	s8 =	sshrl.u32 s8, $0x2;
	s16 =	ssub.s32 s9, s31;
	s11 =	sadd.s32 $0x4000, s10  }
0xc: {  	s13 =	sadd.s32 $0x8000, s10;
	s14 =	sadd.s32 $0xC000, s10;
	s21 =	sadd.s32 $0x10000, s10  }
0xd: {  	s12 =	sadd.s32 s10, s20;
	s19 =	sshrl.u32 s4, $0x3;
	s4 =	sadd.s32 $0xC600, s6  }
0xe: {  	s7 =	sadd.s32 s11, s2;
	s9 =	sadd.s32 s14, s2;
	s11 =	sadd.s32 s20, s11  }
0xf: {  	s10 =	sadd.s32 s21, s2;
	s12 =	sshrl.u32 s12, $0x3;
	s14 =	sadd.s32 s20, s14  }
0x10: {  	s16 =	smax.u32 s16, $0x1;
	s17 =	sadd.s32 s19, s6;
	s6 =	sadd.s32 s8, s2  }
0x11: {  	s8 =	sadd.s32 s13, s2;
	s22 =	sshrl.u32 s11, $0x3;
	s11 =	sadd.s32 s15, s12  }
0x12: {  	s13 =	sadd.s32 s20, s13;
	s20 =	sadd.s32 s20, s21;
	s14 =	sshrl.u32 s14, $0x3  }
0x13: {  	s18 =	sadd.s32 s19, s18;
	s19 =	simm.s32 $0x6600;
	s21 =	simm.s32 $0x100  }
0x14: {  	s12 =	sadd.s32 s15, s22;
	s13 =	sshrl.u32 s13, $0x3;
	s20 =	sshrl.u32 s20, $0x3  }
0x15: {  	s14 =	sadd.s32 s15, s14;
	s17 =	sadd.s32 $0x2800, s17;
	s22 =	simm.s32 $0xC8  }
0x16: {  	s13 =	sadd.s32 s15, s13;
	s15 =	sadd.s32 s15, s20;
	s20 =	simm.s32 $0x2  }
.LBB2_1:
0x17: {  	[tilespmem:s19], [sflag:$0x2] =	stream.linear.gather [hbm4b:s5+s3], $0x4000, $0x38;
	[tilespmem:$0x1E600] =	vst v63  }
0x18: {  	_ =	swait.ge [sflag:s20], $0x4000  }
0x19: {  	[sflag:s20] =	ssyncset.done $0x0  }
0x1a: {  	[sflag:s20] =	ssyncadd.s32 $0xFFFFC000  }
0x1b: {  	[spmem:s6] =	stream.linear.scatter [tilespmem:s19], [sflag:$0x2], $0x4000, $0x38;
	[tilespmem:$0x1E600] =	vst v63  }
0x1c: {  	_ =	swait.ge [sflag:s20], $0x4000  }
0x1d: {  	[sflag:s20] =	ssyncset.done $0x0  }
0x1e: {  	[sflag:s20] =	ssyncadd.s32 $0xFFFFC000  }
0x1f: {  	[spmem:s7] =	stream.linear.scatter [tilespmem:s19], [sflag:$0x2], $0x4000, $0x38;
	[tilespmem:$0x1E600] =	vst v63  }
0x20: {  	_ =	swait.ge [sflag:s20], $0x4000  }
0x21: {  	[sflag:s20] =	ssyncset.done $0x0  }
0x22: {  	[sflag:s20] =	ssyncadd.s32 $0xFFFFC000  }
0x23: {  	[spmem:s8] =	stream.linear.scatter [tilespmem:s19], [sflag:$0x2], $0x4000, $0x38;
	[tilespmem:$0x1E600] =	vst v63  }
0x24: {  	_ =	swait.ge [sflag:s20], $0x4000  }
0x25: {  	[sflag:s20] =	ssyncset.done $0x0  }
0x26: {  	[sflag:s20] =	ssyncadd.s32 $0xFFFFC000  }
0x27: {  	[spmem:s9] =	stream.linear.scatter [tilespmem:s19], [sflag:$0x2], $0x4000, $0x38;
	[tilespmem:$0x1E600] =	vst v63  }
0x28: {  	_ =	swait.ge [sflag:s20], $0x4000  }
0x29: {  	[sflag:s20] =	ssyncset.done $0x0  }
0x2a: {  	[sflag:s20] =	ssyncadd.s32 $0xFFFFC000  }
0x2b: {  	[spmem:s10] =	stream.linear.scatter [tilespmem:s19], [sflag:$0x2], $0x4000, $0x38;
	[tilespmem:$0x1E600] =	vst v63  }
0x2c: {  	_ =	swait.ge [sflag:s20], $0x4000  }
0x2d: {  	[sflag:s20] =	ssyncset.done $0x0  }
0x2e: {  	[sflag:s20] =	ssyncadd.s32 $0xFFFFC000  }
0x2f: {  	s26 =	sadd.s32 $0x0, s18;
	[bflag:$0x0] =	sbarrier.arrive $0xFFFF  }
0x30: {  	[tilespmem:s3], [sflag:$0x2] =	stream.linear.gather [hbm4b:s26+s3], $0xC8, $0x38;
	[tilespmem:$0x1E600] =	vst v63  }
0x31: {  	_ =	swait.ge [sflag:s20], $0xC8  }
0x32: {  	[sflag:s20] =	ssyncset.done $0x0  }
0x33: {  	s31 =	sadd.s32 $0x0, s17;
	[sflag:s20] =	ssyncadd.s32 $0xFFFFFF38  }
0x34: {  	[tilespmem:s21], [sflag:$0x2] =	stream.linear.gather [hbm4b:s31+s3], $0xC8, $0x38;
	[tilespmem:$0x1E600] =	vst v63  }
0x35: {  	_ =	swait.ge [sflag:s20], $0xC8  }
0x36: {  	[sflag:s20] =	ssyncset.done $0x0  }
0x37: {  	[sflag:s20] =	ssyncadd.s32 $0xFFFFFF38  }
0x38: {  	[tilespmem:s23], [sflag:$0x1] =	stream.indirect.gather [hbm4b:s4+s22], $0x80, s3, s22, $0xb8;
	[tilespmem:$0x1E600] =	vst v63  }
0x39: {  	_ =	swait.ge [sflag:s24], $0x6400  }
0x3a: {  	[sflag:s24] =	ssyncset.done $0x0  }
0x3b: {  	[sflag:s24] =	ssyncadd.s32 $0xFFFF9C00  }
0x3c: {  	[spmem:s2] =	stream.indirect.scatter.add.f32 [tilespmem:s23], [sflag:$0x2], $0x80, s21, s22, $0xb8;
	[tilespmem:$0x1E600] =	vst v63  }
0x3d: {  	_ =	swait.ge [sflag:s20], $0x6400  }
0x3e: {  	s28 =	simm.s32 $0x32;
	s26 =	simm.s32 $0x19;
	[sflag:s20] =	ssyncset.done $0x0  }
.LBB2_2:
0x3f: {  	s29 =	sadd.s32 s26, s18  }
0x40: {  	[sflag:s20] =	ssyncadd.s32 $0xFFFF9C00;
	s30 =	smov.u32 s28;
	s31 =	sadd.s32 $0x19, s28  }
0x41: {  	[tilespmem:s3], [sflag:$0x2] =	stream.linear.gather [hbm4b:s29+s3], $0xC8, $0x38;
	[tilespmem:$0x1E600] =	vst v63  }
0x42: {  	p0 =	sne.s32 s28, $0x4C9;
	_ =	swait.ge [sflag:s20], $0xC8  }
0x43: {  	[sflag:s20] =	ssyncset.done $0x0  }
0x44: {  	s28 =	sadd.s32 s26, s17;
	s26 =	smov.u32 s30;
	[sflag:s20] =	ssyncadd.s32 $0xFFFFFF38  }
0x45: {  	[tilespmem:s21], [sflag:$0x2] =	stream.linear.gather [hbm4b:s28+s3], $0xC8, $0x38;
	[tilespmem:$0x1E600] =	vst v63  }
0x46: {  	_ =	swait.ge [sflag:s20], $0xC8  }
0x47: {  	[sflag:s20] =	ssyncset.done $0x0  }
0x48: {  	[sflag:s20] =	ssyncadd.s32 $0xFFFFFF38  }
0x49: {  	[tilespmem:s23], [sflag:$0x1] =	stream.indirect.gather [hbm4b:s4+s22], $0x80, s3, s22, $0xb8;
	[tilespmem:$0x1E600] =	vst v63  }
0x4a: {  	_ =	swait.ge [sflag:s24], $0x6400  }
.Ltmp0:
0x4b: {  	[sflag:s24] =	ssyncset.done $0x0;
	(pc) =	sbr.rel @p0 .LBB2_2-.Ltmp0, $4  }
0x4c: {  	[sflag:s24] =	ssyncadd.s32 $0xFFFF9C00  }
0x4d: {  	[spmem:s2] =	stream.indirect.scatter.add.f32 [tilespmem:s23], [sflag:$0x2], $0x80, s21, s22, $0xb8;
	[tilespmem:$0x1E600] =	vst v63  }
0x4e: {  	_ =	swait.ge [sflag:s20], $0x6400  }
0x4f: {  	s28 =	smov.u32 s31;
	[sflag:s20] =	ssyncset.done $0x0  }
0x50: {  	s28 =	sadd.s32 s26, s18;
	[sflag:s20] =	ssyncadd.s32 $0xFFFF9C00  }
0x51: {  	[tilespmem:s3], [sflag:$0x2] =	stream.linear.gather [hbm4b:s28+s3], $0xC8, $0x38;
	[tilespmem:$0x1E600] =	vst v63  }
0x52: {  	_ =	swait.ge [sflag:s20], $0xC8  }
0x53: {  	[sflag:s20] =	ssyncset.done $0x0  }
0x54: {  	s31 =	sadd.s32 s26, s17;
	[sflag:s20] =	ssyncadd.s32 $0xFFFFFF38  }
0x55: {  	[tilespmem:s21], [sflag:$0x2] =	stream.linear.gather [hbm4b:s31+s3], $0xC8, $0x38;
	[tilespmem:$0x1E600] =	vst v63  }
0x56: {  	_ =	swait.ge [sflag:s20], $0xC8  }
0x57: {  	[sflag:s20] =	ssyncset.done $0x0  }
0x58: {  	[sflag:s20] =	ssyncadd.s32 $0xFFFFFF38  }
0x59: {  	[tilespmem:s23], [sflag:$0x1] =	stream.indirect.gather [hbm4b:s4+s22], $0x80, s3, s22, $0xb8;
	[tilespmem:$0x1E600] =	vst v63  }
0x5a: {  	_ =	swait.ge [sflag:s24], $0x6400  }
0x5b: {  	[sflag:s24] =	ssyncset.done $0x0  }
0x5c: {  	[sflag:s24] =	ssyncadd.s32 $0xFFFF9C00  }
0x5d: {  	[spmem:s2] =	stream.indirect.scatter.add.f32 [tilespmem:s23], [sflag:$0x2], $0x80, s21, s22, $0xb8;
	[tilespmem:$0x1E600] =	vst v63  }
0x5e: {  	_ =	swait.ge [sflag:s20], $0x6400  }
0x5f: {  	[sflag:s20] =	ssyncset.done $0x0  }
0x60: {  	[sflag:s20] =	ssyncadd.s32 $0xFFFF9C00  }
0x61: {  	[bflag:$0x0] =	sbarrier.arrive $0xFFFF  }
0x62: {  	[tilespmem:s19], [sflag:$0x2] =	stream.linear.gather [spmem:s6], $0x4000, $0x38;
	[tilespmem:$0x1E600] =	vst v63  }
0x63: {  	_ =	swait.ge [sflag:s20], $0x4000  }
0x64: {  	[sflag:s20] =	ssyncset.done $0x0  }
0x65: {  	[sflag:s20] =	ssyncadd.s32 $0xFFFFC000  }
0x66: {  	[hbm4b:s11+s3] =	stream.linear.scatter [tilespmem:s19], [sflag:$0x2], $0x4000, $0x38;
	[tilespmem:$0x1E600] =	vst v63  }
0x67: {  	_ =	swait.ge [sflag:s20], $0x4000  }
0x68: {  	[sflag:s20] =	ssyncset.done $0x0  }
0x69: {  	[sflag:s20] =	ssyncadd.s32 $0xFFFFC000  }
0x6a: {  	[tilespmem:s19], [sflag:$0x2] =	stream.linear.gather [spmem:s7], $0x4000, $0x38;
	[tilespmem:$0x1E600] =	vst v63  }
0x6b: {  	_ =	swait.ge [sflag:s20], $0x4000  }
0x6c: {  	[sflag:s20] =	ssyncset.done $0x0  }
0x6d: {  	[sflag:s20] =	ssyncadd.s32 $0xFFFFC000  }
0x6e: {  	[hbm4b:s12+s3] =	stream.linear.scatter [tilespmem:s19], [sflag:$0x2], $0x4000, $0x38;
	[tilespmem:$0x1E600] =	vst v63  }
0x6f: {  	_ =	swait.ge [sflag:s20], $0x4000  }
0x70: {  	[sflag:s20] =	ssyncset.done $0x0  }
0x71: {  	[sflag:s20] =	ssyncadd.s32 $0xFFFFC000  }
0x72: {  	[tilespmem:s19], [sflag:$0x2] =	stream.linear.gather [spmem:s8], $0x4000, $0x38;
	[tilespmem:$0x1E600] =	vst v63  }
0x73: {  	_ =	swait.ge [sflag:s20], $0x4000  }
0x74: {  	[sflag:s20] =	ssyncset.done $0x0  }
0x75: {  	[sflag:s20] =	ssyncadd.s32 $0xFFFFC000  }
0x76: {  	[hbm4b:s13+s3] =	stream.linear.scatter [tilespmem:s19], [sflag:$0x2], $0x4000, $0x38;
	[tilespmem:$0x1E600] =	vst v63  }
0x77: {  	_ =	swait.ge [sflag:s20], $0x4000  }
0x78: {  	[sflag:s20] =	ssyncset.done $0x0  }
0x79: {  	[sflag:s20] =	ssyncadd.s32 $0xFFFFC000  }
0x7a: {  	[tilespmem:s19], [sflag:$0x2] =	stream.linear.gather [spmem:s9], $0x4000, $0x38;
	[tilespmem:$0x1E600] =	vst v63  }
0x7b: {  	_ =	swait.ge [sflag:s20], $0x4000  }
0x7c: {  	[sflag:s20] =	ssyncset.done $0x0  }
0x7d: {  	[sflag:s20] =	ssyncadd.s32 $0xFFFFC000  }
0x7e: {  	[hbm4b:s14+s3] =	stream.linear.scatter [tilespmem:s19], [sflag:$0x2], $0x4000, $0x38;
	[tilespmem:$0x1E600] =	vst v63  }
0x7f: {  	_ =	swait.ge [sflag:s20], $0x4000  }
0x80: {  	[sflag:s20] =	ssyncset.done $0x0  }
0x81: {  	[sflag:s20] =	ssyncadd.s32 $0xFFFFC000  }
0x82: {  	[tilespmem:s19], [sflag:$0x2] =	stream.linear.gather [spmem:s10], $0x4000, $0x38;
	[tilespmem:$0x1E600] =	vst v63  }
0x83: {  	s25 =	sadd.s32 $0x1, s25;
	_ =	swait.ge [sflag:s20], $0x4000  }
0x84: {  	p0 =	sne.s32 s25, s16;
	[sflag:s20] =	ssyncset.done $0x0  }
.Ltmp1:
0x85: {  	[sflag:s20] =	ssyncadd.s32 $0xFFFFC000;
	(pc) =	sbr.rel @p0 .LBB2_1-.Ltmp1, $4  }
0x86: {  	[hbm4b:s15+s3] =	stream.linear.scatter [tilespmem:s19], [sflag:$0x2], $0x4000, $0x38;
	[tilespmem:$0x1E600] =	vst v63  }
0x87: {  	_ =	swait.ge [sflag:s20], $0x4000  }
0x88: {  	[sflag:s20] =	ssyncset.done $0x0  }
0x89: {  	[sflag:s20] =	ssyncadd.s32 $0xFFFFC000  }
0x8a: {  	_ =	sfence.sel $0x180000  }
0x8b: {  	[bflag:$0x0] =	sbarrier.arrive $0xFFFF  }
0x8c: {  	p0 =	sne.s32 s0, $0x0;
	_ =	strace $0x90000050  }
0x8d: {  	s0 =	sadd.s32 @!p0 $0x100000, s1;
	[bflag:$0x2] =	sbarrier.arrive $0xFFFF  }
0x8e: {  	[sflag:s0] =	ssyncadd.tile.s32 @!p0 $0x1;
	_ =	shalt  }
.Lfunc_end2:
_tile_overlayer_lowered:
.L_overlay_start_2:
0x8f: {  	(tag) =	ssettag $0x2  }
0x90: {  	s0 =	rddreg [dreg:$0x0];
	s2 =	stileid.u32  }
0x91: {  	s1 =	rddreg [dreg:$0x1];
	p0 =	sne.s32 s2, $0x0  }
0x92: {  	s3 =	rddreg [dreg:$0x2];
	[bflag:$0x3] =	sbarrier.arrive $0xFFFF;
	s2 =	simm.s32 @!p0 $0x1C02  }
0x93: {  	[timem:s3], [sflag:s2] =	dma.local @!p0 [hbm:s0], s1  }
0x94: {  	s0 =	simm.s32 @!p0 $0x2  }
0x95: {  	_ =	swait.ge @!p0 [sflag:s0], s1  }
0x96: {  	s1 =	ssub.s32 @!p0 $0x0, s1;
	[sflag:s0] =	ssyncset.done @!p0 $0x0  }
0x97: {  	[sflag:s0] =	ssyncadd.s32 @!p0 s1  }
0x98: {  	[bflag:$0x3] =	sbarrier.arrive $0xFFFF  }
0x99: {  	_ =	shalt  }

</sc_bundles>
